<compile_context>
chip_gen: v7x
topology: tpu7x:2x2x1
jax: 0.10.2.dev20260603
libtpu: 0.0.44.dev20260713+nightly
codegen_flags: <defaults>
</compile_context>

<pallas_src>
import functools

import jax
import jax.numpy as jnp
from jax import lax
from jax.experimental import pallas as pl
from jax.experimental.pallas import tpu as pltpu
from jax.experimental.pallas import tpu_sc as plsc

N = 10000
NP = 10240
D = 128
H = 256
HH = 128
G = 128
GP = 256
E = 320000
CH = 128
NS = 16
NC = 2
K_E = 157
KB = 16
NB = K_E // KB
EPT = K_E * CH
EP = EPT * NS
K_D = -(-E // (NC * NS * CH))
EP2 = K_D * CH * NC * NS
RPT = NP // NS
K_N = RPT // CH
GPT = GP // NS
CHN = 64
NPT2 = NP // (NC * NS)
K_G = NPT2 // CHN
NACC = NP + GP
APT = NACC // NS

_mesh = plsc.VectorSubcoreMesh(core_axis_name="c", subcore_axis_name="s")


def _f32(*shape):
    return jax.ShapeDtypeStruct(shape, jnp.float32)


@functools.partial(
    pl.kernel,
    out_type=_f32(NC * NP, HH),
    mesh=_mesh,
    scratch_types=[
        pltpu.VMEM_SHARED((NP, HH), jnp.float32),
        pltpu.VMEM((CH,), jnp.int32),
        pltpu.VMEM((1, CH), jnp.int32),
        pltpu.VMEM((CH, HH), jnp.float32),
        pltpu.SemaphoreType.DMA,
    ],
)
def _sc_spmm(h2, srcp2, dstp2, zrows, acc2, acc_s, src_i, dst_i, rows, sem):
    c = lax.axis_index("c")
    s = lax.axis_index("s")
    pltpu.sync_copy(zrows, acc_s.at[pl.ds(s * RPT, RPT)])
    plsc.subcore_barrier()
    base = c * EP + s * EPT
    based = s * EPT

    @pl.loop(0, K_E)
    def _chunk(j):
        off = pl.multiple_of(base + j * CH, 8)
        offd = pl.multiple_of(based + j * CH, 8)
        pltpu.sync_copy(srcp2.at[pl.ds(off, CH)], src_i)
        pltpu.sync_copy(dstp2.at[pl.ds(offd, CH)], dst_i.at[0])
        pltpu.async_copy(h2.at[src_i], rows, sem).wait()
        pltpu.sync_copy(rows, acc_s.at[dst_i.at[0]], add=True)

    plsc.subcore_barrier()
    pltpu.sync_copy(acc_s.at[pl.ds(s * RPT, RPT)],
                    acc2.at[pl.ds(c * NP + s * RPT, RPT)])


@functools.partial(
    pl.kernel,
    out_type=[_f32(NC * NP, HH), _f32(NC * GP, HH)],
    mesh=_mesh,
    scratch_types=[
        pltpu.VMEM_SHARED((NACC, HH), jnp.float32),
        pltpu.VMEM((1, CH), jnp.int32),
        pltpu.VMEM((1, CHN), jnp.int32),
        pltpu.VMEM((CH, HH), jnp.float32),
    ],
)
def _sc_counts(dstp2, boffp, ones_h, zrows, degp, gcntp, acc_s, dst_i, bat_i,
               ones_v):
    c = lax.axis_index("c")
    s = lax.axis_index("s")
    pltpu.sync_copy(ones_h, ones_v)
    pltpu.sync_copy(zrows, acc_s.at[pl.ds(s * APT, RPT)])
    pltpu.sync_copy(zrows.at[pl.ds(0, APT - RPT)],
                    acc_s.at[pl.ds(s * APT + RPT, APT - RPT)])
    plsc.subcore_barrier()
    wid = c * NS + s
    base_e = wid * (K_D * CH)

    @pl.loop(0, K_D)
    def _echunk(j):
        off = pl.multiple_of(base_e + j * CH, 8)
        pltpu.sync_copy(dstp2.at[pl.ds(off, CH)], dst_i.at[0])
        pltpu.sync_copy(ones_v, acc_s.at[dst_i.at[0]], add=True)

    base_n = wid * NPT2

    @pl.loop(0, K_G)
    def _nchunk(j):
        off = pl.multiple_of(base_n + j * CHN, 8)
        pltpu.sync_copy(boffp.at[pl.ds(off, CHN)], bat_i.at[0])
        pltpu.sync_copy(ones_v.at[pl.ds(0, CHN)], acc_s.at[bat_i.at[0]],
                        add=True)

    plsc.subcore_barrier()
    pltpu.sync_copy(acc_s.at[pl.ds(s * RPT, RPT)],
                    degp.at[pl.ds(c * NP + s * RPT, RPT)])
    pltpu.sync_copy(acc_s.at[pl.ds(NP + s * GPT, GPT)],
                    gcntp.at[pl.ds(c * GP + s * GPT, GPT)])


@functools.partial(
    pl.kernel,
    out_type=_f32(NC * GP, HH),
    mesh=_mesh,
    scratch_types=[
        pltpu.VMEM_SHARED((GP, HH), jnp.float32),
        pltpu.VMEM((1, CH), jnp.int32),
        pltpu.VMEM((CH, HH), jnp.float32),
    ],
)
def _sc_pool(h2, batch_p, zrows, gsum2, acc_s, dst_i, rows):
    c = lax.axis_index("c")
    s = lax.axis_index("s")
    pltpu.sync_copy(zrows.at[pl.ds(0, GPT)], acc_s.at[pl.ds(s * GPT, GPT)])
    plsc.subcore_barrier()
    base = s * RPT

    @pl.loop(0, K_N)
    def _chunk(j):
        off = pl.multiple_of(base + j * CH, 8)
        offh = pl.multiple_of(c * NP + base + j * CH, 8)
        pltpu.sync_copy(h2.at[pl.ds(offh, CH)], rows)
        pltpu.sync_copy(batch_p.at[pl.ds(off, CH)], dst_i.at[0])
        pltpu.sync_copy(rows, acc_s.at[dst_i.at[0]], add=True)

    plsc.subcore_barrier()
    pltpu.sync_copy(acc_s.at[pl.ds(s * GPT, GPT)],
                    gsum2.at[pl.ds(c * GP + s * GPT, GPT)])


def _emb_body(x_ref, w_ref, b_ref, o_ref):
    o_ref[...] = (jnp.dot(x_ref[...], w_ref[...],
                          preferred_element_type=jnp.float32) + b_ref[...])


def _emb_tc(x_p, w, b):
    return pl.pallas_call(
        _emb_body,
        grid=(NC, NP // RPT),
        in_specs=[
            pl.BlockSpec((RPT, D), lambda h, i: (i, 0)),
            pl.BlockSpec((D, HH), lambda h, i: (0, h)),
            pl.BlockSpec((1, HH), lambda h, i: (0, h)),
        ],
        out_specs=pl.BlockSpec((RPT, HH), lambda h, i: (h * (NP // RPT) + i, 0)),
        out_shape=_f32(NC * NP, HH),
    )(x_p, w, b)


def _layer_body(do_relu, aa_ref, ab_ref, ha_ref, hb_ref, da_ref, db_ref,
                relw_ref, root_ref, b_ref, o_ref):
    r = 1.0 / jnp.maximum(da_ref[:, :1] + db_ref[:, :1], 1.0)
    out = (
        jnp.dot(aa_ref[...] * r, relw_ref[:HH, :],
                preferred_element_type=jnp.float32)
        + jnp.dot(ab_ref[...] * r, relw_ref[HH:, :],
                  preferred_element_type=jnp.float32)
        + jnp.dot(ha_ref[...], root_ref[:HH, :],
                  preferred_element_type=jnp.float32)
        + jnp.dot(hb_ref[...], root_ref[HH:, :],
                  preferred_element_type=jnp.float32)
        + b_ref[...]
    )
    if do_relu:
        out = jnp.maximum(out, 0.0)
    o_ref[...] = out


def _layer_tc(acc2, h2, degp, relw, root, b, do_relu):
    nb = NP // RPT
    return pl.pallas_call(
        functools.partial(_layer_body, do_relu),
        grid=(NC, nb),
        in_specs=[
            pl.BlockSpec((RPT, HH), lambda h, i: (i, 0)),
            pl.BlockSpec((RPT, HH), lambda h, i: (nb + i, 0)),
            pl.BlockSpec((RPT, HH), lambda h, i: (i, 0)),
            pl.BlockSpec((RPT, HH), lambda h, i: (nb + i, 0)),
            pl.BlockSpec((RPT, HH), lambda h, i: (i, 0)),
            pl.BlockSpec((RPT, HH), lambda h, i: (nb + i, 0)),
            pl.BlockSpec((H, HH), lambda h, i: (0, h)),
            pl.BlockSpec((H, HH), lambda h, i: (0, h)),
            pl.BlockSpec((1, HH), lambda h, i: (0, h)),
        ],
        out_specs=pl.BlockSpec((RPT, HH), lambda h, i: (h * nb + i, 0)),
        out_shape=_f32(NC * NP, HH),
    )(acc2, acc2, h2, h2, degp, degp, relw, root, b)


def _head_body(gs_ref, gc_ref, w0_ref, b0_ref, w1_ref, b1_ref, wmu_ref,
               wp_ref, bmu_ref, bp_ref, epsw_ref, epsb_ref, out_ref, kld_ref):
    rc = 1.0 / jnp.maximum(gc_ref[:G, :1] + gc_ref[GP:GP + G, :1], 1.0)
    ga = gs_ref[:G, :] * rc
    gb = gs_ref[GP:GP + G, :] * rc
    t = (jnp.dot(ga, w0_ref[:HH, :], preferred_element_type=jnp.float32)
         + jnp.dot(gb, w0_ref[HH:, :], preferred_element_type=jnp.float32)
         + b0_ref[...])
    t = jnp.maximum(t, 0.0)
    t = jnp.dot(t, w1_ref[...], preferred_element_type=jnp.float32) + b1_ref[...]
    t = jnp.maximum(t, 0.0)
    w_mu = wmu_ref[...]
    std_w = 1e-6 + jnp.log(1.0 + jnp.exp(wp_ref[...]))
    b_mu = bmu_ref[...]
    std_b = 1e-6 + jnp.log(1.0 + jnp.exp(bp_ref[...]))
    act_mu = jnp.dot(t, w_mu, preferred_element_type=jnp.float32)
    act_var = jnp.dot(t * t, std_w * std_w, preferred_element_type=jnp.float32)
    out_ref[...] = (act_mu + jnp.sqrt(act_var) * epsw_ref[...]
                    + (b_mu + std_b * epsb_ref[...]))
    kld_w = 0.5 * jnp.sum(2.0 * jnp.log(0.1 / std_w) - 1.0
                          + (std_w / 0.1) ** 2 + (w_mu / 0.1) ** 2)
    kld_b = 0.5 * jnp.sum(2.0 * jnp.log(0.1 / std_b) - 1.0
                          + (std_b / 0.1) ** 2 + (b_mu / 0.1) ** 2)
    kld_ref[...] = jnp.full((1, 1), kld_w + kld_b, jnp.float32)


def _head_tc(gsum2, gcnt2, w0, b0, w1, b1, w_mu, w_p, b_mu, b_p, eps_w,
             eps_b):
    return pl.pallas_call(
        _head_body,
        out_shape=[_f32(G, 1), _f32(1, 1)],
    )(gsum2, gcnt2, w0, b0, w1, b1, w_mu, w_p, b_mu, b_p, eps_w, eps_b)


def kernel(x, edge_index, edge_attr, batch, params):
    src = edge_index[0]
    dst = edge_index[1]
    srcp = jnp.concatenate([src, jnp.zeros((EP - E,), jnp.int32)])
    srcp2 = jnp.concatenate([srcp, srcp + NP, jnp.zeros((CH,), jnp.int32)])
    dste = jnp.concatenate([dst, jnp.full((EP - E,), N, jnp.int32)])
    dstp = jnp.concatenate([dst, jnp.full((EP2 - E,), N, jnp.int32)])
    batch_p = jnp.concatenate([batch, jnp.full((NP - N,), G, jnp.int32)])
    boffp = batch_p + NP
    x_p = jnp.concatenate([x, jnp.zeros((NP - N, D), jnp.float32)])
    zrows = jnp.zeros((RPT, HH), jnp.float32)
    ones_h = jnp.ones((CH, HH), jnp.float32)
    eps_w = jax.random.normal(jax.random.key(1234), (G, 1), dtype=jnp.float32)
    eps_b = jax.random.normal(jax.random.key(5678), (1,),
                              dtype=jnp.float32).reshape(1, 1)

    h2 = _emb_tc(x_p, params['emb_W'], params['emb_b'].reshape(1, H))
    degp, gcntp = _sc_counts(dstp, boffp, ones_h, zrows)

    n_layers = len(params['gcn'])
    for i, p in enumerate(params['gcn']):
        acc2 = _sc_spmm(h2, srcp2, dste, zrows)
        h2 = _layer_tc(acc2, h2, degp, p['relW'], p['root'],
                       p['bias'].reshape(1, H), i < n_layers - 1)

    gsum2 = _sc_pool(h2, batch_p, zrows)
    out, kld = _head_tc(
        gsum2, gcntp, params['lin0_W'], params['lin0_b'].reshape(1, H),
        params['lin1_W'], params['lin1_b'].reshape(1, H), params['w_mu'],
        params['w_p'], params['b_mu'].reshape(1, 1),
        params['b_p'].reshape(1, 1), eps_w, eps_b)
    return out, kld[0, 0], 0

# --- scband reference (transcript-rebuilt; emitter-appended) ---
"""Pipeline reference for scband-rgcnpredictor-bbp-66400194396188 (READ-ONLY COPY).

The authoritative reference and input builder live on the scoring server;
editing this copy changes nothing except your own understanding.
"""

import jax, jax.numpy as jnp
import numpy as np

N_NODES = 10000
N_EDGES = 320000
D_FEAT = 128
H = 256
NUM_GRAPHS = 128
OUT_DIM = 1
PRIOR_SIG = 0.1


def _uniform(k, shape, lo, hi):
    return jax.random.uniform(k, shape, dtype=jnp.float32, minval=lo, maxval=hi)


def setup_inputs(seed: int = 0) -> dict:
    key = jax.random.key(seed)
    ks = jax.random.split(key, 40)
    x = jax.random.normal(ks[0], (N_NODES, D_FEAT), dtype=jnp.float32)
    edge_index = jax.random.randint(ks[1], (2, N_EDGES), 0, N_NODES, dtype=jnp.int32)
    edge_attr = jnp.zeros((N_EDGES,), dtype=jnp.int32)  # edge_type; num_relations=1 so all zeros
    batch = jnp.sort(jax.random.randint(ks[2], (N_NODES,), 0, NUM_GRAPHS, dtype=jnp.int32))
    gcn = []
    for i in range(4):
        gcn.append({
            'relW': _uniform(ks[5 + 3 * i], (H, H), -0.1, 0.1),
            'root': _uniform(ks[6 + 3 * i], (H, H), -0.1, 0.1),
            'bias': _uniform(ks[7 + 3 * i], (H,), -0.1, 0.1),
        })
    params = {
        'emb_W': _uniform(ks[3], (D_FEAT, H), -0.1, 0.1),
        'emb_b': _uniform(ks[4], (H,), -0.1, 0.1),
        'gcn': gcn,
        'lin0_W': _uniform(ks[20], (H, H), -0.1, 0.1),
        'lin0_b': _uniform(ks[21], (H,), -0.1, 0.1),
        'lin1_W': _uniform(ks[22], (H, H), -0.1, 0.1),
        'lin1_b': _uniform(ks[23], (H,), -0.1, 0.1),
        'w_mu': _uniform(ks[24], (H, OUT_DIM), -0.1, 0.1),
        'w_p': _uniform(ks[25], (H, OUT_DIM), -3.0, -2.0),
        'b_mu': _uniform(ks[26], (OUT_DIM,), -0.1, 0.1),
        'b_p': _uniform(ks[27], (OUT_DIM,), -3.0, -2.0),
    }
    return {'x': x, 'edge_index': edge_index, 'edge_attr': edge_attr, 'batch': batch, 'params': params}


def _segment_mean(data, seg, num):
    s = jax.ops.segment_sum(data, seg, num_segments=num)
    c = jax.ops.segment_sum(jnp.ones((data.shape[0],), dtype=data.dtype), seg, num_segments=num)
    return s / jnp.clip(c, 1.0)[:, None]


def _kld_cost(mu_p, sig_p, mu_q, sig_q):
    return 0.5 * (2.0 * jnp.log(sig_p / sig_q) - 1.0 + (sig_q / sig_p) ** 2 + ((mu_p - mu_q) / sig_p) ** 2).sum()


def reference(x, edge_index, edge_attr, batch, params):
    # dropout is identity (eval mode)
    src, dst = edge_index[0], edge_index[1]
    h = x @ params['emb_W'] + params['emb_b']  # node_embedding (Linear, num_relations==1)
    n_layers = len(params['gcn'])
    for i, p in enumerate(params['gcn']):
        # RGCNConv, num_relations=1 (edge_attr all zeros -> relation 0 for every edge):
        # mean-aggregate neighbor features per relation, then relation weight + root + bias
        agg = _segment_mean(h[src], dst, N_NODES)
        h_new = agg @ p['relW'] + h @ p['root'] + p['bias']
        h = jax.nn.relu(h_new) if i < n_layers - 1 else h_new
    g = _segment_mean(h, batch, NUM_GRAPHS)  # global_mean_pool
    g = jax.nn.relu(g @ params['lin0_W'] + params['lin0_b'])
    g = jax.nn.relu(g @ params['lin1_W'] + params['lin1_b'])
    # BayesLinear_local_reparam
    std_w = 1e-6 + jax.nn.softplus(params['w_p'])
    std_b = 1e-6 + jax.nn.softplus(params['b_p'])
    act_w_mu = g @ params['w_mu']
    act_w_std = jnp.sqrt((g ** 2) @ (std_w ** 2))
    eps_w = jax.random.normal(jax.random.key(1234), act_w_std.shape, dtype=jnp.float32)
    eps_b = jax.random.normal(jax.random.key(5678), std_b.shape, dtype=jnp.float32)
    out = act_w_mu + act_w_std * eps_w + (params['b_mu'] + std_b * eps_b)[None, :]
    kld = _kld_cost(0.0, PRIOR_SIG, params['w_mu'], std_w) + _kld_cost(0.0, 0.1, params['b_mu'], std_b)
    return (out, kld, 0)

if __name__ == "__main__":
    import jax
    _d = setup_inputs()
    print(jax.jit(kernel)(*tuple(_d.values())))

</pallas_src>

<mosaic_0001>
#map = affine_map<(d0, d1) -> (0, 0)>
#map1 = affine_map<(d0, d1) -> (0)>
module attributes {stable_mosaic.version = 14 : i64} {
  func.func @_sc_spmm(%arg0: i32, %arg1: i32, %arg2: memref<20480x128xf32, #tpu.memory_space<hbm>>, %arg3: memref<643200xi32, #tpu.memory_space<hbm>>, %arg4: memref<321536xi32, #tpu.memory_space<hbm>>, %arg5: memref<640x128xf32, #tpu.memory_space<hbm>>, %arg6: memref<20480x128xf32, #tpu.memory_space<hbm>>, %arg7: memref<10240x128xf32, #tpu.memory_space<vmem_shared>>, %arg8: memref<128xi32, #tpu.memory_space<vmem>>, %arg9: memref<1x128xi32, #tpu.memory_space<vmem>>, %arg10: memref<128x128xf32, #tpu.memory_space<vmem>>, %arg11: memref<!tpu.dma_semaphore, #tpu.memory_space<semaphore_mem>>) attributes {dimension_semantics = [#tpu.dimension_semantics<core_parallel>, #tpu.dimension_semantics<subcore_parallel>], iteration_bounds = array<i64: 2, 16>, scalar_prefetch = 0 : i64, scratch_operands = 5 : i64, tpu.core_type = #tpu.core_type<sc_vector_subcore>, window_params = [{transform_indices = #map}, {transform_indices = #map1}, {transform_indices = #map1}, {transform_indices = #map}, {transform_indices = #map}]} {
    %mul3A = arith.constant 640 : i32
    %mul3A_0 = arith.muli %arg1, %mul3A : i32
    "tpu.region"() ({
      %run_scoped3A = tpu.sem_alloc : memref<!tpu.dma_semaphore, #tpu.memory_space<semaphore_mem>>
      %dma_start3A = arith.constant 0 : i32
      %dma_start3A_19 = tpu.memref_slice %arg7[%mul3A_0, %dma_start3A] : memref<10240x128xf32, #tpu.memory_space<vmem_shared>> -> memref<640x128xf32, #tpu.memory_space<vmem_shared>>
      tpu.enqueue_dma source(%arg5 : memref<640x128xf32, #tpu.memory_space<hbm>>) target(%dma_start3A_19 : memref<640x128xf32, #tpu.memory_space<vmem_shared>>) target_semaphore(%run_scoped3A : memref<!tpu.dma_semaphore, #tpu.memory_space<semaphore_mem>>)
      %dma_wait3A = arith.constant 0 : i32
      %dma_wait3A_20 = tpu.memref_slice %arg7[%mul3A_0, %dma_wait3A] : memref<10240x128xf32, #tpu.memory_space<vmem_shared>> -> memref<640x128xf32, #tpu.memory_space<vmem_shared>>
      tpu.wait_dma2 semaphore(%run_scoped3A : memref<!tpu.dma_semaphore, #tpu.memory_space<semaphore_mem>>) src(%arg5 : memref<640x128xf32, #tpu.memory_space<hbm>>) dst(%dma_wait3A_20 : memref<640x128xf32, #tpu.memory_space<vmem_shared>>)
      tpu.yield
    }) : () -> ()
    %barrier3A = arith.constant 0 : index
    tpu.barrier barrier_id(%barrier3A)
    %mul3A_1 = arith.constant 321536 : i32
    %mul3A_2 = arith.muli %arg0, %mul3A_1 : i32
    %mul3A_3 = arith.constant 20096 : i32
    %mul3A_4 = arith.muli %arg1, %mul3A_3 : i32
    %add3A = arith.addi %mul3A_2, %mul3A_4 : i32
    %mul3A_5 = arith.constant 20096 : i32
    %mul3A_6 = arith.muli %arg1, %mul3A_5 : i32
    %scan3A = arith.constant 0 : i32
    %scan3A_7 = arith.constant 157 : i32
    %scan3A_8 = arith.addi %scan3A, %scan3A_7 : i32
    %scan3A_9 = arith.constant 1 : i32
    scf.for %scan3A_19 = %scan3A to %scan3A_8 step %scan3A_9  : i32 {
      %mul3A_20 = arith.constant 1 : i32
      %mul3A_21 = arith.muli %scan3A_19, %mul3A_20 : i32
      %add3A_22 = arith.constant 0 : i32
      %add3A_23 = arith.addi %add3A_22, %mul3A_21 : i32
      %mul3A_24 = arith.constant 128 : i32
      %mul3A_25 = arith.muli %add3A_23, %mul3A_24 : i32
      %add3A_26 = arith.addi %add3A, %mul3A_25 : i32
      %multiple_of3A = tpu.assume_multiple %add3A_26, 8 : i32
      %mul3A_27 = arith.constant 128 : i32
      %mul3A_28 = arith.muli %add3A_23, %mul3A_27 : i32
      %add3A_29 = arith.addi %mul3A_6, %mul3A_28 : i32
      %multiple_of3A_30 = tpu.assume_multiple %add3A_29, 8 : i32
      "tpu.region"() ({
        %run_scoped3A_36 = tpu.sem_alloc : memref<!tpu.dma_semaphore, #tpu.memory_space<semaphore_mem>>
        %dma_start3A_37 = tpu.memref_slice %arg3[%multiple_of3A] : memref<643200xi32, #tpu.memory_space<hbm>> -> memref<128xi32, #tpu.memory_space<hbm>>
        %dma_start3A_38 = tpu.memref_slice %arg3[%multiple_of3A] : memref<643200xi32, #tpu.memory_space<hbm>> -> memref<128xi32, #tpu.memory_space<hbm>>
        tpu.enqueue_dma source(%dma_start3A_38 : memref<128xi32, #tpu.memory_space<hbm>>) target(%arg8 : memref<128xi32, #tpu.memory_space<vmem>>) target_semaphore(%run_scoped3A_36 : memref<!tpu.dma_semaphore, #tpu.memory_space<semaphore_mem>>)
        %dma_wait3A_39 = tpu.memref_slice %arg3[%multiple_of3A] : memref<643200xi32, #tpu.memory_space<hbm>> -> memref<128xi32, #tpu.memory_space<hbm>>
        %dma_wait3A_40 = tpu.memref_slice %arg3[%multiple_of3A] : memref<643200xi32, #tpu.memory_space<hbm>> -> memref<128xi32, #tpu.memory_space<hbm>>
        tpu.wait_dma2 semaphore(%run_scoped3A_36 : memref<!tpu.dma_semaphore, #tpu.memory_space<semaphore_mem>>) src(%dma_wait3A_40 : memref<128xi32, #tpu.memory_space<hbm>>) dst(%arg8 : memref<128xi32, #tpu.memory_space<vmem>>)
        tpu.yield
      }) : () -> ()
      %run_scoped3A = arith.constant 0 : i32
      "tpu.region"() ({
        %run_scoped3A_36 = tpu.sem_alloc : memref<!tpu.dma_semaphore, #tpu.memory_space<semaphore_mem>>
        %dma_start3A_37 = arith.constant 0 : i32
        %dma_start3A_38 = tpu.memref_slice %arg9[%run_scoped3A, %dma_start3A_37] : memref<1x128xi32, #tpu.memory_space<vmem>> -> memref<1x128xi32, #tpu.memory_space<vmem>>
        %dma_start3A_39 = tpu.memref_squeeze %dma_start3A_38 : memref<1x128xi32, #tpu.memory_space<vmem>> -> memref<128xi32, #tpu.memory_space<vmem>>
        %dma_start3A_40 = tpu.memref_slice %arg4[%multiple_of3A_30] : memref<321536xi32, #tpu.memory_space<hbm>> -> memref<128xi32, #tpu.memory_space<hbm>>
        %dma_start3A_41 = arith.constant 0 : i32
        %dma_start3A_42 = tpu.memref_slice %arg9[%run_scoped3A, %dma_start3A_41] : memref<1x128xi32, #tpu.memory_space<vmem>> -> memref<1x128xi32, #tpu.memory_space<vmem>>
        %dma_start3A_43 = tpu.memref_squeeze %dma_start3A_42 : memref<1x128xi32, #tpu.memory_space<vmem>> -> memref<128xi32, #tpu.memory_space<vmem>>
        %dma_start3A_44 = tpu.memref_slice %arg4[%multiple_of3A_30] : memref<321536xi32, #tpu.memory_space<hbm>> -> memref<128xi32, #tpu.memory_space<hbm>>
        tpu.enqueue_dma source(%dma_start3A_44 : memref<128xi32, #tpu.memory_space<hbm>>) target(%dma_start3A_43 : memref<128xi32, #tpu.memory_space<vmem>>) target_semaphore(%run_scoped3A_36 : memref<!tpu.dma_semaphore, #tpu.memory_space<semaphore_mem>>)
        %dma_wait3A_45 = arith.constant 0 : i32
        %dma_wait3A_46 = tpu.memref_slice %arg9[%run_scoped3A, %dma_wait3A_45] : memref<1x128xi32, #tpu.memory_space<vmem>> -> memref<1x128xi32, #tpu.memory_space<vmem>>
        %dma_wait3A_47 = tpu.memref_squeeze %dma_wait3A_46 : memref<1x128xi32, #tpu.memory_space<vmem>> -> memref<128xi32, #tpu.memory_space<vmem>>
        %dma_wait3A_48 = tpu.memref_slice %arg4[%multiple_of3A_30] : memref<321536xi32, #tpu.memory_space<hbm>> -> memref<128xi32, #tpu.memory_space<hbm>>
        %dma_wait3A_49 = arith.constant 0 : i32
        %dma_wait3A_50 = tpu.memref_slice %arg9[%run_scoped3A, %dma_wait3A_49] : memref<1x128xi32, #tpu.memory_space<vmem>> -> memref<1x128xi32, #tpu.memory_space<vmem>>
        %dma_wait3A_51 = tpu.memref_squeeze %dma_wait3A_50 : memref<1x128xi32, #tpu.memory_space<vmem>> -> memref<128xi32, #tpu.memory_space<vmem>>
        %dma_wait3A_52 = tpu.memref_slice %arg4[%multiple_of3A_30] : memref<321536xi32, #tpu.memory_space<hbm>> -> memref<128xi32, #tpu.memory_space<hbm>>
        tpu.wait_dma2 semaphore(%run_scoped3A_36 : memref<!tpu.dma_semaphore, #tpu.memory_space<semaphore_mem>>) src(%dma_wait3A_52 : memref<128xi32, #tpu.memory_space<hbm>>) dst(%dma_wait3A_51 : memref<128xi32, #tpu.memory_space<vmem>>)
        tpu.yield
      }) : () -> ()
      %dma_start3A = arith.constant 0 : i32
      %dma_start3A_31 = arith.constant 0 : i32
      %dma_start3A_32 = tpu.memref_slice %arg2[%dma_start3A, %dma_start3A_31] : memref<20480x128xf32, #tpu.memory_space<hbm>> -> memref<20480x128xf32, #tpu.memory_space<hbm>>
      tpu.enqueue_indirect_dma source(%dma_start3A_32 : memref<20480x128xf32, #tpu.memory_space<hbm>>) target(%arg10 : memref<128x128xf32, #tpu.memory_space<vmem>>) offsets(%arg8 : memref<128xi32, #tpu.memory_space<vmem>>) semaphore(%arg11 : memref<!tpu.dma_semaphore, #tpu.memory_space<semaphore_mem>>)
      %dma_wait3A = arith.constant 0 : i32
      %dma_wait3A_33 = arith.constant 0 : i32
      %dma_wait3A_34 = tpu.memref_slice %arg2[%dma_wait3A, %dma_wait3A_33] : memref<20480x128xf32, #tpu.memory_space<hbm>> -> memref<20480x128xf32, #tpu.memory_space<hbm>>
      tpu.wait_indirect_dma semaphore(%arg11 : memref<!tpu.dma_semaphore, #tpu.memory_space<semaphore_mem>>) src(%dma_wait3A_34 : memref<20480x128xf32, #tpu.memory_space<hbm>>) dst(%arg10 : memref<128x128xf32, #tpu.memory_space<vmem>>)
      %run_scoped3A_35 = arith.constant 0 : i32
      "tpu.region"() ({
        %run_scoped3A_36 = tpu.sem_alloc : memref<!tpu.dma_semaphore, #tpu.memory_space<semaphore_mem>>
        %dma_start3A_37 = arith.constant 0 : i32
        %dma_start3A_38 = tpu.memref_slice %arg9[%run_scoped3A_35, %dma_start3A_37] : memref<1x128xi32, #tpu.memory_space<vmem>> -> memref<1x128xi32, #tpu.memory_space<vmem>>
        %dma_start3A_39 = tpu.memref_squeeze %dma_start3A_38 : memref<1x128xi32, #tpu.memory_space<vmem>> -> memref<128xi32, #tpu.memory_space<vmem>>
        %dma_start3A_40 = arith.constant 0 : i32
        %dma_start3A_41 = arith.constant 0 : i32
        %dma_start3A_42 = tpu.memref_slice %arg7[%dma_start3A_40, %dma_start3A_41] : memref<10240x128xf32, #tpu.memory_space<vmem_shared>> -> memref<10240x128xf32, #tpu.memory_space<vmem_shared>>
        tpu.enqueue_indirect_dma source(%arg10 : memref<128x128xf32, #tpu.memory_space<vmem>>) target(%dma_start3A_42 : memref<10240x128xf32, #tpu.memory_space<vmem_shared>>) offsets(%dma_start3A_39 : memref<128xi32, #tpu.memory_space<vmem>>) semaphore(%run_scoped3A_36 : memref<!tpu.dma_semaphore, #tpu.memory_space<semaphore_mem>>) {add = true}
        %dma_wait3A_43 = arith.constant 0 : i32
        %dma_wait3A_44 = tpu.memref_slice %arg9[%run_scoped3A_35, %dma_wait3A_43] : memref<1x128xi32, #tpu.memory_space<vmem>> -> memref<1x128xi32, #tpu.memory_space<vmem>>
        %dma_wait3A_45 = tpu.memref_squeeze %dma_wait3A_44 : memref<1x128xi32, #tpu.memory_space<vmem>> -> memref<128xi32, #tpu.memory_space<vmem>>
        %dma_wait3A_46 = arith.constant 0 : i32
        %dma_wait3A_47 = arith.constant 0 : i32
        %dma_wait3A_48 = tpu.memref_slice %arg7[%dma_wait3A_46, %dma_wait3A_47] : memref<10240x128xf32, #tpu.memory_space<vmem_shared>> -> memref<10240x128xf32, #tpu.memory_space<vmem_shared>>
        tpu.wait_indirect_dma semaphore(%run_scoped3A_36 : memref<!tpu.dma_semaphore, #tpu.memory_space<semaphore_mem>>) src(%arg10 : memref<128x128xf32, #tpu.memory_space<vmem>>) dst(%dma_wait3A_48 : memref<10240x128xf32, #tpu.memory_space<vmem_shared>>)
        tpu.yield
      }) : () -> ()
    }
    %scan3A_10 = arith.constant 157 : i32
    %barrier3A_11 = arith.constant 0 : index
    tpu.barrier barrier_id(%barrier3A_11)
    %mul3A_12 = arith.constant 640 : i32
    %mul3A_13 = arith.muli %arg1, %mul3A_12 : i32
    %mul3A_14 = arith.constant 10240 : i32
    %mul3A_15 = arith.muli %arg0, %mul3A_14 : i32
    %mul3A_16 = arith.constant 640 : i32
    %mul3A_17 = arith.muli %arg1, %mul3A_16 : i32
    %add3A_18 = arith.addi %mul3A_15, %mul3A_17 : i32
    "tpu.region"() ({
      %run_scoped3A = tpu.sem_alloc : memref<!tpu.dma_semaphore, #tpu.memory_space<semaphore_mem>>
      %dma_start3A = arith.constant 0 : i32
      %dma_start3A_19 = tpu.memref_slice %arg6[%add3A_18, %dma_start3A] : memref<20480x128xf32, #tpu.memory_space<hbm>> -> memref<640x128xf32, #tpu.memory_space<hbm>>
      %dma_start3A_20 = arith.constant 0 : i32
      %dma_start3A_21 = tpu.memref_slice %arg7[%mul3A_13, %dma_start3A_20] : memref<10240x128xf32, #tpu.memory_space<vmem_shared>> -> memref<640x128xf32, #tpu.memory_space<vmem_shared>>
      tpu.enqueue_dma source(%dma_start3A_21 : memref<640x128xf32, #tpu.memory_space<vmem_shared>>) target(%dma_start3A_19 : memref<640x128xf32, #tpu.memory_space<hbm>>) target_semaphore(%run_scoped3A : memref<!tpu.dma_semaphore, #tpu.memory_space<semaphore_mem>>)
      %dma_wait3A = arith.constant 0 : i32
      %dma_wait3A_22 = tpu.memref_slice %arg6[%add3A_18, %dma_wait3A] : memref<20480x128xf32, #tpu.memory_space<hbm>> -> memref<640x128xf32, #tpu.memory_space<hbm>>
      %dma_wait3A_23 = arith.constant 0 : i32
      %dma_wait3A_24 = tpu.memref_slice %arg7[%mul3A_13, %dma_wait3A_23] : memref<10240x128xf32, #tpu.memory_space<vmem_shared>> -> memref<640x128xf32, #tpu.memory_space<vmem_shared>>
      tpu.wait_dma2 semaphore(%run_scoped3A : memref<!tpu.dma_semaphore, #tpu.memory_space<semaphore_mem>>) src(%dma_wait3A_24 : memref<640x128xf32, #tpu.memory_space<vmem_shared>>) dst(%dma_wait3A_22 : memref<640x128xf32, #tpu.memory_space<hbm>>)
      tpu.yield
    }) : () -> ()
    return
  }
}

#map = affine_map<(d0, d1) -> (0, 0)>
#map1 = affine_map<(d0, d1) -> (0)>
module attributes {stable_mosaic.version = 14 : i64} {
  func.func @_sc_spmm(%arg0: i32, %arg1: i32, %arg2: memref<20480x128xf32, #tpu.memory_space<hbm>>, %arg3: memref<643200xi32, #tpu.memory_space<hbm>>, %arg4: memref<321536xi32, #tpu.memory_space<hbm>>, %arg5: memref<640x128xf32, #tpu.memory_space<hbm>>, %arg6: memref<20480x128xf32, #tpu.memory_space<hbm>>, %arg7: memref<10240x128xf32, #tpu.memory_space<vmem_shared>>, %arg8: memref<128xi32, #tpu.memory_space<vmem>>, %arg9: memref<1x128xi32, #tpu.memory_space<vmem>>, %arg10: memref<128x128xf32, #tpu.memory_space<vmem>>, %arg11: memref<!tpu.dma_semaphore, #tpu.memory_space<semaphore_mem>>) attributes {dimension_semantics = [#tpu.dimension_semantics<core_parallel>, #tpu.dimension_semantics<subcore_parallel>], iteration_bounds = array<i64: 2, 16>, scalar_prefetch = 0 : i64, scratch_operands = 5 : i64, tpu.core_type = #tpu.core_type<sc_vector_subcore>, window_params = [{transform_indices = #map}, {transform_indices = #map1}, {transform_indices = #map1}, {transform_indices = #map}, {transform_indices = #map}]} {
    %mul3A = arith.constant 640 : i32
    %mul3A_0 = arith.muli %arg1, %mul3A : i32
    "tpu.region"() ({
      %run_scoped3A = tpu.sem_alloc : memref<!tpu.dma_semaphore, #tpu.memory_space<semaphore_mem>>
      %dma_start3A = arith.constant 0 : i32
      %dma_start3A_19 = tpu.memref_slice %arg7[%mul3A_0, %dma_start3A] : memref<10240x128xf32, #tpu.memory_space<vmem_shared>> -> memref<640x128xf32, #tpu.memory_space<vmem_shared>>
      tpu.enqueue_dma source(%arg5 : memref<640x128xf32, #tpu.memory_space<hbm>>) target(%dma_start3A_19 : memref<640x128xf32, #tpu.memory_space<vmem_shared>>) target_semaphore(%run_scoped3A : memref<!tpu.dma_semaphore, #tpu.memory_space<semaphore_mem>>)
      %dma_wait3A = arith.constant 0 : i32
      %dma_wait3A_20 = tpu.memref_slice %arg7[%mul3A_0, %dma_wait3A] : memref<10240x128xf32, #tpu.memory_space<vmem_shared>> -> memref<640x128xf32, #tpu.memory_space<vmem_shared>>
      tpu.wait_dma2 semaphore(%run_scoped3A : memref<!tpu.dma_semaphore, #tpu.memory_space<semaphore_mem>>) src(%arg5 : memref<640x128xf32, #tpu.memory_space<hbm>>) dst(%dma_wait3A_20 : memref<640x128xf32, #tpu.memory_space<vmem_shared>>)
      tpu.yield
    }) : () -> ()
    %barrier3A = arith.constant 0 : index
    tpu.barrier barrier_id(%barrier3A)
    %mul3A_1 = arith.constant 321536 : i32
    %mul3A_2 = arith.muli %arg0, %mul3A_1 : i32
    %mul3A_3 = arith.constant 20096 : i32
    %mul3A_4 = arith.muli %arg1, %mul3A_3 : i32
    %add3A = arith.addi %mul3A_2, %mul3A_4 : i32
    %mul3A_5 = arith.constant 20096 : i32
    %mul3A_6 = arith.muli %arg1, %mul3A_5 : i32
    %scan3A = arith.constant 0 : i32
    %scan3A_7 = arith.constant 157 : i32
    %scan3A_8 = arith.addi %scan3A, %scan3A_7 : i32
    %scan3A_9 = arith.constant 1 : i32
    scf.for %scan3A_19 = %scan3A to %scan3A_8 step %scan3A_9  : i32 {
      %mul3A_20 = arith.constant 1 : i32
      %mul3A_21 = arith.muli %scan3A_19, %mul3A_20 : i32
      %add3A_22 = arith.constant 0 : i32
      %add3A_23 = arith.addi %add3A_22, %mul3A_21 : i32
      %mul3A_24 = arith.constant 128 : i32
      %mul3A_25 = arith.muli %add3A_23, %mul3A_24 : i32
      %add3A_26 = arith.addi %add3A, %mul3A_25 : i32
      %multiple_of3A = tpu.assume_multiple %add3A_26, 8 : i32
      %mul3A_27 = arith.constant 128 : i32
      %mul3A_28 = arith.muli %add3A_23, %mul3A_27 : i32
      %add3A_29 = arith.addi %mul3A_6, %mul3A_28 : i32
      %multiple_of3A_30 = tpu.assume_multiple %add3A_29, 8 : i32
      "tpu.region"() ({
        %run_scoped3A_36 = tpu.sem_alloc : memref<!tpu.dma_semaphore, #tpu.memory_space<semaphore_mem>>
        %dma_start3A_37 = tpu.memref_slice %arg3[%multiple_of3A] : memref<643200xi32, #tpu.memory_space<hbm>> -> memref<128xi32, #tpu.memory_space<hbm>>
        %dma_start3A_38 = tpu.memref_slice %arg3[%multiple_of3A] : memref<643200xi32, #tpu.memory_space<hbm>> -> memref<128xi32, #tpu.memory_space<hbm>>
        tpu.enqueue_dma source(%dma_start3A_38 : memref<128xi32, #tpu.memory_space<hbm>>) target(%arg8 : memref<128xi32, #tpu.memory_space<vmem>>) target_semaphore(%run_scoped3A_36 : memref<!tpu.dma_semaphore, #tpu.memory_space<semaphore_mem>>)
        %dma_wait3A_39 = tpu.memref_slice %arg3[%multiple_of3A] : memref<643200xi32, #tpu.memory_space<hbm>> -> memref<128xi32, #tpu.memory_space<hbm>>
        %dma_wait3A_40 = tpu.memref_slice %arg3[%multiple_of3A] : memref<643200xi32, #tpu.memory_space<hbm>> -> memref<128xi32, #tpu.memory_space<hbm>>
        tpu.wait_dma2 semaphore(%run_scoped3A_36 : memref<!tpu.dma_semaphore, #tpu.memory_space<semaphore_mem>>) src(%dma_wait3A_40 : memref<128xi32, #tpu.memory_space<hbm>>) dst(%arg8 : memref<128xi32, #tpu.memory_space<vmem>>)
        tpu.yield
      }) : () -> ()
      %run_scoped3A = arith.constant 0 : i32
      "tpu.region"() ({
        %run_scoped3A_36 = tpu.sem_alloc : memref<!tpu.dma_semaphore, #tpu.memory_space<semaphore_mem>>
        %dma_start3A_37 = arith.constant 0 : i32
        %dma_start3A_38 = tpu.memref_slice %arg9[%run_scoped3A, %dma_start3A_37] : memref<1x128xi32, #tpu.memory_space<vmem>> -> memref<1x128xi32, #tpu.memory_space<vmem>>
        %dma_start3A_39 = tpu.memref_squeeze %dma_start3A_38 : memref<1x128xi32, #tpu.memory_space<vmem>> -> memref<128xi32, #tpu.memory_space<vmem>>
        %dma_start3A_40 = tpu.memref_slice %arg4[%multiple_of3A_30] : memref<321536xi32, #tpu.memory_space<hbm>> -> memref<128xi32, #tpu.memory_space<hbm>>
        %dma_start3A_41 = arith.constant 0 : i32
        %dma_start3A_42 = tpu.memref_slice %arg9[%run_scoped3A, %dma_start3A_41] : memref<1x128xi32, #tpu.memory_space<vmem>> -> memref<1x128xi32, #tpu.memory_space<vmem>>
        %dma_start3A_43 = tpu.memref_squeeze %dma_start3A_42 : memref<1x128xi32, #tpu.memory_space<vmem>> -> memref<128xi32, #tpu.memory_space<vmem>>
        %dma_start3A_44 = tpu.memref_slice %arg4[%multiple_of3A_30] : memref<321536xi32, #tpu.memory_space<hbm>> -> memref<128xi32, #tpu.memory_space<hbm>>
        tpu.enqueue_dma source(%dma_start3A_44 : memref<128xi32, #tpu.memory_space<hbm>>) target(%dma_start3A_43 : memref<128xi32, #tpu.memory_space<vmem>>) target_semaphore(%run_scoped3A_36 : memref<!tpu.dma_semaphore, #tpu.memory_space<semaphore_mem>>)
        %dma_wait3A_45 = arith.constant 0 : i32
        %dma_wait3A_46 = tpu.memref_slice %arg9[%run_scoped3A, %dma_wait3A_45] : memref<1x128xi32, #tpu.memory_space<vmem>> -> memref<1x128xi32, #tpu.memory_space<vmem>>
        %dma_wait3A_47 = tpu.memref_squeeze %dma_wait3A_46 : memref<1x128xi32, #tpu.memory_space<vmem>> -> memref<128xi32, #tpu.memory_space<vmem>>
        %dma_wait3A_48 = tpu.memref_slice %arg4[%multiple_of3A_30] : memref<321536xi32, #tpu.memory_space<hbm>> -> memref<128xi32, #tpu.memory_space<hbm>>
        %dma_wait3A_49 = arith.constant 0 : i32
        %dma_wait3A_50 = tpu.memref_slice %arg9[%run_scoped3A, %dma_wait3A_49] : memref<1x128xi32, #tpu.memory_space<vmem>> -> memref<1x128xi32, #tpu.memory_space<vmem>>
        %dma_wait3A_51 = tpu.memref_squeeze %dma_wait3A_50 : memref<1x128xi32, #tpu.memory_space<vmem>> -> memref<128xi32, #tpu.memory_space<vmem>>
        %dma_wait3A_52 = tpu.memref_slice %arg4[%multiple_of3A_30] : memref<321536xi32, #tpu.memory_space<hbm>> -> memref<128xi32, #tpu.memory_space<hbm>>
        tpu.wait_dma2 semaphore(%run_scoped3A_36 : memref<!tpu.dma_semaphore, #tpu.memory_space<semaphore_mem>>) src(%dma_wait3A_52 : memref<128xi32, #tpu.memory_space<hbm>>) dst(%dma_wait3A_51 : memref<128xi32, #tpu.memory_space<vmem>>)
        tpu.yield
      }) : () -> ()
      %dma_start3A = arith.constant 0 : i32
      %dma_start3A_31 = arith.constant 0 : i32
      %dma_start3A_32 = tpu.memref_slice %arg2[%dma_start3A, %dma_start3A_31] : memref<20480x128xf32, #tpu.memory_space<hbm>> -> memref<20480x128xf32, #tpu.memory_space<hbm>>
      tpu.enqueue_indirect_dma source(%dma_start3A_32 : memref<20480x128xf32, #tpu.memory_space<hbm>>) target(%arg10 : memref<128x128xf32, #tpu.memory_space<vmem>>) offsets(%arg8 : memref<128xi32, #tpu.memory_space<vmem>>) semaphore(%arg11 : memref<!tpu.dma_semaphore, #tpu.memory_space<semaphore_mem>>)
      %dma_wait3A = arith.constant 0 : i32
      %dma_wait3A_33 = arith.constant 0 : i32
      %dma_wait3A_34 = tpu.memref_slice %arg2[%dma_wait3A, %dma_wait3A_33] : memref<20480x128xf32, #tpu.memory_space<hbm>> -> memref<20480x128xf32, #tpu.memory_space<hbm>>
      tpu.wait_indirect_dma semaphore(%arg11 : memref<!tpu.dma_semaphore, #tpu.memory_space<semaphore_mem>>) src(%dma_wait3A_34 : memref<20480x128xf32, #tpu.memory_space<hbm>>) dst(%arg10 : memref<128x128xf32, #tpu.memory_space<vmem>>)
      %run_scoped3A_35 = arith.constant 0 : i32
      "tpu.region"() ({
        %run_scoped3A_36 = tpu.sem_alloc : memref<!tpu.dma_semaphore, #tpu.memory_space<semaphore_mem>>
        %dma_start3A_37 = arith.constant 0 : i32
        %dma_start3A_38 = tpu.memref_slice %arg9[%run_scoped3A_35, %dma_start3A_37] : memref<1x128xi32, #tpu.memory_space<vmem>> -> memref<1x128xi32, #tpu.memory_space<vmem>>
        %dma_start3A_39 = tpu.memref_squeeze %dma_start3A_38 : memref<1x128xi32, #tpu.memory_space<vmem>> -> memref<128xi32, #tpu.memory_space<vmem>>
        %dma_start3A_40 = arith.constant 0 : i32
        %dma_start3A_41 = arith.constant 0 : i32
        %dma_start3A_42 = tpu.memref_slice %arg7[%dma_start3A_40, %dma_start3A_41] : memref<10240x128xf32, #tpu.memory_space<vmem_shared>> -> memref<10240x128xf32, #tpu.memory_space<vmem_shared>>
        tpu.enqueue_indirect_dma source(%arg10 : memref<128x128xf32, #tpu.memory_space<vmem>>) target(%dma_start3A_42 : memref<10240x128xf32, #tpu.memory_space<vmem_shared>>) offsets(%dma_start3A_39 : memref<128xi32, #tpu.memory_space<vmem>>) semaphore(%run_scoped3A_36 : memref<!tpu.dma_semaphore, #tpu.memory_space<semaphore_mem>>) {add = true}
        %dma_wait3A_43 = arith.constant 0 : i32
        %dma_wait3A_44 = tpu.memref_slice %arg9[%run_scoped3A_35, %dma_wait3A_43] : memref<1x128xi32, #tpu.memory_space<vmem>> -> memref<1x128xi32, #tpu.memory_space<vmem>>
        %dma_wait3A_45 = tpu.memref_squeeze %dma_wait3A_44 : memref<1x128xi32, #tpu.memory_space<vmem>> -> memref<128xi32, #tpu.memory_space<vmem>>
        %dma_wait3A_46 = arith.constant 0 : i32
        %dma_wait3A_47 = arith.constant 0 : i32
        %dma_wait3A_48 = tpu.memref_slice %arg7[%dma_wait3A_46, %dma_wait3A_47] : memref<10240x128xf32, #tpu.memory_space<vmem_shared>> -> memref<10240x128xf32, #tpu.memory_space<vmem_shared>>
        tpu.wait_indirect_dma semaphore(%run_scoped3A_36 : memref<!tpu.dma_semaphore, #tpu.memory_space<semaphore_mem>>) src(%arg10 : memref<128x128xf32, #tpu.memory_space<vmem>>) dst(%dma_wait3A_48 : memref<10240x128xf32, #tpu.memory_space<vmem_shared>>)
        tpu.yield
      }) : () -> ()
    }
    %scan3A_10 = arith.constant 157 : i32
    %barrier3A_11 = arith.constant 0 : index
    tpu.barrier barrier_id(%barrier3A_11)
    %mul3A_12 = arith.constant 640 : i32
    %mul3A_13 = arith.muli %arg1, %mul3A_12 : i32
    %mul3A_14 = arith.constant 10240 : i32
    %mul3A_15 = arith.muli %arg0, %mul3A_14 : i32
    %mul3A_16 = arith.constant 640 : i32
    %mul3A_17 = arith.muli %arg1, %mul3A_16 : i32
    %add3A_18 = arith.addi %mul3A_15, %mul3A_17 : i32
    "tpu.region"() ({
      %run_scoped3A = tpu.sem_alloc : memref<!tpu.dma_semaphore, #tpu.memory_space<semaphore_mem>>
      %dma_start3A = arith.constant 0 : i32
      %dma_start3A_19 = tpu.memref_slice %arg6[%add3A_18, %dma_start3A] : memref<20480x128xf32, #tpu.memory_space<hbm>> -> memref<640x128xf32, #tpu.memory_space<hbm>>
      %dma_start3A_20 = arith.constant 0 : i32
      %dma_start3A_21 = tpu.memref_slice %arg7[%mul3A_13, %dma_start3A_20] : memref<10240x128xf32, #tpu.memory_space<vmem_shared>> -> memref<640x128xf32, #tpu.memory_space<vmem_shared>>
      tpu.enqueue_dma source(%dma_start3A_21 : memref<640x128xf32, #tpu.memory_space<vmem_shared>>) target(%dma_start3A_19 : memref<640x128xf32, #tpu.memory_space<hbm>>) target_semaphore(%run_scoped3A : memref<!tpu.dma_semaphore, #tpu.memory_space<semaphore_mem>>)
      %dma_wait3A = arith.constant 0 : i32
      %dma_wait3A_22 = tpu.memref_slice %arg6[%add3A_18, %dma_wait3A] : memref<20480x128xf32, #tpu.memory_space<hbm>> -> memref<640x128xf32, #tpu.memory_space<hbm>>
      %dma_wait3A_23 = arith.constant 0 : i32
      %dma_wait3A_24 = tpu.memref_slice %arg7[%mul3A_13, %dma_wait3A_23] : memref<10240x128xf32, #tpu.memory_space<vmem_shared>> -> memref<640x128xf32, #tpu.memory_space<vmem_shared>>
      tpu.wait_dma2 semaphore(%run_scoped3A : memref<!tpu.dma_semaphore, #tpu.memory_space<semaphore_mem>>) src(%dma_wait3A_24 : memref<640x128xf32, #tpu.memory_space<vmem_shared>>) dst(%dma_wait3A_22 : memref<640x128xf32, #tpu.memory_space<hbm>>)
      tpu.yield
    }) : () -> ()
    return
  }
}

#map = affine_map<(d0, d1) -> (0, 0)>
#map1 = affine_map<(d0, d1) -> (0)>
module attributes {stable_mosaic.version = 14 : i64} {
  func.func @_sc_spmm(%arg0: i32, %arg1: i32, %arg2: memref<20480x128xf32, #tpu.memory_space<hbm>>, %arg3: memref<643200xi32, #tpu.memory_space<hbm>>, %arg4: memref<321536xi32, #tpu.memory_space<hbm>>, %arg5: memref<640x128xf32, #tpu.memory_space<hbm>>, %arg6: memref<20480x128xf32, #tpu.memory_space<hbm>>, %arg7: memref<10240x128xf32, #tpu.memory_space<vmem_shared>>, %arg8: memref<128xi32, #tpu.memory_space<vmem>>, %arg9: memref<1x128xi32, #tpu.memory_space<vmem>>, %arg10: memref<128x128xf32, #tpu.memory_space<vmem>>, %arg11: memref<!tpu.dma_semaphore, #tpu.memory_space<semaphore_mem>>) attributes {dimension_semantics = [#tpu.dimension_semantics<core_parallel>, #tpu.dimension_semantics<subcore_parallel>], iteration_bounds = array<i64: 2, 16>, scalar_prefetch = 0 : i64, scratch_operands = 5 : i64, tpu.core_type = #tpu.core_type<sc_vector_subcore>, window_params = [{transform_indices = #map}, {transform_indices = #map1}, {transform_indices = #map1}, {transform_indices = #map}, {transform_indices = #map}]} {
    %mul3A = arith.constant 640 : i32
    %mul3A_0 = arith.muli %arg1, %mul3A : i32
    "tpu.region"() ({
      %run_scoped3A = tpu.sem_alloc : memref<!tpu.dma_semaphore, #tpu.memory_space<semaphore_mem>>
      %dma_start3A = arith.constant 0 : i32
      %dma_start3A_19 = tpu.memref_slice %arg7[%mul3A_0, %dma_start3A] : memref<10240x128xf32, #tpu.memory_space<vmem_shared>> -> memref<640x128xf32, #tpu.memory_space<vmem_shared>>
      tpu.enqueue_dma source(%arg5 : memref<640x128xf32, #tpu.memory_space<hbm>>) target(%dma_start3A_19 : memref<640x128xf32, #tpu.memory_space<vmem_shared>>) target_semaphore(%run_scoped3A : memref<!tpu.dma_semaphore, #tpu.memory_space<semaphore_mem>>)
      %dma_wait3A = arith.constant 0 : i32
      %dma_wait3A_20 = tpu.memref_slice %arg7[%mul3A_0, %dma_wait3A] : memref<10240x128xf32, #tpu.memory_space<vmem_shared>> -> memref<640x128xf32, #tpu.memory_space<vmem_shared>>
      tpu.wait_dma2 semaphore(%run_scoped3A : memref<!tpu.dma_semaphore, #tpu.memory_space<semaphore_mem>>) src(%arg5 : memref<640x128xf32, #tpu.memory_space<hbm>>) dst(%dma_wait3A_20 : memref<640x128xf32, #tpu.memory_space<vmem_shared>>)
      tpu.yield
    }) : () -> ()
    %barrier3A = arith.constant 0 : index
    tpu.barrier barrier_id(%barrier3A)
    %mul3A_1 = arith.constant 321536 : i32
    %mul3A_2 = arith.muli %arg0, %mul3A_1 : i32
    %mul3A_3 = arith.constant 20096 : i32
    %mul3A_4 = arith.muli %arg1, %mul3A_3 : i32
    %add3A = arith.addi %mul3A_2, %mul3A_4 : i32
    %mul3A_5 = arith.constant 20096 : i32
    %mul3A_6 = arith.muli %arg1, %mul3A_5 : i32
    %scan3A = arith.constant 0 : i32
    %scan3A_7 = arith.constant 157 : i32
    %scan3A_8 = arith.addi %scan3A, %scan3A_7 : i32
    %scan3A_9 = arith.constant 1 : i32
    scf.for %scan3A_19 = %scan3A to %scan3A_8 step %scan3A_9  : i32 {
      %mul3A_20 = arith.constant 1 : i32
      %mul3A_21 = arith.muli %scan3A_19, %mul3A_20 : i32
      %add3A_22 = arith.constant 0 : i32
      %add3A_23 = arith.addi %add3A_22, %mul3A_21 : i32
      %mul3A_24 = arith.constant 128 : i32
      %mul3A_25 = arith.muli %add3A_23, %mul3A_24 : i32
      %add3A_26 = arith.addi %add3A, %mul3A_25 : i32
      %multiple_of3A = tpu.assume_multiple %add3A_26, 8 : i32
      %mul3A_27 = arith.constant 128 : i32
      %mul3A_28 = arith.muli %add3A_23, %mul3A_27 : i32
      %add3A_29 = arith.addi %mul3A_6, %mul3A_28 : i32
      %multiple_of3A_30 = tpu.assume_multiple %add3A_29, 8 : i32
      "tpu.region"() ({
        %run_scoped3A_36 = tpu.sem_alloc : memref<!tpu.dma_semaphore, #tpu.memory_space<semaphore_mem>>
        %dma_start3A_37 = tpu.memref_slice %arg3[%multiple_of3A] : memref<643200xi32, #tpu.memory_space<hbm>> -> memref<128xi32, #tpu.memory_space<hbm>>
        %dma_start3A_38 = tpu.memref_slice %arg3[%multiple_of3A] : memref<643200xi32, #tpu.memory_space<hbm>> -> memref<128xi32, #tpu.memory_space<hbm>>
        tpu.enqueue_dma source(%dma_start3A_38 : memref<128xi32, #tpu.memory_space<hbm>>) target(%arg8 : memref<128xi32, #tpu.memory_space<vmem>>) target_semaphore(%run_scoped3A_36 : memref<!tpu.dma_semaphore, #tpu.memory_space<semaphore_mem>>)
        %dma_wait3A_39 = tpu.memref_slice %arg3[%multiple_of3A] : memref<643200xi32, #tpu.memory_space<hbm>> -> memref<128xi32, #tpu.memory_space<hbm>>
        %dma_wait3A_40 = tpu.memref_slice %arg3[%multiple_of3A] : memref<643200xi32, #tpu.memory_space<hbm>> -> memref<128xi32, #tpu.memory_space<hbm>>
        tpu.wait_dma2 semaphore(%run_scoped3A_36 : memref<!tpu.dma_semaphore, #tpu.memory_space<semaphore_mem>>) src(%dma_wait3A_40 : memref<128xi32, #tpu.memory_space<hbm>>) dst(%arg8 : memref<128xi32, #tpu.memory_space<vmem>>)
        tpu.yield
      }) : () -> ()
      %run_scoped3A = arith.constant 0 : i32
      "tpu.region"() ({
        %run_scoped3A_36 = tpu.sem_alloc : memref<!tpu.dma_semaphore, #tpu.memory_space<semaphore_mem>>
        %dma_start3A_37 = arith.constant 0 : i32
        %dma_start3A_38 = tpu.memref_slice %arg9[%run_scoped3A, %dma_start3A_37] : memref<1x128xi32, #tpu.memory_space<vmem>> -> memref<1x128xi32, #tpu.memory_space<vmem>>
        %dma_start3A_39 = tpu.memref_squeeze %dma_start3A_38 : memref<1x128xi32, #tpu.memory_space<vmem>> -> memref<128xi32, #tpu.memory_space<vmem>>
        %dma_start3A_40 = tpu.memref_slice %arg4[%multiple_of3A_30] : memref<321536xi32, #tpu.memory_space<hbm>> -> memref<128xi32, #tpu.memory_space<hbm>>
        %dma_start3A_41 = arith.constant 0 : i32
        %dma_start3A_42 = tpu.memref_slice %arg9[%run_scoped3A, %dma_start3A_41] : memref<1x128xi32, #tpu.memory_space<vmem>> -> memref<1x128xi32, #tpu.memory_space<vmem>>
        %dma_start3A_43 = tpu.memref_squeeze %dma_start3A_42 : memref<1x128xi32, #tpu.memory_space<vmem>> -> memref<128xi32, #tpu.memory_space<vmem>>
        %dma_start3A_44 = tpu.memref_slice %arg4[%multiple_of3A_30] : memref<321536xi32, #tpu.memory_space<hbm>> -> memref<128xi32, #tpu.memory_space<hbm>>
        tpu.enqueue_dma source(%dma_start3A_44 : memref<128xi32, #tpu.memory_space<hbm>>) target(%dma_start3A_43 : memref<128xi32, #tpu.memory_space<vmem>>) target_semaphore(%run_scoped3A_36 : memref<!tpu.dma_semaphore, #tpu.memory_space<semaphore_mem>>)
        %dma_wait3A_45 = arith.constant 0 : i32
        %dma_wait3A_46 = tpu.memref_slice %arg9[%run_scoped3A, %dma_wait3A_45] : memref<1x128xi32, #tpu.memory_space<vmem>> -> memref<1x128xi32, #tpu.memory_space<vmem>>
        %dma_wait3A_47 = tpu.memref_squeeze %dma_wait3A_46 : memref<1x128xi32, #tpu.memory_space<vmem>> -> memref<128xi32, #tpu.memory_space<vmem>>
        %dma_wait3A_48 = tpu.memref_slice %arg4[%multiple_of3A_30] : memref<321536xi32, #tpu.memory_space<hbm>> -> memref<128xi32, #tpu.memory_space<hbm>>
        %dma_wait3A_49 = arith.constant 0 : i32
        %dma_wait3A_50 = tpu.memref_slice %arg9[%run_scoped3A, %dma_wait3A_49] : memref<1x128xi32, #tpu.memory_space<vmem>> -> memref<1x128xi32, #tpu.memory_space<vmem>>
        %dma_wait3A_51 = tpu.memref_squeeze %dma_wait3A_50 : memref<1x128xi32, #tpu.memory_space<vmem>> -> memref<128xi32, #tpu.memory_space<vmem>>
        %dma_wait3A_52 = tpu.memref_slice %arg4[%multiple_of3A_30] : memref<321536xi32, #tpu.memory_space<hbm>> -> memref<128xi32, #tpu.memory_space<hbm>>
        tpu.wait_dma2 semaphore(%run_scoped3A_36 : memref<!tpu.dma_semaphore, #tpu.memory_space<semaphore_mem>>) src(%dma_wait3A_52 : memref<128xi32, #tpu.memory_space<hbm>>) dst(%dma_wait3A_51 : memref<128xi32, #tpu.memory_space<vmem>>)
        tpu.yield
      }) : () -> ()
      %dma_start3A = arith.constant 0 : i32
      %dma_start3A_31 = arith.constant 0 : i32
      %dma_start3A_32 = tpu.memref_slice %arg2[%dma_start3A, %dma_start3A_31] : memref<20480x128xf32, #tpu.memory_space<hbm>> -> memref<20480x128xf32, #tpu.memory_space<hbm>>
      tpu.enqueue_indirect_dma source(%dma_start3A_32 : memref<20480x128xf32, #tpu.memory_space<hbm>>) target(%arg10 : memref<128x128xf32, #tpu.memory_space<vmem>>) offsets(%arg8 : memref<128xi32, #tpu.memory_space<vmem>>) semaphore(%arg11 : memref<!tpu.dma_semaphore, #tpu.memory_space<semaphore_mem>>)
      %dma_wait3A = arith.constant 0 : i32
      %dma_wait3A_33 = arith.constant 0 : i32
      %dma_wait3A_34 = tpu.memref_slice %arg2[%dma_wait3A, %dma_wait3A_33] : memref<20480x128xf32, #tpu.memory_space<hbm>> -> memref<20480x128xf32, #tpu.memory_space<hbm>>
      tpu.wait_indirect_dma semaphore(%arg11 : memref<!tpu.dma_semaphore, #tpu.memory_space<semaphore_mem>>) src(%dma_wait3A_34 : memref<20480x128xf32, #tpu.memory_space<hbm>>) dst(%arg10 : memref<128x128xf32, #tpu.memory_space<vmem>>)
      %run_scoped3A_35 = arith.constant 0 : i32
      "tpu.region"() ({
        %run_scoped3A_36 = tpu.sem_alloc : memref<!tpu.dma_semaphore, #tpu.memory_space<semaphore_mem>>
        %dma_start3A_37 = arith.constant 0 : i32
        %dma_start3A_38 = tpu.memref_slice %arg9[%run_scoped3A_35, %dma_start3A_37] : memref<1x128xi32, #tpu.memory_space<vmem>> -> memref<1x128xi32, #tpu.memory_space<vmem>>
        %dma_start3A_39 = tpu.memref_squeeze %dma_start3A_38 : memref<1x128xi32, #tpu.memory_space<vmem>> -> memref<128xi32, #tpu.memory_space<vmem>>
        %dma_start3A_40 = arith.constant 0 : i32
        %dma_start3A_41 = arith.constant 0 : i32
        %dma_start3A_42 = tpu.memref_slice %arg7[%dma_start3A_40, %dma_start3A_41] : memref<10240x128xf32, #tpu.memory_space<vmem_shared>> -> memref<10240x128xf32, #tpu.memory_space<vmem_shared>>
        tpu.enqueue_indirect_dma source(%arg10 : memref<128x128xf32, #tpu.memory_space<vmem>>) target(%dma_start3A_42 : memref<10240x128xf32, #tpu.memory_space<vmem_shared>>) offsets(%dma_start3A_39 : memref<128xi32, #tpu.memory_space<vmem>>) semaphore(%run_scoped3A_36 : memref<!tpu.dma_semaphore, #tpu.memory_space<semaphore_mem>>) {add = true}
        %dma_wait3A_43 = arith.constant 0 : i32
        %dma_wait3A_44 = tpu.memref_slice %arg9[%run_scoped3A_35, %dma_wait3A_43] : memref<1x128xi32, #tpu.memory_space<vmem>> -> memref<1x128xi32, #tpu.memory_space<vmem>>
        %dma_wait3A_45 = tpu.memref_squeeze %dma_wait3A_44 : memref<1x128xi32, #tpu.memory_space<vmem>> -> memref<128xi32, #tpu.memory_space<vmem>>
        %dma_wait3A_46 = arith.constant 0 : i32
        %dma_wait3A_47 = arith.constant 0 : i32
        %dma_wait3A_48 = tpu.memref_slice %arg7[%dma_wait3A_46, %dma_wait3A_47] : memref<10240x128xf32, #tpu.memory_space<vmem_shared>> -> memref<10240x128xf32, #tpu.memory_space<vmem_shared>>
        tpu.wait_indirect_dma semaphore(%run_scoped3A_36 : memref<!tpu.dma_semaphore, #tpu.memory_space<semaphore_mem>>) src(%arg10 : memref<128x128xf32, #tpu.memory_space<vmem>>) dst(%dma_wait3A_48 : memref<10240x128xf32, #tpu.memory_space<vmem_shared>>)
        tpu.yield
      }) : () -> ()
    }
    %scan3A_10 = arith.constant 157 : i32
    %barrier3A_11 = arith.constant 0 : index
    tpu.barrier barrier_id(%barrier3A_11)
    %mul3A_12 = arith.constant 640 : i32
    %mul3A_13 = arith.muli %arg1, %mul3A_12 : i32
    %mul3A_14 = arith.constant 10240 : i32
    %mul3A_15 = arith.muli %arg0, %mul3A_14 : i32
    %mul3A_16 = arith.constant 640 : i32
    %mul3A_17 = arith.muli %arg1, %mul3A_16 : i32
    %add3A_18 = arith.addi %mul3A_15, %mul3A_17 : i32
    "tpu.region"() ({
      %run_scoped3A = tpu.sem_alloc : memref<!tpu.dma_semaphore, #tpu.memory_space<semaphore_mem>>
      %dma_start3A = arith.constant 0 : i32
      %dma_start3A_19 = tpu.memref_slice %arg6[%add3A_18, %dma_start3A] : memref<20480x128xf32, #tpu.memory_space<hbm>> -> memref<640x128xf32, #tpu.memory_space<hbm>>
      %dma_start3A_20 = arith.constant 0 : i32
      %dma_start3A_21 = tpu.memref_slice %arg7[%mul3A_13, %dma_start3A_20] : memref<10240x128xf32, #tpu.memory_space<vmem_shared>> -> memref<640x128xf32, #tpu.memory_space<vmem_shared>>
      tpu.enqueue_dma source(%dma_start3A_21 : memref<640x128xf32, #tpu.memory_space<vmem_shared>>) target(%dma_start3A_19 : memref<640x128xf32, #tpu.memory_space<hbm>>) target_semaphore(%run_scoped3A : memref<!tpu.dma_semaphore, #tpu.memory_space<semaphore_mem>>)
      %dma_wait3A = arith.constant 0 : i32
      %dma_wait3A_22 = tpu.memref_slice %arg6[%add3A_18, %dma_wait3A] : memref<20480x128xf32, #tpu.memory_space<hbm>> -> memref<640x128xf32, #tpu.memory_space<hbm>>
      %dma_wait3A_23 = arith.constant 0 : i32
      %dma_wait3A_24 = tpu.memref_slice %arg7[%mul3A_13, %dma_wait3A_23] : memref<10240x128xf32, #tpu.memory_space<vmem_shared>> -> memref<640x128xf32, #tpu.memory_space<vmem_shared>>
      tpu.wait_dma2 semaphore(%run_scoped3A : memref<!tpu.dma_semaphore, #tpu.memory_space<semaphore_mem>>) src(%dma_wait3A_24 : memref<640x128xf32, #tpu.memory_space<vmem_shared>>) dst(%dma_wait3A_22 : memref<640x128xf32, #tpu.memory_space<hbm>>)
      tpu.yield
    }) : () -> ()
    return
  }
}

#map = affine_map<(d0, d1) -> (0)>
#map1 = affine_map<(d0, d1) -> (0, 0)>
module attributes {stable_mosaic.version = 14 : i64} {
  func.func @_sc_counts(%arg0: i32, %arg1: i32, %arg2: memref<323584xi32, #tpu.memory_space<hbm>>, %arg3: memref<10240xi32, #tpu.memory_space<hbm>>, %arg4: memref<128x128xf32, #tpu.memory_space<hbm>>, %arg5: memref<640x128xf32, #tpu.memory_space<hbm>>, %arg6: memref<20480x128xf32, #tpu.memory_space<hbm>>, %arg7: memref<512x128xf32, #tpu.memory_space<hbm>>, %arg8: memref<10496x128xf32, #tpu.memory_space<vmem_shared>>, %arg9: memref<1x128xi32, #tpu.memory_space<vmem>>, %arg10: memref<1x64xi32, #tpu.memory_space<vmem>>, %arg11: memref<128x128xf32, #tpu.memory_space<vmem>>) attributes {dimension_semantics = [#tpu.dimension_semantics<core_parallel>, #tpu.dimension_semantics<subcore_parallel>], iteration_bounds = array<i64: 2, 16>, scalar_prefetch = 0 : i64, scratch_operands = 4 : i64, tpu.core_type = #tpu.core_type<sc_vector_subcore>, window_params = [{transform_indices = #map}, {transform_indices = #map}, {transform_indices = #map1}, {transform_indices = #map1}, {transform_indices = #map1}, {transform_indices = #map1}]} {
    "tpu.region"() ({
      %run_scoped3A = tpu.sem_alloc : memref<!tpu.dma_semaphore, #tpu.memory_space<semaphore_mem>>
      tpu.enqueue_dma source(%arg4 : memref<128x128xf32, #tpu.memory_space<hbm>>) target(%arg11 : memref<128x128xf32, #tpu.memory_space<vmem>>) target_semaphore(%run_scoped3A : memref<!tpu.dma_semaphore, #tpu.memory_space<semaphore_mem>>)
      tpu.wait_dma2 semaphore(%run_scoped3A : memref<!tpu.dma_semaphore, #tpu.memory_space<semaphore_mem>>) src(%arg4 : memref<128x128xf32, #tpu.memory_space<hbm>>) dst(%arg11 : memref<128x128xf32, #tpu.memory_space<vmem>>)
      tpu.yield
    }) : () -> ()
    %mul3A = arith.constant 656 : i32
    %mul3A_0 = arith.muli %arg1, %mul3A : i32
    "tpu.region"() ({
      %run_scoped3A = tpu.sem_alloc : memref<!tpu.dma_semaphore, #tpu.memory_space<semaphore_mem>>
      %dma_start3A = arith.constant 0 : i32
      %dma_start3A_37 = tpu.memref_slice %arg8[%mul3A_0, %dma_start3A] : memref<10496x128xf32, #tpu.memory_space<vmem_shared>> -> memref<640x128xf32, #tpu.memory_space<vmem_shared>>
      tpu.enqueue_dma source(%arg5 : memref<640x128xf32, #tpu.memory_space<hbm>>) target(%dma_start3A_37 : memref<640x128xf32, #tpu.memory_space<vmem_shared>>) target_semaphore(%run_scoped3A : memref<!tpu.dma_semaphore, #tpu.memory_space<semaphore_mem>>)
      %dma_wait3A = arith.constant 0 : i32
      %dma_wait3A_38 = tpu.memref_slice %arg8[%mul3A_0, %dma_wait3A] : memref<10496x128xf32, #tpu.memory_space<vmem_shared>> -> memref<640x128xf32, #tpu.memory_space<vmem_shared>>
      tpu.wait_dma2 semaphore(%run_scoped3A : memref<!tpu.dma_semaphore, #tpu.memory_space<semaphore_mem>>) src(%arg5 : memref<640x128xf32, #tpu.memory_space<hbm>>) dst(%dma_wait3A_38 : memref<640x128xf32, #tpu.memory_space<vmem_shared>>)
      tpu.yield
    }) : () -> ()
    %mul3A_1 = arith.constant 656 : i32
    %mul3A_2 = arith.muli %arg1, %mul3A_1 : i32
    %add3A = arith.constant 640 : i32
    %add3A_3 = arith.addi %mul3A_2, %add3A : i32
    "tpu.region"() ({
      %run_scoped3A = tpu.sem_alloc : memref<!tpu.dma_semaphore, #tpu.memory_space<semaphore_mem>>
      %dma_start3A = arith.constant 0 : i32
      %dma_start3A_37 = tpu.memref_slice %arg8[%add3A_3, %dma_start3A] : memref<10496x128xf32, #tpu.memory_space<vmem_shared>> -> memref<16x128xf32, #tpu.memory_space<vmem_shared>>
      %dma_start3A_38 = arith.constant 0 : i32
      %dma_start3A_39 = arith.constant 0 : i32
      %dma_start3A_40 = tpu.memref_slice %arg5[%dma_start3A_38, %dma_start3A_39] : memref<640x128xf32, #tpu.memory_space<hbm>> -> memref<16x128xf32, #tpu.memory_space<hbm>>
      tpu.enqueue_dma source(%dma_start3A_40 : memref<16x128xf32, #tpu.memory_space<hbm>>) target(%dma_start3A_37 : memref<16x128xf32, #tpu.memory_space<vmem_shared>>) target_semaphore(%run_scoped3A : memref<!tpu.dma_semaphore, #tpu.memory_space<semaphore_mem>>)
      %dma_wait3A = arith.constant 0 : i32
      %dma_wait3A_41 = tpu.memref_slice %arg8[%add3A_3, %dma_wait3A] : memref<10496x128xf32, #tpu.memory_space<vmem_shared>> -> memref<16x128xf32, #tpu.memory_space<vmem_shared>>
      %dma_wait3A_42 = arith.constant 0 : i32
      %dma_wait3A_43 = arith.constant 0 : i32
      %dma_wait3A_44 = tpu.memref_slice %arg5[%dma_wait3A_42, %dma_wait3A_43] : memref<640x128xf32, #tpu.memory_space<hbm>> -> memref<16x128xf32, #tpu.memory_space<hbm>>
      tpu.wait_dma2 semaphore(%run_scoped3A : memref<!tpu.dma_semaphore, #tpu.memory_space<semaphore_mem>>) src(%dma_wait3A_44 : memref<16x128xf32, #tpu.memory_space<hbm>>) dst(%dma_wait3A_41 : memref<16x128xf32, #tpu.memory_space<vmem_shared>>)
      tpu.yield
    }) : () -> ()
    %barrier3A = arith.constant 0 : index
    tpu.barrier barrier_id(%barrier3A)
    %mul3A_4 = arith.constant 16 : i32
    %mul3A_5 = arith.muli %arg0, %mul3A_4 : i32
    %add3A_6 = arith.addi %mul3A_5, %arg1 : i32
    %mul3A_7 = arith.constant 10112 : i32
    %mul3A_8 = arith.muli %add3A_6, %mul3A_7 : i32
    %scan3A = arith.constant 0 : i32
    %scan3A_9 = arith.constant 79 : i32
    %scan3A_10 = arith.addi %scan3A, %scan3A_9 : i32
    %scan3A_11 = arith.constant 1 : i32
    scf.for %scan3A_37 = %scan3A to %scan3A_10 step %scan3A_11  : i32 {
      %mul3A_38 = arith.constant 1 : i32
      %mul3A_39 = arith.muli %scan3A_37, %mul3A_38 : i32
      %add3A_40 = arith.constant 0 : i32
      %add3A_41 = arith.addi %add3A_40, %mul3A_39 : i32
      %mul3A_42 = arith.constant 128 : i32
      %mul3A_43 = arith.muli %add3A_41, %mul3A_42 : i32
      %add3A_44 = arith.addi %mul3A_8, %mul3A_43 : i32
      %multiple_of3A = tpu.assume_multiple %add3A_44, 8 : i32
      %run_scoped3A = arith.constant 0 : i32
      "tpu.region"() ({
        %run_scoped3A_46 = tpu.sem_alloc : memref<!tpu.dma_semaphore, #tpu.memory_space<semaphore_mem>>
        %dma_start3A = arith.constant 0 : i32
        %dma_start3A_47 = tpu.memref_slice %arg9[%run_scoped3A, %dma_start3A] : memref<1x128xi32, #tpu.memory_space<vmem>> -> memref<1x128xi32, #tpu.memory_space<vmem>>
        %dma_start3A_48 = tpu.memref_squeeze %dma_start3A_47 : memref<1x128xi32, #tpu.memory_space<vmem>> -> memref<128xi32, #tpu.memory_space<vmem>>
        %dma_start3A_49 = tpu.memref_slice %arg2[%multiple_of3A] : memref<323584xi32, #tpu.memory_space<hbm>> -> memref<128xi32, #tpu.memory_space<hbm>>
        %dma_start3A_50 = arith.constant 0 : i32
        %dma_start3A_51 = tpu.memref_slice %arg9[%run_scoped3A, %dma_start3A_50] : memref<1x128xi32, #tpu.memory_space<vmem>> -> memref<1x128xi32, #tpu.memory_space<vmem>>
        %dma_start3A_52 = tpu.memref_squeeze %dma_start3A_51 : memref<1x128xi32, #tpu.memory_space<vmem>> -> memref<128xi32, #tpu.memory_space<vmem>>
        %dma_start3A_53 = tpu.memref_slice %arg2[%multiple_of3A] : memref<323584xi32, #tpu.memory_space<hbm>> -> memref<128xi32, #tpu.memory_space<hbm>>
        tpu.enqueue_dma source(%dma_start3A_53 : memref<128xi32, #tpu.memory_space<hbm>>) target(%dma_start3A_52 : memref<128xi32, #tpu.memory_space<vmem>>) target_semaphore(%run_scoped3A_46 : memref<!tpu.dma_semaphore, #tpu.memory_space<semaphore_mem>>)
        %dma_wait3A = arith.constant 0 : i32
        %dma_wait3A_54 = tpu.memref_slice %arg9[%run_scoped3A, %dma_wait3A] : memref<1x128xi32, #tpu.memory_space<vmem>> -> memref<1x128xi32, #tpu.memory_space<vmem>>
        %dma_wait3A_55 = tpu.memref_squeeze %dma_wait3A_54 : memref<1x128xi32, #tpu.memory_space<vmem>> -> memref<128xi32, #tpu.memory_space<vmem>>
        %dma_wait3A_56 = tpu.memref_slice %arg2[%multiple_of3A] : memref<323584xi32, #tpu.memory_space<hbm>> -> memref<128xi32, #tpu.memory_space<hbm>>
        %dma_wait3A_57 = arith.constant 0 : i32
        %dma_wait3A_58 = tpu.memref_slice %arg9[%run_scoped3A, %dma_wait3A_57] : memref<1x128xi32, #tpu.memory_space<vmem>> -> memref<1x128xi32, #tpu.memory_space<vmem>>
        %dma_wait3A_59 = tpu.memref_squeeze %dma_wait3A_58 : memref<1x128xi32, #tpu.memory_space<vmem>> -> memref<128xi32, #tpu.memory_space<vmem>>
        %dma_wait3A_60 = tpu.memref_slice %arg2[%multiple_of3A] : memref<323584xi32, #tpu.memory_space<hbm>> -> memref<128xi32, #tpu.memory_space<hbm>>
        tpu.wait_dma2 semaphore(%run_scoped3A_46 : memref<!tpu.dma_semaphore, #tpu.memory_space<semaphore_mem>>) src(%dma_wait3A_60 : memref<128xi32, #tpu.memory_space<hbm>>) dst(%dma_wait3A_59 : memref<128xi32, #tpu.memory_space<vmem>>)
        tpu.yield
      }) : () -> ()
      %run_scoped3A_45 = arith.constant 0 : i32
      "tpu.region"() ({
        %run_scoped3A_46 = tpu.sem_alloc : memref<!tpu.dma_semaphore, #tpu.memory_space<semaphore_mem>>
        %dma_start3A = arith.constant 0 : i32
        %dma_start3A_47 = tpu.memref_slice %arg9[%run_scoped3A_45, %dma_start3A] : memref<1x128xi32, #tpu.memory_space<vmem>> -> memref<1x128xi32, #tpu.memory_space<vmem>>
        %dma_start3A_48 = tpu.memref_squeeze %dma_start3A_47 : memref<1x128xi32, #tpu.memory_space<vmem>> -> memref<128xi32, #tpu.memory_space<vmem>>
        %dma_start3A_49 = arith.constant 0 : i32
        %dma_start3A_50 = arith.constant 0 : i32
        %dma_start3A_51 = tpu.memref_slice %arg8[%dma_start3A_49, %dma_start3A_50] : memref<10496x128xf32, #tpu.memory_space<vmem_shared>> -> memref<10496x128xf32, #tpu.memory_space<vmem_shared>>
        tpu.enqueue_indirect_dma source(%arg11 : memref<128x128xf32, #tpu.memory_space<vmem>>) target(%dma_start3A_51 : memref<10496x128xf32, #tpu.memory_space<vmem_shared>>) offsets(%dma_start3A_48 : memref<128xi32, #tpu.memory_space<vmem>>) semaphore(%run_scoped3A_46 : memref<!tpu.dma_semaphore, #tpu.memory_space<semaphore_mem>>) {add = true}
        %dma_wait3A = arith.constant 0 : i32
        %dma_wait3A_52 = tpu.memref_slice %arg9[%run_scoped3A_45, %dma_wait3A] : memref<1x128xi32, #tpu.memory_space<vmem>> -> memref<1x128xi32, #tpu.memory_space<vmem>>
        %dma_wait3A_53 = tpu.memref_squeeze %dma_wait3A_52 : memref<1x128xi32, #tpu.memory_space<vmem>> -> memref<128xi32, #tpu.memory_space<vmem>>
        %dma_wait3A_54 = arith.constant 0 : i32
        %dma_wait3A_55 = arith.constant 0 : i32
        %dma_wait3A_56 = tpu.memref_slice %arg8[%dma_wait3A_54, %dma_wait3A_55] : memref<10496x128xf32, #tpu.memory_space<vmem_shared>> -> memref<10496x128xf32, #tpu.memory_space<vmem_shared>>
        tpu.wait_indirect_dma semaphore(%run_scoped3A_46 : memref<!tpu.dma_semaphore, #tpu.memory_space<semaphore_mem>>) src(%arg11 : memref<128x128xf32, #tpu.memory_space<vmem>>) dst(%dma_wait3A_56 : memref<10496x128xf32, #tpu.memory_space<vmem_shared>>)
        tpu.yield
      }) : () -> ()
    }
    %scan3A_12 = arith.constant 79 : i32
    %mul3A_13 = arith.constant 320 : i32
    %mul3A_14 = arith.muli %add3A_6, %mul3A_13 : i32
    %scan3A_15 = arith.constant 0 : i32
    %scan3A_16 = arith.constant 5 : i32
    %scan3A_17 = arith.addi %scan3A_15, %scan3A_16 : i32
    %scan3A_18 = arith.constant 1 : i32
    scf.for %scan3A_37 = %scan3A_15 to %scan3A_17 step %scan3A_18  : i32 {
      %mul3A_38 = arith.constant 1 : i32
      %mul3A_39 = arith.muli %scan3A_37, %mul3A_38 : i32
      %add3A_40 = arith.constant 0 : i32
      %add3A_41 = arith.addi %add3A_40, %mul3A_39 : i32
      %mul3A_42 = arith.constant 64 : i32
      %mul3A_43 = arith.muli %add3A_41, %mul3A_42 : i32
      %add3A_44 = arith.addi %mul3A_14, %mul3A_43 : i32
      %multiple_of3A = tpu.assume_multiple %add3A_44, 8 : i32
      %run_scoped3A = arith.constant 0 : i32
      "tpu.region"() ({
        %run_scoped3A_46 = tpu.sem_alloc : memref<!tpu.dma_semaphore, #tpu.memory_space<semaphore_mem>>
        %dma_start3A = arith.constant 0 : i32
        %dma_start3A_47 = tpu.memref_slice %arg10[%run_scoped3A, %dma_start3A] : memref<1x64xi32, #tpu.memory_space<vmem>> -> memref<1x64xi32, #tpu.memory_space<vmem>>
        %dma_start3A_48 = tpu.memref_squeeze %dma_start3A_47 : memref<1x64xi32, #tpu.memory_space<vmem>> -> memref<64xi32, #tpu.memory_space<vmem>>
        %dma_start3A_49 = tpu.memref_slice %arg3[%multiple_of3A] : memref<10240xi32, #tpu.memory_space<hbm>> -> memref<64xi32, #tpu.memory_space<hbm>>
        %dma_start3A_50 = arith.constant 0 : i32
        %dma_start3A_51 = tpu.memref_slice %arg10[%run_scoped3A, %dma_start3A_50] : memref<1x64xi32, #tpu.memory_space<vmem>> -> memref<1x64xi32, #tpu.memory_space<vmem>>
        %dma_start3A_52 = tpu.memref_squeeze %dma_start3A_51 : memref<1x64xi32, #tpu.memory_space<vmem>> -> memref<64xi32, #tpu.memory_space<vmem>>
        %dma_start3A_53 = tpu.memref_slice %arg3[%multiple_of3A] : memref<10240xi32, #tpu.memory_space<hbm>> -> memref<64xi32, #tpu.memory_space<hbm>>
        tpu.enqueue_dma source(%dma_start3A_53 : memref<64xi32, #tpu.memory_space<hbm>>) target(%dma_start3A_52 : memref<64xi32, #tpu.memory_space<vmem>>) target_semaphore(%run_scoped3A_46 : memref<!tpu.dma_semaphore, #tpu.memory_space<semaphore_mem>>)
        %dma_wait3A = arith.constant 0 : i32
        %dma_wait3A_54 = tpu.memref_slice %arg10[%run_scoped3A, %dma_wait3A] : memref<1x64xi32, #tpu.memory_space<vmem>> -> memref<1x64xi32, #tpu.memory_space<vmem>>
        %dma_wait3A_55 = tpu.memref_squeeze %dma_wait3A_54 : memref<1x64xi32, #tpu.memory_space<vmem>> -> memref<64xi32, #tpu.memory_space<vmem>>
        %dma_wait3A_56 = tpu.memref_slice %arg3[%multiple_of3A] : memref<10240xi32, #tpu.memory_space<hbm>> -> memref<64xi32, #tpu.memory_space<hbm>>
        %dma_wait3A_57 = arith.constant 0 : i32
        %dma_wait3A_58 = tpu.memref_slice %arg10[%run_scoped3A, %dma_wait3A_57] : memref<1x64xi32, #tpu.memory_space<vmem>> -> memref<1x64xi32, #tpu.memory_space<vmem>>
        %dma_wait3A_59 = tpu.memref_squeeze %dma_wait3A_58 : memref<1x64xi32, #tpu.memory_space<vmem>> -> memref<64xi32, #tpu.memory_space<vmem>>
        %dma_wait3A_60 = tpu.memref_slice %arg3[%multiple_of3A] : memref<10240xi32, #tpu.memory_space<hbm>> -> memref<64xi32, #tpu.memory_space<hbm>>
        tpu.wait_dma2 semaphore(%run_scoped3A_46 : memref<!tpu.dma_semaphore, #tpu.memory_space<semaphore_mem>>) src(%dma_wait3A_60 : memref<64xi32, #tpu.memory_space<hbm>>) dst(%dma_wait3A_59 : memref<64xi32, #tpu.memory_space<vmem>>)
        tpu.yield
      }) : () -> ()
      %run_scoped3A_45 = arith.constant 0 : i32
      "tpu.region"() ({
        %run_scoped3A_46 = tpu.sem_alloc : memref<!tpu.dma_semaphore, #tpu.memory_space<semaphore_mem>>
        %dma_start3A = arith.constant 0 : i32
        %dma_start3A_47 = arith.constant 0 : i32
        %dma_start3A_48 = tpu.memref_slice %arg11[%dma_start3A, %dma_start3A_47] : memref<128x128xf32, #tpu.memory_space<vmem>> -> memref<64x128xf32, #tpu.memory_space<vmem>>
        %dma_start3A_49 = arith.constant 0 : i32
        %dma_start3A_50 = tpu.memref_slice %arg10[%run_scoped3A_45, %dma_start3A_49] : memref<1x64xi32, #tpu.memory_space<vmem>> -> memref<1x64xi32, #tpu.memory_space<vmem>>
        %dma_start3A_51 = tpu.memref_squeeze %dma_start3A_50 : memref<1x64xi32, #tpu.memory_space<vmem>> -> memref<64xi32, #tpu.memory_space<vmem>>
        %dma_start3A_52 = arith.constant 0 : i32
        %dma_start3A_53 = arith.constant 0 : i32
        %dma_start3A_54 = tpu.memref_slice %arg8[%dma_start3A_52, %dma_start3A_53] : memref<10496x128xf32, #tpu.memory_space<vmem_shared>> -> memref<10496x128xf32, #tpu.memory_space<vmem_shared>>
        tpu.enqueue_indirect_dma source(%dma_start3A_48 : memref<64x128xf32, #tpu.memory_space<vmem>>) target(%dma_start3A_54 : memref<10496x128xf32, #tpu.memory_space<vmem_shared>>) offsets(%dma_start3A_51 : memref<64xi32, #tpu.memory_space<vmem>>) semaphore(%run_scoped3A_46 : memref<!tpu.dma_semaphore, #tpu.memory_space<semaphore_mem>>) {add = true}
        %dma_wait3A = arith.constant 0 : i32
        %dma_wait3A_55 = arith.constant 0 : i32
        %dma_wait3A_56 = tpu.memref_slice %arg11[%dma_wait3A, %dma_wait3A_55] : memref<128x128xf32, #tpu.memory_space<vmem>> -> memref<64x128xf32, #tpu.memory_space<vmem>>
        %dma_wait3A_57 = arith.constant 0 : i32
        %dma_wait3A_58 = tpu.memref_slice %arg10[%run_scoped3A_45, %dma_wait3A_57] : memref<1x64xi32, #tpu.memory_space<vmem>> -> memref<1x64xi32, #tpu.memory_space<vmem>>
        %dma_wait3A_59 = tpu.memref_squeeze %dma_wait3A_58 : memref<1x64xi32, #tpu.memory_space<vmem>> -> memref<64xi32, #tpu.memory_space<vmem>>
        %dma_wait3A_60 = arith.constant 0 : i32
        %dma_wait3A_61 = arith.constant 0 : i32
        %dma_wait3A_62 = tpu.memref_slice %arg8[%dma_wait3A_60, %dma_wait3A_61] : memref<10496x128xf32, #tpu.memory_space<vmem_shared>> -> memref<10496x128xf32, #tpu.memory_space<vmem_shared>>
        tpu.wait_indirect_dma semaphore(%run_scoped3A_46 : memref<!tpu.dma_semaphore, #tpu.memory_space<semaphore_mem>>) src(%dma_wait3A_56 : memref<64x128xf32, #tpu.memory_space<vmem>>) dst(%dma_wait3A_62 : memref<10496x128xf32, #tpu.memory_space<vmem_shared>>)
        tpu.yield
      }) : () -> ()
    }
    %scan3A_19 = arith.constant 5 : i32
    %barrier3A_20 = arith.constant 0 : index
    tpu.barrier barrier_id(%barrier3A_20)
    %mul3A_21 = arith.constant 640 : i32
    %mul3A_22 = arith.muli %arg1, %mul3A_21 : i32
    %mul3A_23 = arith.constant 10240 : i32
    %mul3A_24 = arith.muli %arg0, %mul3A_23 : i32
    %mul3A_25 = arith.constant 640 : i32
    %mul3A_26 = arith.muli %arg1, %mul3A_25 : i32
    %add3A_27 = arith.addi %mul3A_24, %mul3A_26 : i32
    "tpu.region"() ({
      %run_scoped3A = tpu.sem_alloc : memref<!tpu.dma_semaphore, #tpu.memory_space<semaphore_mem>>
      %dma_start3A = arith.constant 0 : i32
      %dma_start3A_37 = tpu.memref_slice %arg6[%add3A_27, %dma_start3A] : memref<20480x128xf32, #tpu.memory_space<hbm>> -> memref<640x128xf32, #tpu.memory_space<hbm>>
      %dma_start3A_38 = arith.constant 0 : i32
      %dma_start3A_39 = tpu.memref_slice %arg8[%mul3A_22, %dma_start3A_38] : memref<10496x128xf32, #tpu.memory_space<vmem_shared>> -> memref<640x128xf32, #tpu.memory_space<vmem_shared>>
      tpu.enqueue_dma source(%dma_start3A_39 : memref<640x128xf32, #tpu.memory_space<vmem_shared>>) target(%dma_start3A_37 : memref<640x128xf32, #tpu.memory_space<hbm>>) target_semaphore(%run_scoped3A : memref<!tpu.dma_semaphore, #tpu.memory_space<semaphore_mem>>)
      %dma_wait3A = arith.constant 0 : i32
      %dma_wait3A_40 = tpu.memref_slice %arg6[%add3A_27, %dma_wait3A] : memref<20480x128xf32, #tpu.memory_space<hbm>> -> memref<640x128xf32, #tpu.memory_space<hbm>>
      %dma_wait3A_41 = arith.constant 0 : i32
      %dma_wait3A_42 = tpu.memref_slice %arg8[%mul3A_22, %dma_wait3A_41] : memref<10496x128xf32, #tpu.memory_space<vmem_shared>> -> memref<640x128xf32, #tpu.memory_space<vmem_shared>>
      tpu.wait_dma2 semaphore(%run_scoped3A : memref<!tpu.dma_semaphore, #tpu.memory_space<semaphore_mem>>) src(%dma_wait3A_42 : memref<640x128xf32, #tpu.memory_space<vmem_shared>>) dst(%dma_wait3A_40 : memref<640x128xf32, #tpu.memory_space<hbm>>)
      tpu.yield
    }) : () -> ()
    %mul3A_28 = arith.constant 16 : i32
    %mul3A_29 = arith.muli %arg1, %mul3A_28 : i32
    %add3A_30 = arith.constant 10240 : i32
    %add3A_31 = arith.addi %add3A_30, %mul3A_29 : i32
    %mul3A_32 = arith.constant 256 : i32
    %mul3A_33 = arith.muli %arg0, %mul3A_32 : i32
    %mul3A_34 = arith.constant 16 : i32
    %mul3A_35 = arith.muli %arg1, %mul3A_34 : i32
    %add3A_36 = arith.addi %mul3A_33, %mul3A_35 : i32
    "tpu.region"() ({
      %run_scoped3A = tpu.sem_alloc : memref<!tpu.dma_semaphore, #tpu.memory_space<semaphore_mem>>
      %dma_start3A = arith.constant 0 : i32
      %dma_start3A_37 = tpu.memref_slice %arg7[%add3A_36, %dma_start3A] : memref<512x128xf32, #tpu.memory_space<hbm>> -> memref<16x128xf32, #tpu.memory_space<hbm>>
      %dma_start3A_38 = arith.constant 0 : i32
      %dma_start3A_39 = tpu.memref_slice %arg8[%add3A_31, %dma_start3A_38] : memref<10496x128xf32, #tpu.memory_space<vmem_shared>> -> memref<16x128xf32, #tpu.memory_space<vmem_shared>>
      tpu.enqueue_dma source(%dma_start3A_39 : memref<16x128xf32, #tpu.memory_space<vmem_shared>>) target(%dma_start3A_37 : memref<16x128xf32, #tpu.memory_space<hbm>>) target_semaphore(%run_scoped3A : memref<!tpu.dma_semaphore, #tpu.memory_space<semaphore_mem>>)
      %dma_wait3A = arith.constant 0 : i32
      %dma_wait3A_40 = tpu.memref_slice %arg7[%add3A_36, %dma_wait3A] : memref<512x128xf32, #tpu.memory_space<hbm>> -> memref<16x128xf32, #tpu.memory_space<hbm>>
      %dma_wait3A_41 = arith.constant 0 : i32
      %dma_wait3A_42 = tpu.memref_slice %arg8[%add3A_31, %dma_wait3A_41] : memref<10496x128xf32, #tpu.memory_space<vmem_shared>> -> memref<16x128xf32, #tpu.memory_space<vmem_shared>>
      tpu.wait_dma2 semaphore(%run_scoped3A : memref<!tpu.dma_semaphore, #tpu.memory_space<semaphore_mem>>) src(%dma_wait3A_42 : memref<16x128xf32, #tpu.memory_space<vmem_shared>>) dst(%dma_wait3A_40 : memref<16x128xf32, #tpu.memory_space<hbm>>)
      tpu.yield
    }) : () -> ()
    return
  }
}

#map = affine_map<(d0, d1) -> (0, 0)>
#map1 = affine_map<(d0, d1) -> (0)>
module attributes {stable_mosaic.version = 14 : i64} {
  func.func @_sc_spmm(%arg0: i32, %arg1: i32, %arg2: memref<20480x128xf32, #tpu.memory_space<hbm>>, %arg3: memref<643200xi32, #tpu.memory_space<hbm>>, %arg4: memref<321536xi32, #tpu.memory_space<hbm>>, %arg5: memref<640x128xf32, #tpu.memory_space<hbm>>, %arg6: memref<20480x128xf32, #tpu.memory_space<hbm>>, %arg7: memref<10240x128xf32, #tpu.memory_space<vmem_shared>>, %arg8: memref<128xi32, #tpu.memory_space<vmem>>, %arg9: memref<1x128xi32, #tpu.memory_space<vmem>>, %arg10: memref<128x128xf32, #tpu.memory_space<vmem>>, %arg11: memref<!tpu.dma_semaphore, #tpu.memory_space<semaphore_mem>>) attributes {dimension_semantics = [#tpu.dimension_semantics<core_parallel>, #tpu.dimension_semantics<subcore_parallel>], iteration_bounds = array<i64: 2, 16>, scalar_prefetch = 0 : i64, scratch_operands = 5 : i64, tpu.core_type = #tpu.core_type<sc_vector_subcore>, window_params = [{transform_indices = #map}, {transform_indices = #map1}, {transform_indices = #map1}, {transform_indices = #map}, {transform_indices = #map}]} {
    %mul3A = arith.constant 640 : i32
    %mul3A_0 = arith.muli %arg1, %mul3A : i32
    "tpu.region"() ({
      %run_scoped3A = tpu.sem_alloc : memref<!tpu.dma_semaphore, #tpu.memory_space<semaphore_mem>>
      %dma_start3A = arith.constant 0 : i32
      %dma_start3A_19 = tpu.memref_slice %arg7[%mul3A_0, %dma_start3A] : memref<10240x128xf32, #tpu.memory_space<vmem_shared>> -> memref<640x128xf32, #tpu.memory_space<vmem_shared>>
      tpu.enqueue_dma source(%arg5 : memref<640x128xf32, #tpu.memory_space<hbm>>) target(%dma_start3A_19 : memref<640x128xf32, #tpu.memory_space<vmem_shared>>) target_semaphore(%run_scoped3A : memref<!tpu.dma_semaphore, #tpu.memory_space<semaphore_mem>>)
      %dma_wait3A = arith.constant 0 : i32
      %dma_wait3A_20 = tpu.memref_slice %arg7[%mul3A_0, %dma_wait3A] : memref<10240x128xf32, #tpu.memory_space<vmem_shared>> -> memref<640x128xf32, #tpu.memory_space<vmem_shared>>
      tpu.wait_dma2 semaphore(%run_scoped3A : memref<!tpu.dma_semaphore, #tpu.memory_space<semaphore_mem>>) src(%arg5 : memref<640x128xf32, #tpu.memory_space<hbm>>) dst(%dma_wait3A_20 : memref<640x128xf32, #tpu.memory_space<vmem_shared>>)
      tpu.yield
    }) : () -> ()
    %barrier3A = arith.constant 0 : index
    tpu.barrier barrier_id(%barrier3A)
    %mul3A_1 = arith.constant 321536 : i32
    %mul3A_2 = arith.muli %arg0, %mul3A_1 : i32
    %mul3A_3 = arith.constant 20096 : i32
    %mul3A_4 = arith.muli %arg1, %mul3A_3 : i32
    %add3A = arith.addi %mul3A_2, %mul3A_4 : i32
    %mul3A_5 = arith.constant 20096 : i32
    %mul3A_6 = arith.muli %arg1, %mul3A_5 : i32
    %scan3A = arith.constant 0 : i32
    %scan3A_7 = arith.constant 157 : i32
    %scan3A_8 = arith.addi %scan3A, %scan3A_7 : i32
    %scan3A_9 = arith.constant 1 : i32
    scf.for %scan3A_19 = %scan3A to %scan3A_8 step %scan3A_9  : i32 {
      %mul3A_20 = arith.constant 1 : i32
      %mul3A_21 = arith.muli %scan3A_19, %mul3A_20 : i32
      %add3A_22 = arith.constant 0 : i32
      %add3A_23 = arith.addi %add3A_22, %mul3A_21 : i32
      %mul3A_24 = arith.constant 128 : i32
      %mul3A_25 = arith.muli %add3A_23, %mul3A_24 : i32
      %add3A_26 = arith.addi %add3A, %mul3A_25 : i32
      %multiple_of3A = tpu.assume_multiple %add3A_26, 8 : i32
      %mul3A_27 = arith.constant 128 : i32
      %mul3A_28 = arith.muli %add3A_23, %mul3A_27 : i32
      %add3A_29 = arith.addi %mul3A_6, %mul3A_28 : i32
      %multiple_of3A_30 = tpu.assume_multiple %add3A_29, 8 : i32
      "tpu.region"() ({
        %run_scoped3A_36 = tpu.sem_alloc : memref<!tpu.dma_semaphore, #tpu.memory_space<semaphore_mem>>
        %dma_start3A_37 = tpu.memref_slice %arg3[%multiple_of3A] : memref<643200xi32, #tpu.memory_space<hbm>> -> memref<128xi32, #tpu.memory_space<hbm>>
        %dma_start3A_38 = tpu.memref_slice %arg3[%multiple_of3A] : memref<643200xi32, #tpu.memory_space<hbm>> -> memref<128xi32, #tpu.memory_space<hbm>>
        tpu.enqueue_dma source(%dma_start3A_38 : memref<128xi32, #tpu.memory_space<hbm>>) target(%arg8 : memref<128xi32, #tpu.memory_space<vmem>>) target_semaphore(%run_scoped3A_36 : memref<!tpu.dma_semaphore, #tpu.memory_space<semaphore_mem>>)
        %dma_wait3A_39 = tpu.memref_slice %arg3[%multiple_of3A] : memref<643200xi32, #tpu.memory_space<hbm>> -> memref<128xi32, #tpu.memory_space<hbm>>
        %dma_wait3A_40 = tpu.memref_slice %arg3[%multiple_of3A] : memref<643200xi32, #tpu.memory_space<hbm>> -> memref<128xi32, #tpu.memory_space<hbm>>
        tpu.wait_dma2 semaphore(%run_scoped3A_36 : memref<!tpu.dma_semaphore, #tpu.memory_space<semaphore_mem>>) src(%dma_wait3A_40 : memref<128xi32, #tpu.memory_space<hbm>>) dst(%arg8 : memref<128xi32, #tpu.memory_space<vmem>>)
        tpu.yield
      }) : () -> ()
      %run_scoped3A = arith.constant 0 : i32
      "tpu.region"() ({
        %run_scoped3A_36 = tpu.sem_alloc : memref<!tpu.dma_semaphore, #tpu.memory_space<semaphore_mem>>
        %dma_start3A_37 = arith.constant 0 : i32
        %dma_start3A_38 = tpu.memref_slice %arg9[%run_scoped3A, %dma_start3A_37] : memref<1x128xi32, #tpu.memory_space<vmem>> -> memref<1x128xi32, #tpu.memory_space<vmem>>
        %dma_start3A_39 = tpu.memref_squeeze %dma_start3A_38 : memref<1x128xi32, #tpu.memory_space<vmem>> -> memref<128xi32, #tpu.memory_space<vmem>>
        %dma_start3A_40 = tpu.memref_slice %arg4[%multiple_of3A_30] : memref<321536xi32, #tpu.memory_space<hbm>> -> memref<128xi32, #tpu.memory_space<hbm>>
        %dma_start3A_41 = arith.constant 0 : i32
        %dma_start3A_42 = tpu.memref_slice %arg9[%run_scoped3A, %dma_start3A_41] : memref<1x128xi32, #tpu.memory_space<vmem>> -> memref<1x128xi32, #tpu.memory_space<vmem>>
        %dma_start3A_43 = tpu.memref_squeeze %dma_start3A_42 : memref<1x128xi32, #tpu.memory_space<vmem>> -> memref<128xi32, #tpu.memory_space<vmem>>
        %dma_start3A_44 = tpu.memref_slice %arg4[%multiple_of3A_30] : memref<321536xi32, #tpu.memory_space<hbm>> -> memref<128xi32, #tpu.memory_space<hbm>>
        tpu.enqueue_dma source(%dma_start3A_44 : memref<128xi32, #tpu.memory_space<hbm>>) target(%dma_start3A_43 : memref<128xi32, #tpu.memory_space<vmem>>) target_semaphore(%run_scoped3A_36 : memref<!tpu.dma_semaphore, #tpu.memory_space<semaphore_mem>>)
        %dma_wait3A_45 = arith.constant 0 : i32
        %dma_wait3A_46 = tpu.memref_slice %arg9[%run_scoped3A, %dma_wait3A_45] : memref<1x128xi32, #tpu.memory_space<vmem>> -> memref<1x128xi32, #tpu.memory_space<vmem>>
        %dma_wait3A_47 = tpu.memref_squeeze %dma_wait3A_46 : memref<1x128xi32, #tpu.memory_space<vmem>> -> memref<128xi32, #tpu.memory_space<vmem>>
        %dma_wait3A_48 = tpu.memref_slice %arg4[%multiple_of3A_30] : memref<321536xi32, #tpu.memory_space<hbm>> -> memref<128xi32, #tpu.memory_space<hbm>>
        %dma_wait3A_49 = arith.constant 0 : i32
        %dma_wait3A_50 = tpu.memref_slice %arg9[%run_scoped3A, %dma_wait3A_49] : memref<1x128xi32, #tpu.memory_space<vmem>> -> memref<1x128xi32, #tpu.memory_space<vmem>>
        %dma_wait3A_51 = tpu.memref_squeeze %dma_wait3A_50 : memref<1x128xi32, #tpu.memory_space<vmem>> -> memref<128xi32, #tpu.memory_space<vmem>>
        %dma_wait3A_52 = tpu.memref_slice %arg4[%multiple_of3A_30] : memref<321536xi32, #tpu.memory_space<hbm>> -> memref<128xi32, #tpu.memory_space<hbm>>
        tpu.wait_dma2 semaphore(%run_scoped3A_36 : memref<!tpu.dma_semaphore, #tpu.memory_space<semaphore_mem>>) src(%dma_wait3A_52 : memref<128xi32, #tpu.memory_space<hbm>>) dst(%dma_wait3A_51 : memref<128xi32, #tpu.memory_space<vmem>>)
        tpu.yield
      }) : () -> ()
      %dma_start3A = arith.constant 0 : i32
      %dma_start3A_31 = arith.constant 0 : i32
      %dma_start3A_32 = tpu.memref_slice %arg2[%dma_start3A, %dma_start3A_31] : memref<20480x128xf32, #tpu.memory_space<hbm>> -> memref<20480x128xf32, #tpu.memory_space<hbm>>
      tpu.enqueue_indirect_dma source(%dma_start3A_32 : memref<20480x128xf32, #tpu.memory_space<hbm>>) target(%arg10 : memref<128x128xf32, #tpu.memory_space<vmem>>) offsets(%arg8 : memref<128xi32, #tpu.memory_space<vmem>>) semaphore(%arg11 : memref<!tpu.dma_semaphore, #tpu.memory_space<semaphore_mem>>)
      %dma_wait3A = arith.constant 0 : i32
      %dma_wait3A_33 = arith.constant 0 : i32
      %dma_wait3A_34 = tpu.memref_slice %arg2[%dma_wait3A, %dma_wait3A_33] : memref<20480x128xf32, #tpu.memory_space<hbm>> -> memref<20480x128xf32, #tpu.memory_space<hbm>>
      tpu.wait_indirect_dma semaphore(%arg11 : memref<!tpu.dma_semaphore, #tpu.memory_space<semaphore_mem>>) src(%dma_wait3A_34 : memref<20480x128xf32, #tpu.memory_space<hbm>>) dst(%arg10 : memref<128x128xf32, #tpu.memory_space<vmem>>)
      %run_scoped3A_35 = arith.constant 0 : i32
      "tpu.region"() ({
        %run_scoped3A_36 = tpu.sem_alloc : memref<!tpu.dma_semaphore, #tpu.memory_space<semaphore_mem>>
        %dma_start3A_37 = arith.constant 0 : i32
        %dma_start3A_38 = tpu.memref_slice %arg9[%run_scoped3A_35, %dma_start3A_37] : memref<1x128xi32, #tpu.memory_space<vmem>> -> memref<1x128xi32, #tpu.memory_space<vmem>>
        %dma_start3A_39 = tpu.memref_squeeze %dma_start3A_38 : memref<1x128xi32, #tpu.memory_space<vmem>> -> memref<128xi32, #tpu.memory_space<vmem>>
        %dma_start3A_40 = arith.constant 0 : i32
        %dma_start3A_41 = arith.constant 0 : i32
        %dma_start3A_42 = tpu.memref_slice %arg7[%dma_start3A_40, %dma_start3A_41] : memref<10240x128xf32, #tpu.memory_space<vmem_shared>> -> memref<10240x128xf32, #tpu.memory_space<vmem_shared>>
        tpu.enqueue_indirect_dma source(%arg10 : memref<128x128xf32, #tpu.memory_space<vmem>>) target(%dma_start3A_42 : memref<10240x128xf32, #tpu.memory_space<vmem_shared>>) offsets(%dma_start3A_39 : memref<128xi32, #tpu.memory_space<vmem>>) semaphore(%run_scoped3A_36 : memref<!tpu.dma_semaphore, #tpu.memory_space<semaphore_mem>>) {add = true}
        %dma_wait3A_43 = arith.constant 0 : i32
        %dma_wait3A_44 = tpu.memref_slice %arg9[%run_scoped3A_35, %dma_wait3A_43] : memref<1x128xi32, #tpu.memory_space<vmem>> -> memref<1x128xi32, #tpu.memory_space<vmem>>
        %dma_wait3A_45 = tpu.memref_squeeze %dma_wait3A_44 : memref<1x128xi32, #tpu.memory_space<vmem>> -> memref<128xi32, #tpu.memory_space<vmem>>
        %dma_wait3A_46 = arith.constant 0 : i32
        %dma_wait3A_47 = arith.constant 0 : i32
        %dma_wait3A_48 = tpu.memref_slice %arg7[%dma_wait3A_46, %dma_wait3A_47] : memref<10240x128xf32, #tpu.memory_space<vmem_shared>> -> memref<10240x128xf32, #tpu.memory_space<vmem_shared>>
        tpu.wait_indirect_dma semaphore(%run_scoped3A_36 : memref<!tpu.dma_semaphore, #tpu.memory_space<semaphore_mem>>) src(%arg10 : memref<128x128xf32, #tpu.memory_space<vmem>>) dst(%dma_wait3A_48 : memref<10240x128xf32, #tpu.memory_space<vmem_shared>>)
        tpu.yield
      }) : () -> ()
    }
    %scan3A_10 = arith.constant 157 : i32
    %barrier3A_11 = arith.constant 0 : index
    tpu.barrier barrier_id(%barrier3A_11)
    %mul3A_12 = arith.constant 640 : i32
    %mul3A_13 = arith.muli %arg1, %mul3A_12 : i32
    %mul3A_14 = arith.constant 10240 : i32
    %mul3A_15 = arith.muli %arg0, %mul3A_14 : i32
    %mul3A_16 = arith.constant 640 : i32
    %mul3A_17 = arith.muli %arg1, %mul3A_16 : i32
    %add3A_18 = arith.addi %mul3A_15, %mul3A_17 : i32
    "tpu.region"() ({
      %run_scoped3A = tpu.sem_alloc : memref<!tpu.dma_semaphore, #tpu.memory_space<semaphore_mem>>
      %dma_start3A = arith.constant 0 : i32
      %dma_start3A_19 = tpu.memref_slice %arg6[%add3A_18, %dma_start3A] : memref<20480x128xf32, #tpu.memory_space<hbm>> -> memref<640x128xf32, #tpu.memory_space<hbm>>
      %dma_start3A_20 = arith.constant 0 : i32
      %dma_start3A_21 = tpu.memref_slice %arg7[%mul3A_13, %dma_start3A_20] : memref<10240x128xf32, #tpu.memory_space<vmem_shared>> -> memref<640x128xf32, #tpu.memory_space<vmem_shared>>
      tpu.enqueue_dma source(%dma_start3A_21 : memref<640x128xf32, #tpu.memory_space<vmem_shared>>) target(%dma_start3A_19 : memref<640x128xf32, #tpu.memory_space<hbm>>) target_semaphore(%run_scoped3A : memref<!tpu.dma_semaphore, #tpu.memory_space<semaphore_mem>>)
      %dma_wait3A = arith.constant 0 : i32
      %dma_wait3A_22 = tpu.memref_slice %arg6[%add3A_18, %dma_wait3A] : memref<20480x128xf32, #tpu.memory_space<hbm>> -> memref<640x128xf32, #tpu.memory_space<hbm>>
      %dma_wait3A_23 = arith.constant 0 : i32
      %dma_wait3A_24 = tpu.memref_slice %arg7[%mul3A_13, %dma_wait3A_23] : memref<10240x128xf32, #tpu.memory_space<vmem_shared>> -> memref<640x128xf32, #tpu.memory_space<vmem_shared>>
      tpu.wait_dma2 semaphore(%run_scoped3A : memref<!tpu.dma_semaphore, #tpu.memory_space<semaphore_mem>>) src(%dma_wait3A_24 : memref<640x128xf32, #tpu.memory_space<vmem_shared>>) dst(%dma_wait3A_22 : memref<640x128xf32, #tpu.memory_space<hbm>>)
      tpu.yield
    }) : () -> ()
    return
  }
}

#map = affine_map<(d0, d1) -> (0, 0)>
#map1 = affine_map<(d0, d1) -> (0)>
module attributes {stable_mosaic.version = 14 : i64} {
  func.func @_sc_pool(%arg0: i32, %arg1: i32, %arg2: memref<20480x128xf32, #tpu.memory_space<hbm>>, %arg3: memref<10240xi32, #tpu.memory_space<hbm>>, %arg4: memref<640x128xf32, #tpu.memory_space<hbm>>, %arg5: memref<512x128xf32, #tpu.memory_space<hbm>>, %arg6: memref<256x128xf32, #tpu.memory_space<vmem_shared>>, %arg7: memref<1x128xi32, #tpu.memory_space<vmem>>, %arg8: memref<128x128xf32, #tpu.memory_space<vmem>>) attributes {dimension_semantics = [#tpu.dimension_semantics<core_parallel>, #tpu.dimension_semantics<subcore_parallel>], iteration_bounds = array<i64: 2, 16>, scalar_prefetch = 0 : i64, scratch_operands = 3 : i64, tpu.core_type = #tpu.core_type<sc_vector_subcore>, window_params = [{transform_indices = #map}, {transform_indices = #map1}, {transform_indices = #map}, {transform_indices = #map}]} {
    %mul3A = arith.constant 16 : i32
    %mul3A_0 = arith.muli %arg1, %mul3A : i32
    "tpu.region"() ({
      %run_scoped3A = tpu.sem_alloc : memref<!tpu.dma_semaphore, #tpu.memory_space<semaphore_mem>>
      %dma_start3A = arith.constant 0 : i32
      %dma_start3A_14 = tpu.memref_slice %arg6[%mul3A_0, %dma_start3A] : memref<256x128xf32, #tpu.memory_space<vmem_shared>> -> memref<16x128xf32, #tpu.memory_space<vmem_shared>>
      %dma_start3A_15 = arith.constant 0 : i32
      %dma_start3A_16 = arith.constant 0 : i32
      %dma_start3A_17 = tpu.memref_slice %arg4[%dma_start3A_15, %dma_start3A_16] : memref<640x128xf32, #tpu.memory_space<hbm>> -> memref<16x128xf32, #tpu.memory_space<hbm>>
      tpu.enqueue_dma source(%dma_start3A_17 : memref<16x128xf32, #tpu.memory_space<hbm>>) target(%dma_start3A_14 : memref<16x128xf32, #tpu.memory_space<vmem_shared>>) target_semaphore(%run_scoped3A : memref<!tpu.dma_semaphore, #tpu.memory_space<semaphore_mem>>)
      %dma_wait3A = arith.constant 0 : i32
      %dma_wait3A_18 = tpu.memref_slice %arg6[%mul3A_0, %dma_wait3A] : memref<256x128xf32, #tpu.memory_space<vmem_shared>> -> memref<16x128xf32, #tpu.memory_space<vmem_shared>>
      %dma_wait3A_19 = arith.constant 0 : i32
      %dma_wait3A_20 = arith.constant 0 : i32
      %dma_wait3A_21 = tpu.memref_slice %arg4[%dma_wait3A_19, %dma_wait3A_20] : memref<640x128xf32, #tpu.memory_space<hbm>> -> memref<16x128xf32, #tpu.memory_space<hbm>>
      tpu.wait_dma2 semaphore(%run_scoped3A : memref<!tpu.dma_semaphore, #tpu.memory_space<semaphore_mem>>) src(%dma_wait3A_21 : memref<16x128xf32, #tpu.memory_space<hbm>>) dst(%dma_wait3A_18 : memref<16x128xf32, #tpu.memory_space<vmem_shared>>)
      tpu.yield
    }) : () -> ()
    %barrier3A = arith.constant 0 : index
    tpu.barrier barrier_id(%barrier3A)
    %mul3A_1 = arith.constant 640 : i32
    %mul3A_2 = arith.muli %arg1, %mul3A_1 : i32
    %scan3A = arith.constant 0 : i32
    %scan3A_3 = arith.constant 5 : i32
    %scan3A_4 = arith.addi %scan3A, %scan3A_3 : i32
    %scan3A_5 = arith.constant 1 : i32
    scf.for %scan3A_14 = %scan3A to %scan3A_4 step %scan3A_5  : i32 {
      %mul3A_15 = arith.constant 1 : i32
      %mul3A_16 = arith.muli %scan3A_14, %mul3A_15 : i32
      %add3A_17 = arith.constant 0 : i32
      %add3A_18 = arith.addi %add3A_17, %mul3A_16 : i32
      %mul3A_19 = arith.constant 128 : i32
      %mul3A_20 = arith.muli %add3A_18, %mul3A_19 : i32
      %add3A_21 = arith.addi %mul3A_2, %mul3A_20 : i32
      %multiple_of3A = tpu.assume_multiple %add3A_21, 8 : i32
      %mul3A_22 = arith.constant 10240 : i32
      %mul3A_23 = arith.muli %arg0, %mul3A_22 : i32
      %add3A_24 = arith.addi %mul3A_23, %mul3A_2 : i32
      %mul3A_25 = arith.constant 128 : i32
      %mul3A_26 = arith.muli %add3A_18, %mul3A_25 : i32
      %add3A_27 = arith.addi %add3A_24, %mul3A_26 : i32
      %multiple_of3A_28 = tpu.assume_multiple %add3A_27, 8 : i32
      "tpu.region"() ({
        %run_scoped3A_30 = tpu.sem_alloc : memref<!tpu.dma_semaphore, #tpu.memory_space<semaphore_mem>>
        %dma_start3A = arith.constant 0 : i32
        %dma_start3A_31 = tpu.memref_slice %arg2[%multiple_of3A_28, %dma_start3A] : memref<20480x128xf32, #tpu.memory_space<hbm>> -> memref<128x128xf32, #tpu.memory_space<hbm>>
        %dma_start3A_32 = arith.constant 0 : i32
        %dma_start3A_33 = tpu.memref_slice %arg2[%multiple_of3A_28, %dma_start3A_32] : memref<20480x128xf32, #tpu.memory_space<hbm>> -> memref<128x128xf32, #tpu.memory_space<hbm>>
        tpu.enqueue_dma source(%dma_start3A_33 : memref<128x128xf32, #tpu.memory_space<hbm>>) target(%arg8 : memref<128x128xf32, #tpu.memory_space<vmem>>) target_semaphore(%run_scoped3A_30 : memref<!tpu.dma_semaphore, #tpu.memory_space<semaphore_mem>>)
        %dma_wait3A = arith.constant 0 : i32
        %dma_wait3A_34 = tpu.memref_slice %arg2[%multiple_of3A_28, %dma_wait3A] : memref<20480x128xf32, #tpu.memory_space<hbm>> -> memref<128x128xf32, #tpu.memory_space<hbm>>
        %dma_wait3A_35 = arith.constant 0 : i32
        %dma_wait3A_36 = tpu.memref_slice %arg2[%multiple_of3A_28, %dma_wait3A_35] : memref<20480x128xf32, #tpu.memory_space<hbm>> -> memref<128x128xf32, #tpu.memory_space<hbm>>
        tpu.wait_dma2 semaphore(%run_scoped3A_30 : memref<!tpu.dma_semaphore, #tpu.memory_space<semaphore_mem>>) src(%dma_wait3A_36 : memref<128x128xf32, #tpu.memory_space<hbm>>) dst(%arg8 : memref<128x128xf32, #tpu.memory_space<vmem>>)
        tpu.yield
      }) : () -> ()
      %run_scoped3A = arith.constant 0 : i32
      "tpu.region"() ({
        %run_scoped3A_30 = tpu.sem_alloc : memref<!tpu.dma_semaphore, #tpu.memory_space<semaphore_mem>>
        %dma_start3A = arith.constant 0 : i32
        %dma_start3A_31 = tpu.memref_slice %arg7[%run_scoped3A, %dma_start3A] : memref<1x128xi32, #tpu.memory_space<vmem>> -> memref<1x128xi32, #tpu.memory_space<vmem>>
        %dma_start3A_32 = tpu.memref_squeeze %dma_start3A_31 : memref<1x128xi32, #tpu.memory_space<vmem>> -> memref<128xi32, #tpu.memory_space<vmem>>
        %dma_start3A_33 = tpu.memref_slice %arg3[%multiple_of3A] : memref<10240xi32, #tpu.memory_space<hbm>> -> memref<128xi32, #tpu.memory_space<hbm>>
        %dma_start3A_34 = arith.constant 0 : i32
        %dma_start3A_35 = tpu.memref_slice %arg7[%run_scoped3A, %dma_start3A_34] : memref<1x128xi32, #tpu.memory_space<vmem>> -> memref<1x128xi32, #tpu.memory_space<vmem>>
        %dma_start3A_36 = tpu.memref_squeeze %dma_start3A_35 : memref<1x128xi32, #tpu.memory_space<vmem>> -> memref<128xi32, #tpu.memory_space<vmem>>
        %dma_start3A_37 = tpu.memref_slice %arg3[%multiple_of3A] : memref<10240xi32, #tpu.memory_space<hbm>> -> memref<128xi32, #tpu.memory_space<hbm>>
        tpu.enqueue_dma source(%dma_start3A_37 : memref<128xi32, #tpu.memory_space<hbm>>) target(%dma_start3A_36 : memref<128xi32, #tpu.memory_space<vmem>>) target_semaphore(%run_scoped3A_30 : memref<!tpu.dma_semaphore, #tpu.memory_space<semaphore_mem>>)
        %dma_wait3A = arith.constant 0 : i32
        %dma_wait3A_38 = tpu.memref_slice %arg7[%run_scoped3A, %dma_wait3A] : memref<1x128xi32, #tpu.memory_space<vmem>> -> memref<1x128xi32, #tpu.memory_space<vmem>>
        %dma_wait3A_39 = tpu.memref_squeeze %dma_wait3A_38 : memref<1x128xi32, #tpu.memory_space<vmem>> -> memref<128xi32, #tpu.memory_space<vmem>>
        %dma_wait3A_40 = tpu.memref_slice %arg3[%multiple_of3A] : memref<10240xi32, #tpu.memory_space<hbm>> -> memref<128xi32, #tpu.memory_space<hbm>>
        %dma_wait3A_41 = arith.constant 0 : i32
        %dma_wait3A_42 = tpu.memref_slice %arg7[%run_scoped3A, %dma_wait3A_41] : memref<1x128xi32, #tpu.memory_space<vmem>> -> memref<1x128xi32, #tpu.memory_space<vmem>>
        %dma_wait3A_43 = tpu.memref_squeeze %dma_wait3A_42 : memref<1x128xi32, #tpu.memory_space<vmem>> -> memref<128xi32, #tpu.memory_space<vmem>>
        %dma_wait3A_44 = tpu.memref_slice %arg3[%multiple_of3A] : memref<10240xi32, #tpu.memory_space<hbm>> -> memref<128xi32, #tpu.memory_space<hbm>>
        tpu.wait_dma2 semaphore(%run_scoped3A_30 : memref<!tpu.dma_semaphore, #tpu.memory_space<semaphore_mem>>) src(%dma_wait3A_44 : memref<128xi32, #tpu.memory_space<hbm>>) dst(%dma_wait3A_43 : memref<128xi32, #tpu.memory_space<vmem>>)
        tpu.yield
      }) : () -> ()
      %run_scoped3A_29 = arith.constant 0 : i32
      "tpu.region"() ({
        %run_scoped3A_30 = tpu.sem_alloc : memref<!tpu.dma_semaphore, #tpu.memory_space<semaphore_mem>>
        %dma_start3A = arith.constant 0 : i32
        %dma_start3A_31 = tpu.memref_slice %arg7[%run_scoped3A_29, %dma_start3A] : memref<1x128xi32, #tpu.memory_space<vmem>> -> memref<1x128xi32, #tpu.memory_space<vmem>>
        %dma_start3A_32 = tpu.memref_squeeze %dma_start3A_31 : memref<1x128xi32, #tpu.memory_space<vmem>> -> memref<128xi32, #tpu.memory_space<vmem>>
        %dma_start3A_33 = arith.constant 0 : i32
        %dma_start3A_34 = arith.constant 0 : i32
        %dma_start3A_35 = tpu.memref_slice %arg6[%dma_start3A_33, %dma_start3A_34] : memref<256x128xf32, #tpu.memory_space<vmem_shared>> -> memref<256x128xf32, #tpu.memory_space<vmem_shared>>
        tpu.enqueue_indirect_dma source(%arg8 : memref<128x128xf32, #tpu.memory_space<vmem>>) target(%dma_start3A_35 : memref<256x128xf32, #tpu.memory_space<vmem_shared>>) offsets(%dma_start3A_32 : memref<128xi32, #tpu.memory_space<vmem>>) semaphore(%run_scoped3A_30 : memref<!tpu.dma_semaphore, #tpu.memory_space<semaphore_mem>>) {add = true}
        %dma_wait3A = arith.constant 0 : i32
        %dma_wait3A_36 = tpu.memref_slice %arg7[%run_scoped3A_29, %dma_wait3A] : memref<1x128xi32, #tpu.memory_space<vmem>> -> memref<1x128xi32, #tpu.memory_space<vmem>>
        %dma_wait3A_37 = tpu.memref_squeeze %dma_wait3A_36 : memref<1x128xi32, #tpu.memory_space<vmem>> -> memref<128xi32, #tpu.memory_space<vmem>>
        %dma_wait3A_38 = arith.constant 0 : i32
        %dma_wait3A_39 = arith.constant 0 : i32
        %dma_wait3A_40 = tpu.memref_slice %arg6[%dma_wait3A_38, %dma_wait3A_39] : memref<256x128xf32, #tpu.memory_space<vmem_shared>> -> memref<256x128xf32, #tpu.memory_space<vmem_shared>>
        tpu.wait_indirect_dma semaphore(%run_scoped3A_30 : memref<!tpu.dma_semaphore, #tpu.memory_space<semaphore_mem>>) src(%arg8 : memref<128x128xf32, #tpu.memory_space<vmem>>) dst(%dma_wait3A_40 : memref<256x128xf32, #tpu.memory_space<vmem_shared>>)
        tpu.yield
      }) : () -> ()
    }
    %scan3A_6 = arith.constant 5 : i32
    %barrier3A_7 = arith.constant 0 : index
    tpu.barrier barrier_id(%barrier3A_7)
    %mul3A_8 = arith.constant 16 : i32
    %mul3A_9 = arith.muli %arg1, %mul3A_8 : i32
    %mul3A_10 = arith.constant 256 : i32
    %mul3A_11 = arith.muli %arg0, %mul3A_10 : i32
    %mul3A_12 = arith.constant 16 : i32
    %mul3A_13 = arith.muli %arg1, %mul3A_12 : i32
    %add3A = arith.addi %mul3A_11, %mul3A_13 : i32
    "tpu.region"() ({
      %run_scoped3A = tpu.sem_alloc : memref<!tpu.dma_semaphore, #tpu.memory_space<semaphore_mem>>
      %dma_start3A = arith.constant 0 : i32
      %dma_start3A_14 = tpu.memref_slice %arg5[%add3A, %dma_start3A] : memref<512x128xf32, #tpu.memory_space<hbm>> -> memref<16x128xf32, #tpu.memory_space<hbm>>
      %dma_start3A_15 = arith.constant 0 : i32
      %dma_start3A_16 = tpu.memref_slice %arg6[%mul3A_9, %dma_start3A_15] : memref<256x128xf32, #tpu.memory_space<vmem_shared>> -> memref<16x128xf32, #tpu.memory_space<vmem_shared>>
      tpu.enqueue_dma source(%dma_start3A_16 : memref<16x128xf32, #tpu.memory_space<vmem_shared>>) target(%dma_start3A_14 : memref<16x128xf32, #tpu.memory_space<hbm>>) target_semaphore(%run_scoped3A : memref<!tpu.dma_semaphore, #tpu.memory_space<semaphore_mem>>)
      %dma_wait3A = arith.constant 0 : i32
      %dma_wait3A_17 = tpu.memref_slice %arg5[%add3A, %dma_wait3A] : memref<512x128xf32, #tpu.memory_space<hbm>> -> memref<16x128xf32, #tpu.memory_space<hbm>>
      %dma_wait3A_18 = arith.constant 0 : i32
      %dma_wait3A_19 = tpu.memref_slice %arg6[%mul3A_9, %dma_wait3A_18] : memref<256x128xf32, #tpu.memory_space<vmem_shared>> -> memref<16x128xf32, #tpu.memory_space<vmem_shared>>
      tpu.wait_dma2 semaphore(%run_scoped3A : memref<!tpu.dma_semaphore, #tpu.memory_space<semaphore_mem>>) src(%dma_wait3A_19 : memref<16x128xf32, #tpu.memory_space<vmem_shared>>) dst(%dma_wait3A_17 : memref<16x128xf32, #tpu.memory_space<hbm>>)
      tpu.yield
    }) : () -> ()
    return
  }
}

module attributes {stable_mosaic.version = 14 : i64} {
  func.func @_emb_body(%arg0: i32, %arg1: i32, %arg2: memref<640x128xf32, #tpu.memory_space<vmem>>, %arg3: memref<128x128xf32, #tpu.memory_space<vmem>>, %arg4: memref<1x128xf32, #tpu.memory_space<vmem>>, %arg5: memref<640x128xf32, #tpu.memory_space<vmem>>) attributes {dimension_semantics = [#tpu.dimension_semantics<arbitrary>, #tpu.dimension_semantics<arbitrary>], iteration_bounds = array<i64: 2, 16>, scalar_prefetch = 0 : i64, scratch_operands = 0 : i64, tpu.core_type = #tpu.core_type<tc>, window_params = [{transform_indices = @transform_0, window_bounds = array<i64: 640, 128>}, {transform_indices = @transform_1, window_bounds = array<i64: 128, 128>}, {transform_indices = @transform_2, window_bounds = array<i64: 1, 128>}, {transform_indices = @transform_3, window_bounds = array<i64: 640, 128>}]} {
    %get3A = arith.constant 0 : index
    %get3A_0 = arith.constant 0 : index
    %get3A_1 = vector.load %arg2[%get3A, %get3A_0] : memref<640x128xf32, #tpu.memory_space<vmem>>, vector<640x128xf32>
    %get3A_2 = arith.constant 0 : index
    %get3A_3 = arith.constant 0 : index
    %get3A_4 = vector.load %arg3[%get3A_2, %get3A_3] : memref<128x128xf32, #tpu.memory_space<vmem>>, vector<128x128xf32>
    %dot_general3A = arith.constant dense<0.000000e+00> : vector<640x128xf32>
    %dot_general3A_5 = tpu.matmul %get3A_1, %get3A_4, %dot_general3A {dimension_numbers = #tpu.dot_dimension_numbers<[1], [0], [0], [1], [0, 0, 1, 1], [], []>, transpose_lhs_hint = false} : vector<640x128xf32>, vector<128x128xf32>, vector<640x128xf32> -> vector<640x128xf32>
    %get3A_6 = arith.constant 0 : index
    %get3A_7 = arith.constant 0 : index
    %get3A_8 = vector.load %arg4[%get3A_6, %get3A_7] : memref<1x128xf32, #tpu.memory_space<vmem>>, vector<1x128xf32>
    %add3A = vector.broadcast %get3A_8 : vector<1x128xf32> to vector<640x128xf32>
    %add3A_9 = arith.addf %dot_general3A_5, %add3A : vector<640x128xf32>
    %swap3A = arith.constant 0 : index
    %swap3A_10 = arith.constant 0 : index
    %swap3A_11 = vector.load %arg5[%swap3A, %swap3A_10] : memref<640x128xf32, #tpu.memory_space<vmem>>, vector<640x128xf32>
    tpu.vector_store %arg5[%swap3A, %swap3A_10], %add3A_9 {strides = array<i32>} : memref<640x128xf32, #tpu.memory_space<vmem>>, vector<640x128xf32>,
    return
  }
  func.func @transform_0(%arg0: i32, %arg1: i32) -> (i32, i32) {
    %c0_i32 = arith.constant 0 : i32
    %c0_i32_0 = arith.constant 0 : i32
    return %arg1, %c0_i32 : i32, i32
  }
  func.func @transform_1(%arg0: i32, %arg1: i32) -> (i32, i32) {
    %c0_i32 = arith.constant 0 : i32
    %c0_i32_0 = arith.constant 0 : i32
    return %c0_i32, %arg0 : i32, i32
  }
  func.func @transform_2(%arg0: i32, %arg1: i32) -> (i32, i32) {
    %c0_i32 = arith.constant 0 : i32
    %c0_i32_0 = arith.constant 0 : i32
    return %c0_i32, %arg0 : i32, i32
  }
  func.func @transform_3(%arg0: i32, %arg1: i32) -> (i32, i32) {
    %mul3A = arith.constant 16 : i32
    %mul3A_0 = arith.muli %arg0, %mul3A : i32
    %add3A = arith.addi %mul3A_0, %arg1 : i32
    %c0_i32 = arith.constant 0 : i32
    %c0_i32_1 = arith.constant 0 : i32
    return %add3A, %c0_i32 : i32, i32
  }
}

module attributes {stable_mosaic.version = 14 : i64} {
  func.func @_layer_body(%arg0: i32, %arg1: i32, %arg2: memref<640x128xf32, #tpu.memory_space<vmem>>, %arg3: memref<640x128xf32, #tpu.memory_space<vmem>>, %arg4: memref<640x128xf32, #tpu.memory_space<vmem>>, %arg5: memref<640x128xf32, #tpu.memory_space<vmem>>, %arg6: memref<640x128xf32, #tpu.memory_space<vmem>>, %arg7: memref<640x128xf32, #tpu.memory_space<vmem>>, %arg8: memref<256x128xf32, #tpu.memory_space<vmem>>, %arg9: memref<256x128xf32, #tpu.memory_space<vmem>>, %arg10: memref<1x128xf32, #tpu.memory_space<vmem>>, %arg11: memref<640x128xf32, #tpu.memory_space<vmem>>) attributes {dimension_semantics = [#tpu.dimension_semantics<arbitrary>, #tpu.dimension_semantics<arbitrary>], iteration_bounds = array<i64: 2, 16>, scalar_prefetch = 0 : i64, scratch_operands = 0 : i64, tpu.core_type = #tpu.core_type<tc>, window_params = [{transform_indices = @transform_0, window_bounds = array<i64: 640, 128>}, {transform_indices = @transform_1, window_bounds = array<i64: 640, 128>}, {transform_indices = @transform_2, window_bounds = array<i64: 640, 128>}, {transform_indices = @transform_3, window_bounds = array<i64: 640, 128>}, {transform_indices = @transform_4, window_bounds = array<i64: 640, 128>}, {transform_indices = @transform_5, window_bounds = array<i64: 640, 128>}, {transform_indices = @transform_6, window_bounds = array<i64: 256, 128>}, {transform_indices = @transform_7, window_bounds = array<i64: 256, 128>}, {transform_indices = @transform_8, window_bounds = array<i64: 1, 128>}, {transform_indices = @transform_9, window_bounds = array<i64: 640, 128>}]} {
    %get3A = arith.constant 0 : index
    %get3A_0 = arith.constant 0 : index
    %get3A_1 = vector.load %arg6[%get3A, %get3A_0] : memref<640x128xf32, #tpu.memory_space<vmem>>, vector<640x1xf32>
    %get3A_2 = arith.constant 0 : index
    %get3A_3 = arith.constant 0 : index
    %get3A_4 = vector.load %arg7[%get3A_2, %get3A_3] : memref<640x128xf32, #tpu.memory_space<vmem>>, vector<640x1xf32>
    %add3A = arith.addf %get3A_1, %get3A_4 : vector<640x1xf32>
    %max3A = arith.constant 1.000000e+00 : f32
    %max3A_5 = vector.broadcast %max3A : f32 to vector<640x1xf32>
    %max3A_6 = arith.maximumf %add3A, %max3A_5 : vector<640x1xf32>
    %div3A = arith.constant 1.000000e+00 : f32
    %div3A_7 = vector.broadcast %div3A : f32 to vector<640x1xf32>
    %div3A_8 = arith.divf %div3A_7, %max3A_6 : vector<640x1xf32>
    %get3A_9 = arith.constant 0 : index
    %get3A_10 = arith.constant 0 : index
    %get3A_11 = vector.load %arg2[%get3A_9, %get3A_10] : memref<640x128xf32, #tpu.memory_space<vmem>>, vector<640x128xf32>
    %mul3A = vector.broadcast %div3A_8 : vector<640x1xf32> to vector<640x128xf32>
    %mul3A_12 = arith.mulf %get3A_11, %mul3A : vector<640x128xf32>
    %get3A_13 = arith.constant 0 : index
    %get3A_14 = arith.constant 0 : index
    %get3A_15 = vector.load %arg8[%get3A_13, %get3A_14] : memref<256x128xf32, #tpu.memory_space<vmem>>, vector<128x128xf32>
    %dot_general3A = arith.constant dense<0.000000e+00> : vector<640x128xf32>
    %dot_general3A_16 = tpu.matmul %mul3A_12, %get3A_15, %dot_general3A {dimension_numbers = #tpu.dot_dimension_numbers<[1], [0], [0], [1], [0, 0, 1, 1], [], []>, transpose_lhs_hint = false} : vector<640x128xf32>, vector<128x128xf32>, vector<640x128xf32> -> vector<640x128xf32>
    %get3A_17 = arith.constant 0 : index
    %get3A_18 = arith.constant 0 : index
    %get3A_19 = vector.load %arg3[%get3A_17, %get3A_18] : memref<640x128xf32, #tpu.memory_space<vmem>>, vector<640x128xf32>
    %mul3A_20 = vector.broadcast %div3A_8 : vector<640x1xf32> to vector<640x128xf32>
    %mul3A_21 = arith.mulf %get3A_19, %mul3A_20 : vector<640x128xf32>
    %get3A_22 = arith.constant 128 : index
    %get3A_23 = arith.constant 0 : index
    %get3A_24 = vector.load %arg8[%get3A_22, %get3A_23] : memref<256x128xf32, #tpu.memory_space<vmem>>, vector<128x128xf32>
    %dot_general3A_25 = arith.constant dense<0.000000e+00> : vector<640x128xf32>
    %dot_general3A_26 = tpu.matmul %mul3A_21, %get3A_24, %dot_general3A_25 {dimension_numbers = #tpu.dot_dimension_numbers<[1], [0], [0], [1], [0, 0, 1, 1], [], []>, transpose_lhs_hint = false} : vector<640x128xf32>, vector<128x128xf32>, vector<640x128xf32> -> vector<640x128xf32>
    %add3A_27 = arith.addf %dot_general3A_16, %dot_general3A_26 : vector<640x128xf32>
    %get3A_28 = arith.constant 0 : index
    %get3A_29 = arith.constant 0 : index
    %get3A_30 = vector.load %arg4[%get3A_28, %get3A_29] : memref<640x128xf32, #tpu.memory_space<vmem>>, vector<640x128xf32>
    %get3A_31 = arith.constant 0 : index
    %get3A_32 = arith.constant 0 : index
    %get3A_33 = vector.load %arg9[%get3A_31, %get3A_32] : memref<256x128xf32, #tpu.memory_space<vmem>>, vector<128x128xf32>
    %dot_general3A_34 = arith.constant dense<0.000000e+00> : vector<640x128xf32>
    %dot_general3A_35 = tpu.matmul %get3A_30, %get3A_33, %dot_general3A_34 {dimension_numbers = #tpu.dot_dimension_numbers<[1], [0], [0], [1], [0, 0, 1, 1], [], []>, transpose_lhs_hint = false} : vector<640x128xf32>, vector<128x128xf32>, vector<640x128xf32> -> vector<640x128xf32>
    %add3A_36 = arith.addf %add3A_27, %dot_general3A_35 : vector<640x128xf32>
    %get3A_37 = arith.constant 0 : index
    %get3A_38 = arith.constant 0 : index
    %get3A_39 = vector.load %arg5[%get3A_37, %get3A_38] : memref<640x128xf32, #tpu.memory_space<vmem>>, vector<640x128xf32>
    %get3A_40 = arith.constant 128 : index
    %get3A_41 = arith.constant 0 : index
    %get3A_42 = vector.load %arg9[%get3A_40, %get3A_41] : memref<256x128xf32, #tpu.memory_space<vmem>>, vector<128x128xf32>
    %dot_general3A_43 = arith.constant dense<0.000000e+00> : vector<640x128xf32>
    %dot_general3A_44 = tpu.matmul %get3A_39, %get3A_42, %dot_general3A_43 {dimension_numbers = #tpu.dot_dimension_numbers<[1], [0], [0], [1], [0, 0, 1, 1], [], []>, transpose_lhs_hint = false} : vector<640x128xf32>, vector<128x128xf32>, vector<640x128xf32> -> vector<640x128xf32>
    %add3A_45 = arith.addf %add3A_36, %dot_general3A_44 : vector<640x128xf32>
    %get3A_46 = arith.constant 0 : index
    %get3A_47 = arith.constant 0 : index
    %get3A_48 = vector.load %arg10[%get3A_46, %get3A_47] : memref<1x128xf32, #tpu.memory_space<vmem>>, vector<1x128xf32>
    %add3A_49 = vector.broadcast %get3A_48 : vector<1x128xf32> to vector<640x128xf32>
    %add3A_50 = arith.addf %add3A_45, %add3A_49 : vector<640x128xf32>
    %swap3A = arith.constant 0 : index
    %swap3A_51 = arith.constant 0 : index
    %swap3A_52 = vector.load %arg11[%swap3A, %swap3A_51] : memref<640x128xf32, #tpu.memory_space<vmem>>, vector<640x128xf32>
    tpu.vector_store %arg11[%swap3A, %swap3A_51], %add3A_50 {strides = array<i32>} : memref<640x128xf32, #tpu.memory_space<vmem>>, vector<640x128xf32>,
    return
  }
  func.func @transform_0(%arg0: i32, %arg1: i32) -> (i32, i32) {
    %c0_i32 = arith.constant 0 : i32
    %c0_i32_0 = arith.constant 0 : i32
    return %arg1, %c0_i32 : i32, i32
  }
  func.func @transform_1(%arg0: i32, %arg1: i32) -> (i32, i32) {
    %add3A = arith.constant 16 : i32
    %add3A_0 = arith.addi %add3A, %arg1 : i32
    %c0_i32 = arith.constant 0 : i32
    %c0_i32_1 = arith.constant 0 : i32
    return %add3A_0, %c0_i32 : i32, i32
  }
  func.func @transform_2(%arg0: i32, %arg1: i32) -> (i32, i32) {
    %c0_i32 = arith.constant 0 : i32
    %c0_i32_0 = arith.constant 0 : i32
    return %arg1, %c0_i32 : i32, i32
  }
  func.func @transform_3(%arg0: i32, %arg1: i32) -> (i32, i32) {
    %add3A = arith.constant 16 : i32
    %add3A_0 = arith.addi %add3A, %arg1 : i32
    %c0_i32 = arith.constant 0 : i32
    %c0_i32_1 = arith.constant 0 : i32
    return %add3A_0, %c0_i32 : i32, i32
  }
  func.func @transform_4(%arg0: i32, %arg1: i32) -> (i32, i32) {
    %c0_i32 = arith.constant 0 : i32
    %c0_i32_0 = arith.constant 0 : i32
    return %arg1, %c0_i32 : i32, i32
  }
  func.func @transform_5(%arg0: i32, %arg1: i32) -> (i32, i32) {
    %add3A = arith.constant 16 : i32
    %add3A_0 = arith.addi %add3A, %arg1 : i32
    %c0_i32 = arith.constant 0 : i32
    %c0_i32_1 = arith.constant 0 : i32
    return %add3A_0, %c0_i32 : i32, i32
  }
  func.func @transform_6(%arg0: i32, %arg1: i32) -> (i32, i32) {
    %c0_i32 = arith.constant 0 : i32
    %c0_i32_0 = arith.constant 0 : i32
    return %c0_i32, %arg0 : i32, i32
  }
  func.func @transform_7(%arg0: i32, %arg1: i32) -> (i32, i32) {
    %c0_i32 = arith.constant 0 : i32
    %c0_i32_0 = arith.constant 0 : i32
    return %c0_i32, %arg0 : i32, i32
  }
  func.func @transform_8(%arg0: i32, %arg1: i32) -> (i32, i32) {
    %c0_i32 = arith.constant 0 : i32
    %c0_i32_0 = arith.constant 0 : i32
    return %c0_i32, %arg0 : i32, i32
  }
  func.func @transform_9(%arg0: i32, %arg1: i32) -> (i32, i32) {
    %mul3A = arith.constant 16 : i32
    %mul3A_0 = arith.muli %arg0, %mul3A : i32
    %add3A = arith.addi %mul3A_0, %arg1 : i32
    %c0_i32 = arith.constant 0 : i32
    %c0_i32_1 = arith.constant 0 : i32
    return %add3A, %c0_i32 : i32, i32
  }
}

module attributes {stable_mosaic.version = 14 : i64} {
  func.func @_layer_body(%arg0: i32, %arg1: i32, %arg2: memref<640x128xf32, #tpu.memory_space<vmem>>, %arg3: memref<640x128xf32, #tpu.memory_space<vmem>>, %arg4: memref<640x128xf32, #tpu.memory_space<vmem>>, %arg5: memref<640x128xf32, #tpu.memory_space<vmem>>, %arg6: memref<640x128xf32, #tpu.memory_space<vmem>>, %arg7: memref<640x128xf32, #tpu.memory_space<vmem>>, %arg8: memref<256x128xf32, #tpu.memory_space<vmem>>, %arg9: memref<256x128xf32, #tpu.memory_space<vmem>>, %arg10: memref<1x128xf32, #tpu.memory_space<vmem>>, %arg11: memref<640x128xf32, #tpu.memory_space<vmem>>) attributes {dimension_semantics = [#tpu.dimension_semantics<arbitrary>, #tpu.dimension_semantics<arbitrary>], iteration_bounds = array<i64: 2, 16>, scalar_prefetch = 0 : i64, scratch_operands = 0 : i64, tpu.core_type = #tpu.core_type<tc>, window_params = [{transform_indices = @transform_0, window_bounds = array<i64: 640, 128>}, {transform_indices = @transform_1, window_bounds = array<i64: 640, 128>}, {transform_indices = @transform_2, window_bounds = array<i64: 640, 128>}, {transform_indices = @transform_3, window_bounds = array<i64: 640, 128>}, {transform_indices = @transform_4, window_bounds = array<i64: 640, 128>}, {transform_indices = @transform_5, window_bounds = array<i64: 640, 128>}, {transform_indices = @transform_6, window_bounds = array<i64: 256, 128>}, {transform_indices = @transform_7, window_bounds = array<i64: 256, 128>}, {transform_indices = @transform_8, window_bounds = array<i64: 1, 128>}, {transform_indices = @transform_9, window_bounds = array<i64: 640, 128>}]} {
    %get3A = arith.constant 0 : index
    %get3A_0 = arith.constant 0 : index
    %get3A_1 = vector.load %arg6[%get3A, %get3A_0] : memref<640x128xf32, #tpu.memory_space<vmem>>, vector<640x1xf32>
    %get3A_2 = arith.constant 0 : index
    %get3A_3 = arith.constant 0 : index
    %get3A_4 = vector.load %arg7[%get3A_2, %get3A_3] : memref<640x128xf32, #tpu.memory_space<vmem>>, vector<640x1xf32>
    %add3A = arith.addf %get3A_1, %get3A_4 : vector<640x1xf32>
    %max3A = arith.constant 1.000000e+00 : f32
    %max3A_5 = vector.broadcast %max3A : f32 to vector<640x1xf32>
    %max3A_6 = arith.maximumf %add3A, %max3A_5 : vector<640x1xf32>
    %div3A = arith.constant 1.000000e+00 : f32
    %div3A_7 = vector.broadcast %div3A : f32 to vector<640x1xf32>
    %div3A_8 = arith.divf %div3A_7, %max3A_6 : vector<640x1xf32>
    %get3A_9 = arith.constant 0 : index
    %get3A_10 = arith.constant 0 : index
    %get3A_11 = vector.load %arg2[%get3A_9, %get3A_10] : memref<640x128xf32, #tpu.memory_space<vmem>>, vector<640x128xf32>
    %mul3A = vector.broadcast %div3A_8 : vector<640x1xf32> to vector<640x128xf32>
    %mul3A_12 = arith.mulf %get3A_11, %mul3A : vector<640x128xf32>
    %get3A_13 = arith.constant 0 : index
    %get3A_14 = arith.constant 0 : index
    %get3A_15 = vector.load %arg8[%get3A_13, %get3A_14] : memref<256x128xf32, #tpu.memory_space<vmem>>, vector<128x128xf32>
    %dot_general3A = arith.constant dense<0.000000e+00> : vector<640x128xf32>
    %dot_general3A_16 = tpu.matmul %mul3A_12, %get3A_15, %dot_general3A {dimension_numbers = #tpu.dot_dimension_numbers<[1], [0], [0], [1], [0, 0, 1, 1], [], []>, transpose_lhs_hint = false} : vector<640x128xf32>, vector<128x128xf32>, vector<640x128xf32> -> vector<640x128xf32>
    %get3A_17 = arith.constant 0 : index
    %get3A_18 = arith.constant 0 : index
    %get3A_19 = vector.load %arg3[%get3A_17, %get3A_18] : memref<640x128xf32, #tpu.memory_space<vmem>>, vector<640x128xf32>
    %mul3A_20 = vector.broadcast %div3A_8 : vector<640x1xf32> to vector<640x128xf32>
    %mul3A_21 = arith.mulf %get3A_19, %mul3A_20 : vector<640x128xf32>
    %get3A_22 = arith.constant 128 : index
    %get3A_23 = arith.constant 0 : index
    %get3A_24 = vector.load %arg8[%get3A_22, %get3A_23] : memref<256x128xf32, #tpu.memory_space<vmem>>, vector<128x128xf32>
    %dot_general3A_25 = arith.constant dense<0.000000e+00> : vector<640x128xf32>
    %dot_general3A_26 = tpu.matmul %mul3A_21, %get3A_24, %dot_general3A_25 {dimension_numbers = #tpu.dot_dimension_numbers<[1], [0], [0], [1], [0, 0, 1, 1], [], []>, transpose_lhs_hint = false} : vector<640x128xf32>, vector<128x128xf32>, vector<640x128xf32> -> vector<640x128xf32>
    %add3A_27 = arith.addf %dot_general3A_16, %dot_general3A_26 : vector<640x128xf32>
    %get3A_28 = arith.constant 0 : index
    %get3A_29 = arith.constant 0 : index
    %get3A_30 = vector.load %arg4[%get3A_28, %get3A_29] : memref<640x128xf32, #tpu.memory_space<vmem>>, vector<640x128xf32>
    %get3A_31 = arith.constant 0 : index
    %get3A_32 = arith.constant 0 : index
    %get3A_33 = vector.load %arg9[%get3A_31, %get3A_32] : memref<256x128xf32, #tpu.memory_space<vmem>>, vector<128x128xf32>
    %dot_general3A_34 = arith.constant dense<0.000000e+00> : vector<640x128xf32>
    %dot_general3A_35 = tpu.matmul %get3A_30, %get3A_33, %dot_general3A_34 {dimension_numbers = #tpu.dot_dimension_numbers<[1], [0], [0], [1], [0, 0, 1, 1], [], []>, transpose_lhs_hint = false} : vector<640x128xf32>, vector<128x128xf32>, vector<640x128xf32> -> vector<640x128xf32>
    %add3A_36 = arith.addf %add3A_27, %dot_general3A_35 : vector<640x128xf32>
    %get3A_37 = arith.constant 0 : index
    %get3A_38 = arith.constant 0 : index
    %get3A_39 = vector.load %arg5[%get3A_37, %get3A_38] : memref<640x128xf32, #tpu.memory_space<vmem>>, vector<640x128xf32>
    %get3A_40 = arith.constant 128 : index
    %get3A_41 = arith.constant 0 : index
    %get3A_42 = vector.load %arg9[%get3A_40, %get3A_41] : memref<256x128xf32, #tpu.memory_space<vmem>>, vector<128x128xf32>
    %dot_general3A_43 = arith.constant dense<0.000000e+00> : vector<640x128xf32>
    %dot_general3A_44 = tpu.matmul %get3A_39, %get3A_42, %dot_general3A_43 {dimension_numbers = #tpu.dot_dimension_numbers<[1], [0], [0], [1], [0, 0, 1, 1], [], []>, transpose_lhs_hint = false} : vector<640x128xf32>, vector<128x128xf32>, vector<640x128xf32> -> vector<640x128xf32>
    %add3A_45 = arith.addf %add3A_36, %dot_general3A_44 : vector<640x128xf32>
    %get3A_46 = arith.constant 0 : index
    %get3A_47 = arith.constant 0 : index
    %get3A_48 = vector.load %arg10[%get3A_46, %get3A_47] : memref<1x128xf32, #tpu.memory_space<vmem>>, vector<1x128xf32>
    %add3A_49 = vector.broadcast %get3A_48 : vector<1x128xf32> to vector<640x128xf32>
    %add3A_50 = arith.addf %add3A_45, %add3A_49 : vector<640x128xf32>
    %max3A_51 = arith.constant 0.000000e+00 : f32
    %max3A_52 = vector.broadcast %max3A_51 : f32 to vector<640x128xf32>
    %max3A_53 = arith.maximumf %add3A_50, %max3A_52 : vector<640x128xf32>
    %swap3A = arith.constant 0 : index
    %swap3A_54 = arith.constant 0 : index
    %swap3A_55 = vector.load %arg11[%swap3A, %swap3A_54] : memref<640x128xf32, #tpu.memory_space<vmem>>, vector<640x128xf32>
    tpu.vector_store %arg11[%swap3A, %swap3A_54], %max3A_53 {strides = array<i32>} : memref<640x128xf32, #tpu.memory_space<vmem>>, vector<640x128xf32>,
    return
  }
  func.func @transform_0(%arg0: i32, %arg1: i32) -> (i32, i32) {
    %c0_i32 = arith.constant 0 : i32
    %c0_i32_0 = arith.constant 0 : i32
    return %arg1, %c0_i32 : i32, i32
  }
  func.func @transform_1(%arg0: i32, %arg1: i32) -> (i32, i32) {
    %add3A = arith.constant 16 : i32
    %add3A_0 = arith.addi %add3A, %arg1 : i32
    %c0_i32 = arith.constant 0 : i32
    %c0_i32_1 = arith.constant 0 : i32
    return %add3A_0, %c0_i32 : i32, i32
  }
  func.func @transform_2(%arg0: i32, %arg1: i32) -> (i32, i32) {
    %c0_i32 = arith.constant 0 : i32
    %c0_i32_0 = arith.constant 0 : i32
    return %arg1, %c0_i32 : i32, i32
  }
  func.func @transform_3(%arg0: i32, %arg1: i32) -> (i32, i32) {
    %add3A = arith.constant 16 : i32
    %add3A_0 = arith.addi %add3A, %arg1 : i32
    %c0_i32 = arith.constant 0 : i32
    %c0_i32_1 = arith.constant 0 : i32
    return %add3A_0, %c0_i32 : i32, i32
  }
  func.func @transform_4(%arg0: i32, %arg1: i32) -> (i32, i32) {
    %c0_i32 = arith.constant 0 : i32
    %c0_i32_0 = arith.constant 0 : i32
    return %arg1, %c0_i32 : i32, i32
  }
  func.func @transform_5(%arg0: i32, %arg1: i32) -> (i32, i32) {
    %add3A = arith.constant 16 : i32
    %add3A_0 = arith.addi %add3A, %arg1 : i32
    %c0_i32 = arith.constant 0 : i32
    %c0_i32_1 = arith.constant 0 : i32
    return %add3A_0, %c0_i32 : i32, i32
  }
  func.func @transform_6(%arg0: i32, %arg1: i32) -> (i32, i32) {
    %c0_i32 = arith.constant 0 : i32
    %c0_i32_0 = arith.constant 0 : i32
    return %c0_i32, %arg0 : i32, i32
  }
  func.func @transform_7(%arg0: i32, %arg1: i32) -> (i32, i32) {
    %c0_i32 = arith.constant 0 : i32
    %c0_i32_0 = arith.constant 0 : i32
    return %c0_i32, %arg0 : i32, i32
  }
  func.func @transform_8(%arg0: i32, %arg1: i32) -> (i32, i32) {
    %c0_i32 = arith.constant 0 : i32
    %c0_i32_0 = arith.constant 0 : i32
    return %c0_i32, %arg0 : i32, i32
  }
  func.func @transform_9(%arg0: i32, %arg1: i32) -> (i32, i32) {
    %mul3A = arith.constant 16 : i32
    %mul3A_0 = arith.muli %arg0, %mul3A : i32
    %add3A = arith.addi %mul3A_0, %arg1 : i32
    %c0_i32 = arith.constant 0 : i32
    %c0_i32_1 = arith.constant 0 : i32
    return %add3A, %c0_i32 : i32, i32
  }
}

module attributes {stable_mosaic.version = 14 : i64} {
  func.func @_head_body(%arg0: memref<512x128xf32, #tpu.memory_space<vmem>>, %arg1: memref<512x128xf32, #tpu.memory_space<vmem>>, %arg2: memref<256x256xf32, #tpu.memory_space<vmem>>, %arg3: memref<1x256xf32, #tpu.memory_space<vmem>>, %arg4: memref<256x256xf32, #tpu.memory_space<vmem>>, %arg5: memref<1x256xf32, #tpu.memory_space<vmem>>, %arg6: memref<256x1xf32, #tpu.memory_space<vmem>>, %arg7: memref<256x1xf32, #tpu.memory_space<vmem>>, %arg8: memref<1x1xf32, #tpu.memory_space<vmem>>, %arg9: memref<1x1xf32, #tpu.memory_space<vmem>>, %arg10: memref<128x1xf32, #tpu.memory_space<vmem>>, %arg11: memref<1x1xf32, #tpu.memory_space<vmem>>, %arg12: memref<128x1xf32, #tpu.memory_space<vmem>>, %arg13: memref<1x1xf32, #tpu.memory_space<vmem>>) attributes {dimension_semantics = [], scalar_prefetch = 0 : i64, scratch_operands = 0 : i64, tpu.core_type = #tpu.core_type<tc>} {
    %get3A = arith.constant 0 : index
    %get3A_0 = arith.constant 0 : index
    %get3A_1 = vector.load %arg1[%get3A, %get3A_0] : memref<512x128xf32, #tpu.memory_space<vmem>>, vector<128x1xf32>
    %get3A_2 = arith.constant 256 : index
    %get3A_3 = arith.constant 0 : index
    %get3A_4 = vector.load %arg1[%get3A_2, %get3A_3] : memref<512x128xf32, #tpu.memory_space<vmem>>, vector<128x1xf32>
    %add3A = arith.addf %get3A_1, %get3A_4 : vector<128x1xf32>
    %max3A = arith.constant 1.000000e+00 : f32
    %max3A_5 = vector.broadcast %max3A : f32 to vector<128x1xf32>
    %max3A_6 = arith.maximumf %add3A, %max3A_5 : vector<128x1xf32>
    %div3A = arith.constant 1.000000e+00 : f32
    %div3A_7 = vector.broadcast %div3A : f32 to vector<128x1xf32>
    %div3A_8 = arith.divf %div3A_7, %max3A_6 : vector<128x1xf32>
    %get3A_9 = arith.constant 0 : index
    %get3A_10 = arith.constant 0 : index
    %get3A_11 = vector.load %arg0[%get3A_9, %get3A_10] : memref<512x128xf32, #tpu.memory_space<vmem>>, vector<128x128xf32>
    %mul3A = vector.broadcast %div3A_8 : vector<128x1xf32> to vector<128x128xf32>
    %mul3A_12 = arith.mulf %get3A_11, %mul3A : vector<128x128xf32>
    %get3A_13 = arith.constant 256 : index
    %get3A_14 = arith.constant 0 : index
    %get3A_15 = vector.load %arg0[%get3A_13, %get3A_14] : memref<512x128xf32, #tpu.memory_space<vmem>>, vector<128x128xf32>
    %mul3A_16 = vector.broadcast %div3A_8 : vector<128x1xf32> to vector<128x128xf32>
    %mul3A_17 = arith.mulf %get3A_15, %mul3A_16 : vector<128x128xf32>
    %get3A_18 = arith.constant 0 : index
    %get3A_19 = arith.constant 0 : index
    %get3A_20 = vector.load %arg2[%get3A_18, %get3A_19] : memref<256x256xf32, #tpu.memory_space<vmem>>, vector<128x256xf32>
    %dot_general3A = arith.constant dense<0.000000e+00> : vector<128x256xf32>
    %dot_general3A_21 = tpu.matmul %mul3A_12, %get3A_20, %dot_general3A {dimension_numbers = #tpu.dot_dimension_numbers<[1], [0], [0], [1], [0, 0, 1, 1], [], []>, transpose_lhs_hint = false} : vector<128x128xf32>, vector<128x256xf32>, vector<128x256xf32> -> vector<128x256xf32>
    %get3A_22 = arith.constant 128 : index
    %get3A_23 = arith.constant 0 : index
    %get3A_24 = vector.load %arg2[%get3A_22, %get3A_23] : memref<256x256xf32, #tpu.memory_space<vmem>>, vector<128x256xf32>
    %dot_general3A_25 = arith.constant dense<0.000000e+00> : vector<128x256xf32>
    %dot_general3A_26 = tpu.matmul %mul3A_17, %get3A_24, %dot_general3A_25 {dimension_numbers = #tpu.dot_dimension_numbers<[1], [0], [0], [1], [0, 0, 1, 1], [], []>, transpose_lhs_hint = false} : vector<128x128xf32>, vector<128x256xf32>, vector<128x256xf32> -> vector<128x256xf32>
    %add3A_27 = arith.addf %dot_general3A_21, %dot_general3A_26 : vector<128x256xf32>
    %get3A_28 = arith.constant 0 : index
    %get3A_29 = arith.constant 0 : index
    %get3A_30 = vector.load %arg3[%get3A_28, %get3A_29] : memref<1x256xf32, #tpu.memory_space<vmem>>, vector<1x256xf32>
    %add3A_31 = vector.broadcast %get3A_30 : vector<1x256xf32> to vector<128x256xf32>
    %add3A_32 = arith.addf %add3A_27, %add3A_31 : vector<128x256xf32>
    %max3A_33 = arith.constant 0.000000e+00 : f32
    %max3A_34 = vector.broadcast %max3A_33 : f32 to vector<128x256xf32>
    %max3A_35 = arith.maximumf %add3A_32, %max3A_34 : vector<128x256xf32>
    %get3A_36 = arith.constant 0 : index
    %get3A_37 = arith.constant 0 : index
    %get3A_38 = vector.load %arg4[%get3A_36, %get3A_37] : memref<256x256xf32, #tpu.memory_space<vmem>>, vector<256x256xf32>
    %dot_general3A_39 = arith.constant dense<0.000000e+00> : vector<128x256xf32>
    %dot_general3A_40 = tpu.matmul %max3A_35, %get3A_38, %dot_general3A_39 {dimension_numbers = #tpu.dot_dimension_numbers<[1], [0], [0], [1], [0, 0, 1, 1], [], []>, transpose_lhs_hint = false} : vector<128x256xf32>, vector<256x256xf32>, vector<128x256xf32> -> vector<128x256xf32>
    %get3A_41 = arith.constant 0 : index
    %get3A_42 = arith.constant 0 : index
    %get3A_43 = vector.load %arg5[%get3A_41, %get3A_42] : memref<1x256xf32, #tpu.memory_space<vmem>>, vector<1x256xf32>
    %add3A_44 = vector.broadcast %get3A_43 : vector<1x256xf32> to vector<128x256xf32>
    %add3A_45 = arith.addf %dot_general3A_40, %add3A_44 : vector<128x256xf32>
    %max3A_46 = arith.constant 0.000000e+00 : f32
    %max3A_47 = vector.broadcast %max3A_46 : f32 to vector<128x256xf32>
    %max3A_48 = arith.maximumf %add3A_45, %max3A_47 : vector<128x256xf32>
    %get3A_49 = arith.constant 0 : index
    %get3A_50 = arith.constant 0 : index
    %get3A_51 = vector.load %arg6[%get3A_49, %get3A_50] : memref<256x1xf32, #tpu.memory_space<vmem>>, vector<256x1xf32>
    %get3A_52 = arith.constant 0 : index
    %get3A_53 = arith.constant 0 : index
    %get3A_54 = vector.load %arg7[%get3A_52, %get3A_53] : memref<256x1xf32, #tpu.memory_space<vmem>>, vector<256x1xf32>
    %exp3A = math.exp %get3A_54 : vector<256x1xf32>
    %add3A_55 = arith.constant 1.000000e+00 : f32
    %add3A_56 = vector.broadcast %add3A_55 : f32 to vector<256x1xf32>
    %add3A_57 = arith.addf %add3A_56, %exp3A : vector<256x1xf32>
    %log3A = math.log %add3A_57 : vector<256x1xf32>
    %add3A_58 = arith.constant 9.99999997E-7 : f32
    %add3A_59 = vector.broadcast %add3A_58 : f32 to vector<256x1xf32>
    %add3A_60 = arith.addf %add3A_59, %log3A : vector<256x1xf32>
    %get3A_61 = arith.constant 0 : index
    %get3A_62 = arith.constant 0 : index
    %get3A_63 = vector.load %arg8[%get3A_61, %get3A_62] : memref<1x1xf32, #tpu.memory_space<vmem>>, vector<1x1xf32>
    %get3A_64 = arith.constant 0 : index
    %get3A_65 = arith.constant 0 : index
    %get3A_66 = vector.load %arg9[%get3A_64, %get3A_65] : memref<1x1xf32, #tpu.memory_space<vmem>>, vector<1x1xf32>
    %exp3A_67 = math.exp %get3A_66 : vector<1x1xf32>
    %add3A_68 = arith.constant 1.000000e+00 : f32
    %add3A_69 = vector.broadcast %add3A_68 : f32 to vector<1x1xf32>
    %add3A_70 = arith.addf %add3A_69, %exp3A_67 : vector<1x1xf32>
    %log3A_71 = math.log %add3A_70 : vector<1x1xf32>
    %add3A_72 = arith.constant 9.99999997E-7 : f32
    %add3A_73 = vector.broadcast %add3A_72 : f32 to vector<1x1xf32>
    %add3A_74 = arith.addf %add3A_73, %log3A_71 : vector<1x1xf32>
    %dot_general3A_75 = arith.constant dense<0.000000e+00> : vector<128x1xf32>
    %dot_general3A_76 = tpu.matmul %max3A_48, %get3A_51, %dot_general3A_75 {dimension_numbers = #tpu.dot_dimension_numbers<[1], [0], [0], [1], [0, 0, 1, 1], [], []>, transpose_lhs_hint = false} : vector<128x256xf32>, vector<256x1xf32>, vector<128x1xf32> -> vector<128x1xf32>
    %mul3A_77 = arith.mulf %max3A_48, %max3A_48 : vector<128x256xf32>
    %mul3A_78 = arith.mulf %add3A_60, %add3A_60 : vector<256x1xf32>
    %dot_general3A_79 = arith.constant dense<0.000000e+00> : vector<128x1xf32>
    %dot_general3A_80 = tpu.matmul %mul3A_77, %mul3A_78, %dot_general3A_79 {dimension_numbers = #tpu.dot_dimension_numbers<[1], [0], [0], [1], [0, 0, 1, 1], [], []>, transpose_lhs_hint = false} : vector<128x256xf32>, vector<256x1xf32>, vector<128x1xf32> -> vector<128x1xf32>
    %sqrt3A = math.sqrt %dot_general3A_80 : vector<128x1xf32>
    %get3A_81 = arith.constant 0 : index
    %get3A_82 = arith.constant 0 : index
    %get3A_83 = vector.load %arg10[%get3A_81, %get3A_82] : memref<128x1xf32, #tpu.memory_space<vmem>>, vector<128x1xf32>
    %mul3A_84 = arith.mulf %sqrt3A, %get3A_83 : vector<128x1xf32>
    %add3A_85 = arith.addf %dot_general3A_76, %mul3A_84 : vector<128x1xf32>
    %get3A_86 = arith.constant 0 : index
    %get3A_87 = arith.constant 0 : index
    %get3A_88 = vector.load %arg11[%get3A_86, %get3A_87] : memref<1x1xf32, #tpu.memory_space<vmem>>, vector<1x1xf32>
    %mul3A_89 = arith.mulf %add3A_74, %get3A_88 : vector<1x1xf32>
    %add3A_90 = arith.addf %get3A_63, %mul3A_89 : vector<1x1xf32>
    %add3A_91 = vector.broadcast %add3A_90 : vector<1x1xf32> to vector<128x1xf32>
    %add3A_92 = arith.addf %add3A_85, %add3A_91 : vector<128x1xf32>
    %swap3A = arith.constant 0 : index
    %swap3A_93 = arith.constant 0 : index
    %swap3A_94 = vector.load %arg12[%swap3A, %swap3A_93] : memref<128x1xf32, #tpu.memory_space<vmem>>, vector<128x1xf32>
    tpu.vector_store %arg12[%swap3A, %swap3A_93], %add3A_92 {strides = array<i32>} : memref<128x1xf32, #tpu.memory_space<vmem>>, vector<128x1xf32>,
    %div3A_95 = arith.constant 1.000000e-01 : f32
    %div3A_96 = vector.broadcast %div3A_95 : f32 to vector<256x1xf32>
    %div3A_97 = arith.divf %div3A_96, %add3A_60 : vector<256x1xf32>
    %log3A_98 = math.log %div3A_97 : vector<256x1xf32>
    %mul3A_99 = arith.constant 2.000000e+00 : f32
    %mul3A_100 = vector.broadcast %mul3A_99 : f32 to vector<256x1xf32>
    %mul3A_101 = arith.mulf %mul3A_100, %log3A_98 : vector<256x1xf32>
    %sub3A = arith.constant 1.000000e+00 : f32
    %sub3A_102 = vector.broadcast %sub3A : f32 to vector<256x1xf32>
    %sub3A_103 = arith.subf %mul3A_101, %sub3A_102 : vector<256x1xf32>
    %div3A_104 = arith.constant 1.000000e-01 : f32
    %div3A_105 = vector.broadcast %div3A_104 : f32 to vector<256x1xf32>
    %div3A_106 = arith.divf %add3A_60, %div3A_105 : vector<256x1xf32>
    %integer_pow3A = arith.mulf %div3A_106, %div3A_106 : vector<256x1xf32>
    %add3A_107 = arith.addf %sub3A_103, %integer_pow3A : vector<256x1xf32>
    %div3A_108 = arith.constant 1.000000e-01 : f32
    %div3A_109 = vector.broadcast %div3A_108 : f32 to vector<256x1xf32>
    %div3A_110 = arith.divf %get3A_51, %div3A_109 : vector<256x1xf32>
    %integer_pow3A_111 = arith.mulf %div3A_110, %div3A_110 : vector<256x1xf32>
    %add3A_112 = arith.addf %add3A_107, %integer_pow3A_111 : vector<256x1xf32>
    %reduce_sum3A = vector.shape_cast %add3A_112 : vector<256x1xf32> to vector<1x256x1xf32>
    %reduce_sum3A_113 = arith.constant dense<0.000000e+00> : vector<1xf32>
    %reduce_sum3A_114 = vector.multi_reduction <add>, %reduce_sum3A, %reduce_sum3A_113 [1, 2] : vector<1x256x1xf32> to vector<1xf32>
    %reduce_sum3A_115 = vector.shape_cast %reduce_sum3A_114 : vector<1xf32> to vector<1x1x1xf32>
    %reduce_sum3A_116 = vector.extract %reduce_sum3A_115[0, 0, 0] : f32 from vector<1x1x1xf32>
    %mul3A_117 = arith.constant 5.000000e-01 : f32
    %mul3A_118 = arith.mulf %mul3A_117, %reduce_sum3A_116 : f32
    %div3A_119 = arith.constant 1.000000e-01 : f32
    %div3A_120 = vector.broadcast %div3A_119 : f32 to vector<1x1xf32>
    %div3A_121 = arith.divf %div3A_120, %add3A_74 : vector<1x1xf32>
    %log3A_122 = math.log %div3A_121 : vector<1x1xf32>
    %mul3A_123 = arith.constant 2.000000e+00 : f32
    %mul3A_124 = vector.broadcast %mul3A_123 : f32 to vector<1x1xf32>
    %mul3A_125 = arith.mulf %mul3A_124, %log3A_122 : vector<1x1xf32>
    %sub3A_126 = arith.constant 1.000000e+00 : f32
    %sub3A_127 = vector.broadcast %sub3A_126 : f32 to vector<1x1xf32>
    %sub3A_128 = arith.subf %mul3A_125, %sub3A_127 : vector<1x1xf32>
    %div3A_129 = arith.constant 1.000000e-01 : f32
    %div3A_130 = vector.broadcast %div3A_129 : f32 to vector<1x1xf32>
    %div3A_131 = arith.divf %add3A_74, %div3A_130 : vector<1x1xf32>
    %integer_pow3A_132 = arith.mulf %div3A_131, %div3A_131 : vector<1x1xf32>
    %add3A_133 = arith.addf %sub3A_128, %integer_pow3A_132 : vector<1x1xf32>
    %div3A_134 = arith.constant 1.000000e-01 : f32
    %div3A_135 = vector.broadcast %div3A_134 : f32 to vector<1x1xf32>
    %div3A_136 = arith.divf %get3A_63, %div3A_135 : vector<1x1xf32>
    %integer_pow3A_137 = arith.mulf %div3A_136, %div3A_136 : vector<1x1xf32>
    %add3A_138 = arith.addf %add3A_133, %integer_pow3A_137 : vector<1x1xf32>
    %reduce_sum3A_139 = vector.shape_cast %add3A_138 : vector<1x1xf32> to vector<1x1x1xf32>
    %reduce_sum3A_140 = arith.constant dense<0.000000e+00> : vector<1xf32>
    %reduce_sum3A_141 = vector.multi_reduction <add>, %reduce_sum3A_139, %reduce_sum3A_140 [1, 2] : vector<1x1x1xf32> to vector<1xf32>
    %reduce_sum3A_142 = vector.shape_cast %reduce_sum3A_141 : vector<1xf32> to vector<1x1x1xf32>
    %reduce_sum3A_143 = vector.extract %reduce_sum3A_142[0, 0, 0] : f32 from vector<1x1x1xf32>
    %mul3A_144 = arith.constant 5.000000e-01 : f32
    %mul3A_145 = arith.mulf %mul3A_144, %reduce_sum3A_143 : f32
    %add3A_146 = arith.addf %mul3A_118, %mul3A_145 : f32
    %broadcast_in_dim3A = vector.broadcast %add3A_146 : f32 to vector<1x1xf32>
    %swap3A_147 = arith.constant 0 : index
    %swap3A_148 = arith.constant 0 : index
    %swap3A_149 = vector.load %arg13[%swap3A_147, %swap3A_148] : memref<1x1xf32, #tpu.memory_space<vmem>>, vector<1x1xf32>
    tpu.vector_store %arg13[%swap3A_147, %swap3A_148], %broadcast_in_dim3A {strides = array<i32>} : memref<1x1xf32, #tpu.memory_space<vmem>>, vector<1x1xf32>,
    return
  }
}

</mosaic_0001>

<sc_bundles>
// kernel: kernel.14.cloned.1.call-start
scs
__scs_entry_jumppad:
0x0: {  	(pc) =	sbr.rel $0x88, $3  }
0x1: {  	(tag) =	ssettag $0x0;
	lr =	simm.s32 $0x1  }
0x2: {  	[smem:$0x3F88] =	sst lr;
	_ =	strace $0xD0000000  }
0x3: {  	_ = 	snop  }
0x4: {  	_ = 	snop  }
0x5: {  	_ = 	snop  }
0x6: {  	_ = 	snop  }
0x7: {  	_ = 	snop  }
__scs_overlays_trampoline_lowered:
0x8: {  	[smem:$0x3F97] =	sst s0  }
0x9: {  	[smem:$0x3F98] =	sst s1  }
0xa: {  	[smem:$0x3F99] =	sst s2  }
0xb: {  	[smem:$0x3F9A] =	sst s3  }
0xc: {  	[smem:$0x3F9B] =	sst s4  }
0xd: {  	[smem:$0x3F9C] =	sst s5  }
0xe: {  	[smem:$0x3F9D] =	sst s6  }
0xf: {  	[smem:$0x3F9E] =	sst s7  }
0x10: {  	[smem:$0x3F9F] =	sst s8  }
0x11: {  	[smem:$0x3FA0] =	sst s9;
	s0 =	simm.s32 @!p0 $0x0  }
0x12: {  	s1 =	sld [smem:$0x3F86];
	s0 =	simm.s32 @p0 $0x1  }
0x13: {  	[smem:$0x3FA1] =	sst s0;
	s0 =	simm.s32 @!p1 $0x0  }
0x14: {  	s2 =	sld [smem:$0x3F85];
	s0 =	simm.s32 @p1 $0x1  }
0x15: {  	[smem:$0x3FA2] =	sst s0;
	s0 =	simm.s32 @!p2 $0x0  }
0x16: {  	s3 =	sld [smem:$0x3FDB];
	s0 =	simm.s32 @p2 $0x1  }
0x17: {  	s4 =	simm.s32 $0x1BF5;
	[smem:$0x3FA4] =	sst s0  }
0x18: {  	s0 =	sld [smem:$0x3F87];
	_ =	swait.ge [sflag:s4], $0x0  }
0x19: {  	s7 =	sld [smem:$0x3F88]  }
0x1a: {  	s8 =	sadd.s32 $0xFFFFE003, lr  }
0x1b: {  	s9 =	sadd.s32 $0xFFFFFEF7, lr;
	s5 =	simm.s32 $0xFFFFFFFF;
	p2 =	slt.u32 s8, $0xFFFFF086  }
0x1c: {  	p1 =	slt.u32 s9, $0xF7A;
	s5 =	simm.s32 @!p2 $0x0  }
0x1d: {  	s5 =	simm.s32 @p1 $0x1;
	p0 =	seq.s32 s7, s2  }
0x1e: {  	s7 =	smul.u32 @!p0 $0xF7A, s2;
	p2 =	seq.s32 @!p0 s5, $0x0  }
0x1f: {  	s9 =	smul.u32 $0xF7A, s1;
	s8 =	simm.s32 @!p0 $0x1BF5;
	p2 =	por !p2, p0  }
0x20: {  	[sflag:s8] =	ssyncset.s32 @!p0 $0xFFFFF086;
	s6 =	sadd.s32 @!p0 s3, s7;
	s7 =	simm.s32 @!p0 $0x108  }
0x21: {  	s3 =	sadd.s32 s3, s9;
	s6 =	sadd.s32 @!p0 $0x88, s6;
	s7 =	simm.s32 @p2 $0x1082  }
0x22: {  	[simem:s7], [sflag:s8] =	dma.local @!p0 [hbm:s6], $0xF7A  }
0x23: {  	s9 =	sor.u32 $0xD0000000, s2;
	s6 =	simm.s32 $0x108;
	_ =	swait.ge @!p0 [sflag:s8], $0x0  }
0x24: {  	s3 =	sadd.s32 $0x88, s3;
	s6 =	simm.s32 @!p1 $0x1082;
	[sflag:s4] =	ssyncset.s32 $0xFFFFF086  }
0x25: {  	[simem:s6], [sflag:s4] =	dma.local [hbm:s3], $0xF7A  }
0x26: {  	[smem:$0x3F88] =	sst s1;
	(tag) =	ssettag s2;
	_ =	strace s9  }
0x27: {  	s1 =	sld [smem:$0x3F98]  }
0x28: {  	s2 =	sld [smem:$0x3F99]  }
0x29: {  	s4 =	sld [smem:$0x3F9B]  }
0x2a: {  	p0 =	seq.s32 s5, $0x0;
	s5 =	sld [smem:$0x3F9C]  }
0x2b: {  	s6 =	sld [smem:$0x3F9D]  }
0x2c: {  	s7 =	sld [smem:$0x3F9E]  }
0x2d: {  	s3 =	simm.s32 $0x108;
	s8 =	sld [smem:$0x3F9F]  }
0x2e: {  	s3 =	simm.s32 @!p0 $0x1082;
	s9 =	sld [smem:$0x3FA0]  }
0x2f: {  	lr =	sadd.s32 s0, s3;
	s0 =	sld [smem:$0x3F97]  }
0x30: {  	s3 =	sld [smem:$0x3F9A]  }
0x31: {  	[smem:$0x3FA3] =	sst s10  }
0x32: {  	s10 =	sld [smem:$0x3FA1];
	_ =	sdelay $0x3  }
0x33: {  	p0 =	seq.s32 s10, $0x1;
	s10 =	sld [smem:$0x3FA3];
	_ =	sdelay $0x3  }
0x34: {  	[smem:$0x3FA3] =	sst s10  }
0x35: {  	s10 =	sld [smem:$0x3FA2];
	_ =	sdelay $0x3  }
0x36: {  	p1 =	seq.s32 s10, $0x1;
	s10 =	sld [smem:$0x3FA3];
	_ =	sdelay $0x3  }
0x37: {  	[smem:$0x3FA3] =	sst s10  }
0x38: {  	s10 =	sld [smem:$0x3FA4]  }
0x39: {  	_ = 	snop;
	(pc) =	sbr.ind lr, $3  }
0x3a: {  	_ = 	snop  }
0x3b: {  	_ = 	snop  }
0x3c: {  	p2 =	seq.s32 s10, $0x1;
	s10 =	sld [smem:$0x3FA3]  }
0x3d: {  	_ =	shalt  }
0x3e: {  	_ =	shalt  }
0x3f: {  	_ =	shalt  }
0x40: {  	_ =	shalt  }
0x41: {  	_ =	shalt  }
0x42: {  	_ =	shalt  }
0x43: {  	_ =	shalt  }
0x44: {  	_ =	shalt  }
0x45: {  	_ =	shalt  }
0x46: {  	_ =	shalt  }
0x47: {  	_ =	shalt  }
0x48: {  	_ =	shalt  }
0x49: {  	_ =	shalt  }
0x4a: {  	_ =	shalt  }
0x4b: {  	_ =	shalt  }
0x4c: {  	_ =	shalt  }
0x4d: {  	_ =	shalt  }
0x4e: {  	_ =	shalt  }
0x4f: {  	_ =	shalt  }
0x50: {  	_ =	shalt  }
0x51: {  	_ =	shalt  }
0x52: {  	_ =	shalt  }
0x53: {  	_ =	shalt  }
0x54: {  	_ =	shalt  }
0x55: {  	_ =	shalt  }
0x56: {  	_ =	shalt  }
0x57: {  	_ =	shalt  }
0x58: {  	_ =	shalt  }
0x59: {  	_ =	shalt  }
0x5a: {  	_ =	shalt  }
0x5b: {  	_ =	shalt  }
0x5c: {  	_ =	shalt  }
0x5d: {  	_ =	shalt  }
0x5e: {  	_ =	shalt  }
0x5f: {  	_ =	shalt  }
0x60: {  	_ =	shalt  }
0x61: {  	_ =	shalt  }
0x62: {  	_ =	shalt  }
0x63: {  	_ =	shalt  }
0x64: {  	_ =	shalt  }
0x65: {  	_ =	shalt  }
0x66: {  	_ =	shalt  }
0x67: {  	_ =	shalt  }
0x68: {  	_ =	shalt  }
0x69: {  	_ =	shalt  }
0x6a: {  	_ =	shalt  }
0x6b: {  	_ =	shalt  }
0x6c: {  	_ =	shalt  }
0x6d: {  	_ =	shalt  }
0x6e: {  	_ =	shalt  }
0x6f: {  	_ =	shalt  }
0x70: {  	_ =	shalt  }
0x71: {  	_ =	shalt  }
0x72: {  	_ =	shalt  }
0x73: {  	_ =	shalt  }
0x74: {  	_ =	shalt  }
0x75: {  	_ =	shalt  }
0x76: {  	_ =	shalt  }
0x77: {  	_ =	shalt  }
0x78: {  	_ =	shalt  }
0x79: {  	_ =	shalt  }
0x7a: {  	_ =	shalt  }
0x7b: {  	_ =	shalt  }
0x7c: {  	_ =	shalt  }
0x7d: {  	_ =	shalt  }
0x7e: {  	_ =	shalt  }
0x7f: {  	_ =	shalt  }
0x80: {  	_ =	shalt  }
0x81: {  	_ =	shalt  }
0x82: {  	_ =	shalt  }
0x83: {  	_ =	shalt  }
0x84: {  	_ =	shalt  }
0x85: {  	_ =	shalt  }
0x86: {  	_ =	shalt  }
0x87: {  	_ =	shalt  }
.Lfunc_end0:
.L_simem_size_0:
called_computation_lowered:
.L_overlay_start_0:
0x88: {  	s2 =	sld [smem:$0x3FD9]  }
0x89: {  	s3 =	sld [smem:$0x3FFE];
	_ =	sdelay $0x1  }
0x8a: {  	s1 =	srdreg.scid  }
0x8b: {  	s0 =	sand.u32 $0x1, s1  }
0x8c: {  	s16 =	sshll.u32 s0, $0xA;
	s2 =	sadd.s32 s3, s2  }
0x8d: {  	s2 =	sadd.s32 s2, s16  }
0x8e: {  	[smem:$0x3FAF] =	sst s2  }
0x8f: {  	_ = 	snop  }
0x90: {  	(tm) =	ssettm $0x1  }
0x91: {  	s17 =	sld [smem:$0x3FFB];
	_ =	sdelay $0x3  }
0x92: {  	_ =	strace s17  }
0x93: {  	s2 =	sld [smem:$0x3FFC];
	_ =	sdelay $0x3  }
0x94: {  	_ =	strace s2  }
0x95: {  	s2 =	sld [smem:$0x3FFD];
	_ =	sdelay $0x3  }
0x96: {  	_ =	strace s2  }
0x97: {  	_ =	strace $0x8FFFFFFF  }
0x98: {  	s18 =	sld [smem:$0x3FDB];
	_ =	sdelay $0x1  }
0x99: {  	s19 =	simm.s32 $_scs_section_size  }
0x9a: {  	s4 =	simm.s32 $_size__tile_overlayer_lowered;
	s5 =	simm.s32 $_tile_overlayer_lowered  }
0x9b: {  	s22 =	simm.s32 $0x1BFF;
	s21 =	sshll.u32 s5, $0x1;
	s2 =	sadd.s32 s19, s18  }
0x9c: {  	s6 =	simm.s32 $0x0;
	s20 =	sshll.u32 s4, $0x1;
	s4 =	sadd.s32 s21, s2  }
0x9d: {  	[timem:s6], [sflag:s22] =	dma.local [hbm:s4], s20  }
0x9e: {  	_ =	swait.ge [sflag:s22], s20  }
0x9f: {  	s3 =	ssub.s32 $0x0, s20;
	[sflag:s22] =	ssyncset.done $0x0  }
0xa0: {  	[sflag:s22] =	ssyncadd.s32 s3;
	_ =	sdelay $0x1  }
0xa1: {  	s23 =	simm.s32 $0x1B8B  }
0xa2: {  	_ =	swait.ge [sflag:s23], $0x1  }
0xa3: {  	[sflag:s23] =	ssyncset.done $0x0  }
0xa4: {  	s25 =	simm.s32 $0x1B8E;
	s24 =	sld [smem:$0x3FFE];
	[sflag:s23] =	ssyncadd.s32 $0xFFFFFFFF  }
0xa5: {  	s26 =	simm.s32 $execute0_lowered;
	[smem:$0x3FD2] =	sst s25  }
0xa6: {  	s4 =	sshll.u32 s26, $0x1;
	_ =	strace $0x80000046;
	[dreg:$0x1] =	wrdreg $0xFFFFFFFF  }
0xa7: {  	s28 =	simm.s32 $_size_execute0_lowered;
	s2 =	sadd.s32 s2, s4;
	[dreg:$0x0] =	wrdreg $0x0  }
0xa8: {  	s4 =	sshll.u32 s28, $0x1;
	[dreg:$0x2] =	wrdreg s2  }
0xa9: {  	[dreg:$0x3] =	wrdreg s4  }
0xaa: {  	[dreg:$0x4] =	wrdreg $0xC0  }
0xab: {  	_ =	task [dreg:s6], $0x5FFFF  }
0xac: {  	[dreg:$0x1] =	wrdreg $0xFFFFFFFF  }
0xad: {  	[dreg:$0x0] =	wrdreg $0x60  }
0xae: {  	[dreg:$0x2] =	wrdreg s24  }
0xaf: {  	[dreg:$0x3] =	wrdreg $0x0  }
0xb0: {  	[dreg:$0x4] =	wrdreg $0x9  }
0xb1: {  	_ =	task.clear_ibuf [dreg:s6], $0x5FFFF;
	_ =	strace $0x90000046  }
0xb2: {  	s29 =	simm.s32 $0x9;
	_ =	strace $0x80000048  }
0xb3: {  	_ =	swait.ge [sflag:s29], $0x1  }
0xb4: {  	[sflag:s29] =	ssyncadd.s32 $0xFFFFFFFF  }
0xb5: {  	_ =	strace $0x90000048  }
0xb6: {  	_ =	sfence  }
0xb7: {  	s30 =	sld [smem:$0x0];
	_ =	sdelay $0x2  }
0xb8: {  	s31 =	sshll.u32 s1, $0xD;
	s1 =	sshrl.u32 s1, $0x2  }
0xb9: {  	s3 =	sand.u32 $0x4000, s31;
	s1 =	sadd.s32 s1, s30  }
0xba: {  	s0 =	sor.u32 s3, s0;
	s1 =	sshll.u32 s1, $0x11  }
0xbb: {  	s0 =	sor.u32 s1, s0  }
0xbc: {  	s0 =	sadd.s32 $0x8F2B, s0  }
0xbd: {  	[sflag:s0] =	ssyncadd.remote.s32 $0x1  }
0xbe: {  	_ =	sfence.sel $0xFFFF  }
0xbf: {  	[dreg:$0x0] =	wrdreg $0xFFFFFFFF;
	(pc) =	sbr.abs _section_cstart, $3  }
0xc0: {  	[dreg:$0x1] =	wrdreg $0xFFFFFFFF  }
0xc1: {  	_ =	task.clear_ibuf [dreg:s6], $0x2FFFF;
	_ =	strace $0x9FFFFFFF  }
0xc2: {  	(tm) =	ssettm $0x7FFFFFFF  }
0xc3: {  	_ =	shalt  }
tec
execute0_lowered:
.L_overlay_start_1:
0x0: {  	(tag) =	ssettag $0x1  }
0x1: {  	s0 =	srdreg.scid;
	s6 =	rddreg [dreg:$0x0]  }
0x2: {  	s2 =	rddreg [dreg:$0x1];
	s7 =	sand.u32 $0x1, s0  }
0x3: {  	s0 =	stileid.u32;
	s4 =	smul.u32 $0x4E800, s7  }
0x4: {  	s1 =	rddreg [dreg:$0x2];
	s3 =	simm.s32 $0x0;
	s5 =	smul.u32 $0x4E80, s0  }
0x5: {  	s15 =	simm.s32 $0x80;
	s16 =	simm.s32 $0x14100;
	s8 =	smul.u32 $0x9D0, s0  }
0x6: {  	s17 =	simm.s32 $0x1;
	[smem:$0x7FF] =	sst s3;
	s28 =	smul.u32 $0x2800, s0  }
0x7: {  	s18 =	simm.s32 $0x0;
	s10 =	smul.u32 $0x28000, s7;
	_ =	strace $0x80000047  }
0x8: {  	s30 =	smul.u32 $0x50000, s0;
	s31 =	ssub.s32 $0x2, s7;
	s12 =	sshll.u32 s0, $0x6  }
0x9: {  	s7 =	sshrl.u32 s31, $0x1;
	s4 =	sadd.s32 s5, s4;
	s11 =	sadd.s32 s8, s6  }
0xa: {  	s29 =	sadd.s32 s28, s10;
	s5 =	sadd.s32 $0x73400, s6;
	s10 =	sshrl.u32 s30, $0x2  }
0xb: {  	s13 =	ssub.s32 s31, s7;
	s9 =	sshrl.u32 s4, $0x3;
	s4 =	sadd.s32 $0x23400, s6  }
0xc: {  	s8 =	sadd.s32 s29, s6;
	s14 =	sadd.s32 s10, s2;
	s10 =	sadd.s32 $0x5A00, s11  }
0xd: {  	s9 =	sadd.s32 s9, s6;
	s6 =	sor.u32 $0x1C02, s12;
	s7 =	sadd.s32 $0x75C00, s8  }
0xe: {  	s8 =	smax.u32 s13, $0x1;
	s11 =	sshrl.u32 s14, $0x3;
	s12 =	simm.s32 $0x2  }
0xf: {  	s13 =	simm.s32 $0x14000;
	s14 =	simm.s32 $0x14080;
	s9 =	sadd.s32 $0xF800, s9  }
.LBB2_1:
0x10: {  	[spmem:s11], [sflag:s6] =	dma.local [hbm:s5], $0x2800  }
0x11: {  	_ =	swait.ge [sflag:s12], $0x2800  }
0x12: {  	[sflag:s12] =	ssyncset.done $0x0  }
0x13: {  	[sflag:s12] =	ssyncadd.s32 $0xFFFFD800  }
0x14: {  	s19 =	sadd.s32 $0x0, s9;
	[bflag:$0x0] =	sbarrier.arrive $0xFFFF  }
0x15: {  	[tilespmem:s13], [sflag:$0x2] =	stream.linear.gather [hbm4b:s19+s3], $0x80, $0x38;
	[tilespmem:$0x18100] =	vst v63  }
0x16: {  	_ =	swait.ge [sflag:s12], $0x80  }
0x17: {  	[sflag:s12] =	ssyncset.done $0x0  }
0x18: {  	s31 =	sadd.s32 $0x0, s10;
	[sflag:s12] =	ssyncadd.s32 $0xFFFFFF80  }
0x19: {  	[tilespmem:s14], [sflag:$0x2] =	stream.linear.gather [hbm4b:s31+s3], $0x80, $0x38;
	[tilespmem:$0x18100] =	vst v63  }
0x1a: {  	_ =	swait.ge [sflag:s12], $0x80  }
0x1b: {  	[sflag:s12] =	ssyncset.done $0x0  }
0x1c: {  	[sflag:s12] =	ssyncadd.s32 $0xFFFFFF80  }
0x1d: {  	[tilespmem:s16], [sflag:$0x1] =	stream.indirect.gather [hbm4b:s4+s15], $0x80, s13, s15, $0xb8;
	[tilespmem:$0x18100] =	vst v63  }
0x1e: {  	_ =	swait.ge [sflag:s17], $0x4000  }
0x1f: {  	[sflag:s17] =	ssyncset.done $0x0  }
0x20: {  	[sflag:s17] =	ssyncadd.s32 $0xFFFFC000  }
0x21: {  	[spmem:s2] =	stream.indirect.scatter.add.f32 [tilespmem:s16], [sflag:$0x2], $0x80, s14, s15, $0xb8;
	[tilespmem:$0x18100] =	vst v63  }
0x22: {  	_ =	swait.ge [sflag:s12], $0x4000  }
0x23: {  	s20 =	simm.s32 $0x20;
	s19 =	simm.s32 $0x10;
	[sflag:s12] =	ssyncset.done $0x0  }
.LBB2_2:
0x24: {  	s21 =	sadd.s32 s19, s9  }
0x25: {  	[sflag:s12] =	ssyncadd.s32 $0xFFFFC000;
	s22 =	smov.u32 s20;
	s23 =	sadd.s32 $0x10, s20  }
0x26: {  	[tilespmem:s13], [sflag:$0x2] =	stream.linear.gather [hbm4b:s21+s3], $0x80, $0x38;
	[tilespmem:$0x18100] =	vst v63  }
0x27: {  	p0 =	sne.s32 s20, $0x9C0;
	_ =	swait.ge [sflag:s12], $0x80  }
0x28: {  	[sflag:s12] =	ssyncset.done $0x0  }
0x29: {  	s20 =	sadd.s32 s19, s10;
	s19 =	smov.u32 s22;
	[sflag:s12] =	ssyncadd.s32 $0xFFFFFF80  }
0x2a: {  	[tilespmem:s14], [sflag:$0x2] =	stream.linear.gather [hbm4b:s20+s3], $0x80, $0x38;
	[tilespmem:$0x18100] =	vst v63  }
0x2b: {  	_ =	swait.ge [sflag:s12], $0x80  }
0x2c: {  	[sflag:s12] =	ssyncset.done $0x0  }
0x2d: {  	[sflag:s12] =	ssyncadd.s32 $0xFFFFFF80  }
0x2e: {  	[tilespmem:s16], [sflag:$0x1] =	stream.indirect.gather [hbm4b:s4+s15], $0x80, s13, s15, $0xb8;
	[tilespmem:$0x18100] =	vst v63  }
0x2f: {  	_ =	swait.ge [sflag:s17], $0x4000  }
.Ltmp0:
0x30: {  	[sflag:s17] =	ssyncset.done $0x0;
	(pc) =	sbr.rel @p0 .LBB2_2-.Ltmp0, $4  }
0x31: {  	[sflag:s17] =	ssyncadd.s32 $0xFFFFC000  }
0x32: {  	[spmem:s2] =	stream.indirect.scatter.add.f32 [tilespmem:s16], [sflag:$0x2], $0x80, s14, s15, $0xb8;
	[tilespmem:$0x18100] =	vst v63  }
0x33: {  	_ =	swait.ge [sflag:s12], $0x4000  }
0x34: {  	s20 =	smov.u32 s23;
	[sflag:s12] =	ssyncset.done $0x0  }
0x35: {  	s20 =	sadd.s32 s19, s9;
	[sflag:s12] =	ssyncadd.s32 $0xFFFFC000  }
0x36: {  	[tilespmem:s13], [sflag:$0x2] =	stream.linear.gather [hbm4b:s20+s3], $0x80, $0x38;
	[tilespmem:$0x18100] =	vst v63  }
0x37: {  	_ =	swait.ge [sflag:s12], $0x80  }
0x38: {  	[sflag:s12] =	ssyncset.done $0x0  }
0x39: {  	s31 =	sadd.s32 s19, s10;
	[sflag:s12] =	ssyncadd.s32 $0xFFFFFF80  }
0x3a: {  	[tilespmem:s14], [sflag:$0x2] =	stream.linear.gather [hbm4b:s31+s3], $0x80, $0x38;
	[tilespmem:$0x18100] =	vst v63  }
0x3b: {  	_ =	swait.ge [sflag:s12], $0x80  }
0x3c: {  	[sflag:s12] =	ssyncset.done $0x0  }
0x3d: {  	[sflag:s12] =	ssyncadd.s32 $0xFFFFFF80  }
0x3e: {  	[tilespmem:s16], [sflag:$0x1] =	stream.indirect.gather [hbm4b:s4+s15], $0x80, s13, s15, $0xb8;
	[tilespmem:$0x18100] =	vst v63  }
0x3f: {  	_ =	swait.ge [sflag:s17], $0x4000  }
0x40: {  	[sflag:s17] =	ssyncset.done $0x0  }
0x41: {  	[sflag:s17] =	ssyncadd.s32 $0xFFFFC000  }
0x42: {  	[spmem:s2] =	stream.indirect.scatter.add.f32 [tilespmem:s16], [sflag:$0x2], $0x80, s14, s15, $0xb8;
	[tilespmem:$0x18100] =	vst v63  }
0x43: {  	_ =	swait.ge [sflag:s12], $0x4000  }
0x44: {  	s18 =	sadd.s32 $0x1, s18;
	[sflag:s12] =	ssyncset.done $0x0  }
0x45: {  	p0 =	sne.s32 s18, s8;
	[sflag:s12] =	ssyncadd.s32 $0xFFFFC000  }
.Ltmp1:
0x46: {  	[bflag:$0x0] =	sbarrier.arrive $0xFFFF;
	(pc) =	sbr.rel @p0 .LBB2_1-.Ltmp1, $4  }
0x47: {  	[hbm:s7], [sflag:s6] =	dma.local [spmem:s11], $0x2800  }
0x48: {  	_ =	swait.ge [sflag:s12], $0x2800  }
0x49: {  	[sflag:s12] =	ssyncset.done $0x0  }
0x4a: {  	[sflag:s12] =	ssyncadd.s32 $0xFFFFD800  }
0x4b: {  	_ =	sfence.sel $0x180000  }
0x4c: {  	[bflag:$0x0] =	sbarrier.arrive $0xFFFF  }
0x4d: {  	p0 =	sne.s32 s0, $0x0;
	_ =	strace $0x90000047  }
0x4e: {  	s0 =	sadd.s32 @!p0 $0x100000, s1;
	[bflag:$0x2] =	sbarrier.arrive $0xFFFF  }
0x4f: {  	[sflag:s0] =	ssyncadd.tile.s32 @!p0 $0x1;
	_ =	shalt  }
.Lfunc_end2:
_tile_overlayer_lowered:
.L_overlay_start_2:
0x50: {  	(tag) =	ssettag $0x2  }
0x51: {  	s0 =	rddreg [dreg:$0x0];
	s2 =	stileid.u32  }
0x52: {  	s1 =	rddreg [dreg:$0x1];
	p0 =	sne.s32 s2, $0x0  }
0x53: {  	s3 =	rddreg [dreg:$0x2];
	[bflag:$0x3] =	sbarrier.arrive $0xFFFF;
	s2 =	simm.s32 @!p0 $0x1C02  }
0x54: {  	[timem:s3], [sflag:s2] =	dma.local @!p0 [hbm:s0], s1  }
0x55: {  	s0 =	simm.s32 @!p0 $0x2  }
0x56: {  	_ =	swait.ge @!p0 [sflag:s0], s1  }
0x57: {  	s1 =	ssub.s32 @!p0 $0x0, s1;
	[sflag:s0] =	ssyncset.done @!p0 $0x0  }
0x58: {  	[sflag:s0] =	ssyncadd.s32 @!p0 s1  }
0x59: {  	[bflag:$0x3] =	sbarrier.arrive $0xFFFF  }
0x5a: {  	_ =	shalt  }

// kernel: kernel.17.cloned.1.call-start
scs
__scs_entry_jumppad:
0x0: {  	(pc) =	sbr.rel $0x88, $3  }
0x1: {  	(tag) =	ssettag $0x0;
	lr =	simm.s32 $0x1  }
0x2: {  	[smem:$0x3F88] =	sst lr;
	_ =	strace $0xD0000000  }
0x3: {  	_ = 	snop  }
0x4: {  	_ = 	snop  }
0x5: {  	_ = 	snop  }
0x6: {  	_ = 	snop  }
0x7: {  	_ = 	snop  }
__scs_overlays_trampoline_lowered:
0x8: {  	[smem:$0x3F97] =	sst s0  }
0x9: {  	[smem:$0x3F98] =	sst s1  }
0xa: {  	[smem:$0x3F99] =	sst s2  }
0xb: {  	[smem:$0x3F9A] =	sst s3  }
0xc: {  	[smem:$0x3F9B] =	sst s4  }
0xd: {  	[smem:$0x3F9C] =	sst s5  }
0xe: {  	[smem:$0x3F9D] =	sst s6  }
0xf: {  	[smem:$0x3F9E] =	sst s7  }
0x10: {  	[smem:$0x3F9F] =	sst s8  }
0x11: {  	[smem:$0x3FA0] =	sst s9;
	s0 =	simm.s32 @!p0 $0x0  }
0x12: {  	s1 =	sld [smem:$0x3F86];
	s0 =	simm.s32 @p0 $0x1  }
0x13: {  	[smem:$0x3FA1] =	sst s0;
	s0 =	simm.s32 @!p1 $0x0  }
0x14: {  	s2 =	sld [smem:$0x3F85];
	s0 =	simm.s32 @p1 $0x1  }
0x15: {  	[smem:$0x3FA2] =	sst s0;
	s0 =	simm.s32 @!p2 $0x0  }
0x16: {  	s3 =	sld [smem:$0x3FDB];
	s0 =	simm.s32 @p2 $0x1  }
0x17: {  	s4 =	simm.s32 $0x1BF5;
	[smem:$0x3FA4] =	sst s0  }
0x18: {  	s0 =	sld [smem:$0x3F87];
	_ =	swait.ge [sflag:s4], $0x0  }
0x19: {  	s7 =	sld [smem:$0x3F88]  }
0x1a: {  	s8 =	sadd.s32 $0xFFFFE003, lr  }
0x1b: {  	s9 =	sadd.s32 $0xFFFFFEF7, lr;
	s5 =	simm.s32 $0xFFFFFFFF;
	p2 =	slt.u32 s8, $0xFFFFF086  }
0x1c: {  	p1 =	slt.u32 s9, $0xF7A;
	s5 =	simm.s32 @!p2 $0x0  }
0x1d: {  	s5 =	simm.s32 @p1 $0x1;
	p0 =	seq.s32 s7, s2  }
0x1e: {  	s7 =	smul.u32 @!p0 $0xF7A, s2;
	p2 =	seq.s32 @!p0 s5, $0x0  }
0x1f: {  	s9 =	smul.u32 $0xF7A, s1;
	s8 =	simm.s32 @!p0 $0x1BF5;
	p2 =	por !p2, p0  }
0x20: {  	[sflag:s8] =	ssyncset.s32 @!p0 $0xFFFFF086;
	s6 =	sadd.s32 @!p0 s3, s7;
	s7 =	simm.s32 @!p0 $0x108  }
0x21: {  	s3 =	sadd.s32 s3, s9;
	s6 =	sadd.s32 @!p0 $0x88, s6;
	s7 =	simm.s32 @p2 $0x1082  }
0x22: {  	[simem:s7], [sflag:s8] =	dma.local @!p0 [hbm:s6], $0xF7A  }
0x23: {  	s9 =	sor.u32 $0xD0000000, s2;
	s6 =	simm.s32 $0x108;
	_ =	swait.ge @!p0 [sflag:s8], $0x0  }
0x24: {  	s3 =	sadd.s32 $0x88, s3;
	s6 =	simm.s32 @!p1 $0x1082;
	[sflag:s4] =	ssyncset.s32 $0xFFFFF086  }
0x25: {  	[simem:s6], [sflag:s4] =	dma.local [hbm:s3], $0xF7A  }
0x26: {  	[smem:$0x3F88] =	sst s1;
	(tag) =	ssettag s2;
	_ =	strace s9  }
0x27: {  	s1 =	sld [smem:$0x3F98]  }
0x28: {  	s2 =	sld [smem:$0x3F99]  }
0x29: {  	s4 =	sld [smem:$0x3F9B]  }
0x2a: {  	p0 =	seq.s32 s5, $0x0;
	s5 =	sld [smem:$0x3F9C]  }
0x2b: {  	s6 =	sld [smem:$0x3F9D]  }
0x2c: {  	s7 =	sld [smem:$0x3F9E]  }
0x2d: {  	s3 =	simm.s32 $0x108;
	s8 =	sld [smem:$0x3F9F]  }
0x2e: {  	s3 =	simm.s32 @!p0 $0x1082;
	s9 =	sld [smem:$0x3FA0]  }
0x2f: {  	lr =	sadd.s32 s0, s3;
	s0 =	sld [smem:$0x3F97]  }
0x30: {  	s3 =	sld [smem:$0x3F9A]  }
0x31: {  	[smem:$0x3FA3] =	sst s10  }
0x32: {  	s10 =	sld [smem:$0x3FA1];
	_ =	sdelay $0x3  }
0x33: {  	p0 =	seq.s32 s10, $0x1;
	s10 =	sld [smem:$0x3FA3];
	_ =	sdelay $0x3  }
0x34: {  	[smem:$0x3FA3] =	sst s10  }
0x35: {  	s10 =	sld [smem:$0x3FA2];
	_ =	sdelay $0x3  }
0x36: {  	p1 =	seq.s32 s10, $0x1;
	s10 =	sld [smem:$0x3FA3];
	_ =	sdelay $0x3  }
0x37: {  	[smem:$0x3FA3] =	sst s10  }
0x38: {  	s10 =	sld [smem:$0x3FA4]  }
0x39: {  	_ = 	snop;
	(pc) =	sbr.ind lr, $3  }
0x3a: {  	_ = 	snop  }
0x3b: {  	_ = 	snop  }
0x3c: {  	p2 =	seq.s32 s10, $0x1;
	s10 =	sld [smem:$0x3FA3]  }
0x3d: {  	_ =	shalt  }
0x3e: {  	_ =	shalt  }
0x3f: {  	_ =	shalt  }
0x40: {  	_ =	shalt  }
0x41: {  	_ =	shalt  }
0x42: {  	_ =	shalt  }
0x43: {  	_ =	shalt  }
0x44: {  	_ =	shalt  }
0x45: {  	_ =	shalt  }
0x46: {  	_ =	shalt  }
0x47: {  	_ =	shalt  }
0x48: {  	_ =	shalt  }
0x49: {  	_ =	shalt  }
0x4a: {  	_ =	shalt  }
0x4b: {  	_ =	shalt  }
0x4c: {  	_ =	shalt  }
0x4d: {  	_ =	shalt  }
0x4e: {  	_ =	shalt  }
0x4f: {  	_ =	shalt  }
0x50: {  	_ =	shalt  }
0x51: {  	_ =	shalt  }
0x52: {  	_ =	shalt  }
0x53: {  	_ =	shalt  }
0x54: {  	_ =	shalt  }
0x55: {  	_ =	shalt  }
0x56: {  	_ =	shalt  }
0x57: {  	_ =	shalt  }
0x58: {  	_ =	shalt  }
0x59: {  	_ =	shalt  }
0x5a: {  	_ =	shalt  }
0x5b: {  	_ =	shalt  }
0x5c: {  	_ =	shalt  }
0x5d: {  	_ =	shalt  }
0x5e: {  	_ =	shalt  }
0x5f: {  	_ =	shalt  }
0x60: {  	_ =	shalt  }
0x61: {  	_ =	shalt  }
0x62: {  	_ =	shalt  }
0x63: {  	_ =	shalt  }
0x64: {  	_ =	shalt  }
0x65: {  	_ =	shalt  }
0x66: {  	_ =	shalt  }
0x67: {  	_ =	shalt  }
0x68: {  	_ =	shalt  }
0x69: {  	_ =	shalt  }
0x6a: {  	_ =	shalt  }
0x6b: {  	_ =	shalt  }
0x6c: {  	_ =	shalt  }
0x6d: {  	_ =	shalt  }
0x6e: {  	_ =	shalt  }
0x6f: {  	_ =	shalt  }
0x70: {  	_ =	shalt  }
0x71: {  	_ =	shalt  }
0x72: {  	_ =	shalt  }
0x73: {  	_ =	shalt  }
0x74: {  	_ =	shalt  }
0x75: {  	_ =	shalt  }
0x76: {  	_ =	shalt  }
0x77: {  	_ =	shalt  }
0x78: {  	_ =	shalt  }
0x79: {  	_ =	shalt  }
0x7a: {  	_ =	shalt  }
0x7b: {  	_ =	shalt  }
0x7c: {  	_ =	shalt  }
0x7d: {  	_ =	shalt  }
0x7e: {  	_ =	shalt  }
0x7f: {  	_ =	shalt  }
0x80: {  	_ =	shalt  }
0x81: {  	_ =	shalt  }
0x82: {  	_ =	shalt  }
0x83: {  	_ =	shalt  }
0x84: {  	_ =	shalt  }
0x85: {  	_ =	shalt  }
0x86: {  	_ =	shalt  }
0x87: {  	_ =	shalt  }
.Lfunc_end0:
.L_simem_size_0:
called_computation.1_lowered:
.L_overlay_start_0:
0x88: {  	s2 =	sld [smem:$0x3FD9]  }
0x89: {  	s3 =	sld [smem:$0x3FFE];
	_ =	sdelay $0x1  }
0x8a: {  	s1 =	srdreg.scid  }
0x8b: {  	s0 =	sand.u32 $0x1, s1  }
0x8c: {  	s17 =	sshll.u32 s0, $0xA;
	s2 =	sadd.s32 s3, s2  }
0x8d: {  	s2 =	sadd.s32 s2, s17  }
0x8e: {  	[smem:$0x3FAF] =	sst s2  }
0x8f: {  	_ = 	snop  }
0x90: {  	(tm) =	ssettm $0x1  }
0x91: {  	s18 =	sld [smem:$0x3FFB];
	_ =	sdelay $0x3  }
0x92: {  	_ =	strace s18  }
0x93: {  	s2 =	sld [smem:$0x3FFC];
	_ =	sdelay $0x3  }
0x94: {  	_ =	strace s2  }
0x95: {  	s2 =	sld [smem:$0x3FFD];
	_ =	sdelay $0x3  }
0x96: {  	_ =	strace s2  }
0x97: {  	_ =	strace $0x8FFFFFFF  }
0x98: {  	s19 =	sld [smem:$0x3FDB];
	_ =	sdelay $0x1  }
0x99: {  	s20 =	simm.s32 $_scs_section_size  }
0x9a: {  	s4 =	simm.s32 $_size__tile_overlayer_lowered;
	s5 =	simm.s32 $_tile_overlayer_lowered  }
0x9b: {  	s6 =	simm.s32 $0x1BFF;
	s21 =	sshll.u32 s5, $0x1;
	s3 =	sadd.s32 s20, s19  }
0x9c: {  	s22 =	simm.s32 $0x0;
	s4 =	sshll.u32 s4, $0x1;
	s5 =	sadd.s32 s21, s3  }
0x9d: {  	[timem:s22], [sflag:s6] =	dma.local [hbm:s5], s4  }
0x9e: {  	_ =	swait.ge [sflag:s6], s4  }
0x9f: {  	s4 =	ssub.s32 $0x0, s4;
	[sflag:s6] =	ssyncset.done $0x0  }
0xa0: {  	[sflag:s6] =	ssyncadd.s32 s4;
	_ =	sdelay $0x1  }
0xa1: {  	s23 =	simm.s32 $0x1B8B  }
0xa2: {  	_ =	swait.ge [sflag:s23], $0x1  }
0xa3: {  	[sflag:s23] =	ssyncset.done $0x0  }
0xa4: {  	[sflag:s23] =	ssyncadd.s32 $0xFFFFFFFF  }
0xa5: {  	s4 =	sld [smem:$0x0]  }
0xa6: {  	s5 =	sand.u32 $0xFFFFFFFE, s1  }
0xa7: {  	p0 =	sne.s32 s1, s5  }
0xa8: {  	s5 =	sshll.u32 @p0 s5, $0xE  }
0xa9: {  	s5 =	sadd.s32 @p0 $0x11B8D, s5;
	s6 =	sshll.u32 @p0 s4, $0x11  }
0xaa: {  	s5 =	sor.u32 @p0 s6, s5  }
0xab: {  	[sflag:s5] =	ssyncadd.remote.s32 @p0 $0x1;
	_ =	sdelay $0x1  }
0xac: {  	s5 =	simm.s32 @p0 $0x1B8D  }
0xad: {  	_ =	swait.eq @p0 [sflag:s5], $0x1  }
0xae: {  	[sflag:s5] =	ssyncadd.s32 @p0 $0xFFFFFFFF  }
0xaf: {  	s6 =	sshll.u32 @!p0 s1, $0xE  }
0xb0: {  	s6 =	sor.u32 @!p0 $0x4000, s6;
	s5 =	simm.s32 @!p0 $0x1B8D  }
0xb1: {  	s4 =	sshll.u32 @!p0 s4, $0x11;
	s6 =	sadd.s32 @!p0 $0x11B8D, s6;
	_ =	swait.eq @!p0 [sflag:s5], $0x1  }
0xb2: {  	s4 =	sor.u32 @!p0 s4, s6;
	[sflag:s5] =	ssyncadd.s32 @!p0 $0xFFFFFFFF  }
0xb3: {  	s25 =	simm.s32 $0x1B8E;
	s24 =	sld [smem:$0x3FFE];
	[sflag:s4] =	ssyncadd.remote.s32 @!p0 $0x1  }
0xb4: {  	s26 =	simm.s32 $execute0_lowered;
	[smem:$0x3FD2] =	sst s25  }
0xb5: {  	s5 =	sshll.u32 s26, $0x1;
	_ =	strace $0x80000049;
	[dreg:$0x1] =	wrdreg $0xFFFFFFFF  }
0xb6: {  	s28 =	simm.s32 $_size_execute0_lowered;
	s3 =	sadd.s32 s3, s5;
	[dreg:$0x0] =	wrdreg $0x0  }
0xb7: {  	s5 =	sshll.u32 s28, $0x1;
	[dreg:$0x2] =	wrdreg s3  }
0xb8: {  	[dreg:$0x3] =	wrdreg s5  }
0xb9: {  	[dreg:$0x4] =	wrdreg $0xC0  }
0xba: {  	_ =	task [dreg:s22], $0x5FFFF  }
0xbb: {  	[dreg:$0x1] =	wrdreg $0xFFFFFFFF  }
0xbc: {  	[dreg:$0x0] =	wrdreg $0x60  }
0xbd: {  	[dreg:$0x2] =	wrdreg s24  }
0xbe: {  	[dreg:$0x3] =	wrdreg $0x0  }
0xbf: {  	[dreg:$0x4] =	wrdreg $0xA  }
0xc0: {  	_ =	task.clear_ibuf [dreg:s22], $0x5FFFF;
	_ =	strace $0x90000049  }
0xc1: {  	s29 =	simm.s32 $0xA;
	_ =	strace $0x8000004B  }
0xc2: {  	_ =	swait.ge [sflag:s29], $0x1  }
0xc3: {  	[sflag:s29] =	ssyncadd.s32 $0xFFFFFFFF  }
0xc4: {  	_ =	strace $0x9000004B  }
0xc5: {  	_ =	sfence  }
0xc6: {  	s30 =	sld [smem:$0x0];
	_ =	sdelay $0x2  }
0xc7: {  	s31 =	sshll.u32 s1, $0xD;
	s1 =	sshrl.u32 s1, $0x2  }
0xc8: {  	s4 =	sand.u32 $0x4000, s31;
	s1 =	sadd.s32 s1, s30  }
0xc9: {  	s0 =	sor.u32 s4, s0;
	s1 =	sshll.u32 s1, $0x11  }
0xca: {  	s0 =	sor.u32 s1, s0  }
0xcb: {  	s0 =	sadd.s32 $0x8F2B, s0  }
0xcc: {  	[sflag:s0] =	ssyncadd.remote.s32 $0x1  }
0xcd: {  	_ =	sfence.sel $0xFFFF  }
0xce: {  	[dreg:$0x0] =	wrdreg $0xFFFFFFFF;
	(pc) =	sbr.abs _section_cstart, $3  }
0xcf: {  	[dreg:$0x1] =	wrdreg $0xFFFFFFFF  }
0xd0: {  	_ =	task.clear_ibuf [dreg:s22], $0x2FFFF;
	_ =	strace $0x9FFFFFFF  }
0xd1: {  	(tm) =	ssettm $0x7FFFFFFF  }
tec
execute0_lowered:
.L_overlay_start_1:
0x0: {  	(tag) =	ssettag $0x1  }
0x1: {  	s7 =	rddreg [dreg:$0x0]  }
0x2: {  	s0 =	srdreg.scid;
	s2 =	rddreg [dreg:$0x1]  }
0x3: {  	s3 =	simm.s32 $0x0;
	s16 =	simm.s32 $0x1;
	s6 =	sand.u32 $0x1, s0  }
0x4: {  	s20 =	simm.s32 $0x14800;
	s21 =	simm.s32 $0x80;
	s4 =	smul.u32 $0x4F00, s6  }
0x5: {  	s22 =	simm.s32 $0x14880;
	s0 =	stileid.u32;
	s8 =	smul.u32 $0x28000, s6  }
0x6: {  	s23 =	simm.s32 $0x40;
	[smem:$0x7FF] =	sst s3;
	s9 =	smul.u32 $0x2800, s0  }
0x7: {  	s1 =	sshll.u32 s6, $0x4;
	s24 =	smul.u32 $0x52000, s0;
	s10 =	sshll.u32 s0, $0x8  }
0x8: {  	s11 =	ssub.s32 $0x2, s6;
	s12 =	smul.u32 $0x50000, s0;
	s29 =	sshll.u32 s0, $0xB  }
0x9: {  	s30 =	sshll.u32 s6, $0xC;
	s15 =	smul.u32 $0x4F0, s0;
	s17 =	sshll.u32 s0, $0x6  }
0xa: {  	s1 =	sor.u32 s0, s1;
	s25 =	sshrl.u32 s11, $0x1;
	s31 =	sadd.s32 s29, s2  }
0xb: {  	s17 =	sor.u32 $0x1C01, s17;
	s5 =	smul.u32 $0x140, s1;
	s1 =	rddreg [dreg:$0x2]  }
0xc: {  	_ =	strace $0x8000004A;
	s13 =	sadd.s32 s4, s7;
	s4 =	sadd.s32 $0xD0600, s7  }
0xd: {  	s8 =	sadd.s32 s9, s8;
	s9 =	sshrl.u32 s24, $0x2;
	s26 =	ssub.s32 s11, s25  }
0xe: {  	s28 =	sshrl.u32 s12, $0x2;
	s25 =	sadd.s32 $0x140000, s31;
	s8 =	sadd.s32 s8, s7  }
0xf: {  	s18 =	sadd.s32 s9, s2;
	s24 =	sadd.s32 s28, s2;
	s9 =	smax.u32 s26, $0x1  }
0x10: {  	s15 =	sadd.s32 s15, s13;
	s25 =	sshrl.u32 s25, $0x3;
	s26 =	simm.s32 $0x0  }
0x11: {  	s5 =	sshrl.u32 s5, $0x3;
	s19 =	sadd.s32 $0x14000, s18;
	s6 =	sadd.s32 $0xD0E00, s8  }
0x12: {  	s18 =	sshrl.u32 s18, $0x3;
	s24 =	sshrl.u32 s24, $0x3;
	s14 =	sadd.s32 s5, s7  }
0x13: {  	s5 =	sadd.s32 $0x73400, s7;
	s7 =	sadd.s32 s10, s7;
	s19 =	sshrl.u32 s19, $0x3  }
0x14: {  	s7 =	sadd.s32 s30, s7;
	s8 =	sadd.s32 $0xCFA00, s14;
	s10 =	sadd.s32 $0xCFA08, s14  }
0x15: {  	s11 =	sadd.s32 $0xCFA10, s14;
	s12 =	sadd.s32 $0xCFA18, s14;
	s13 =	sadd.s32 $0xCFA20, s14  }
0x16: {  	s14 =	sadd.s32 $0xC5C00, s15;
	s15 =	simm.s32 $0x14900;
	s7 =	sadd.s32 $0x120E00, s7  }
.LBB2_1:
0x17: {  	[tilespmem:s15], [sflag:$0x1] =	stream.linear.gather [hbm4b:s4+s3], $0x4000, $0x38;
	[tilespmem:$0x18900] =	vst v63  }
0x18: {  	_ =	swait.ge [sflag:s16], $0x4000  }
0x19: {  	[sflag:s16] =	ssyncset.done $0x0  }
0x1a: {  	[sflag:s16] =	ssyncadd.s32 $0xFFFFC000  }
0x1b: {  	[spmem:s18], [sflag:s17] =	dma.local [hbm:s5], $0x2800  }
0x1c: {  	_ =	swait.ge [sflag:s16], $0x2800  }
0x1d: {  	[sflag:s16] =	ssyncset.done $0x0  }
0x1e: {  	[sflag:s16] =	ssyncadd.s32 $0xFFFFD800  }
0x1f: {  	[spmem:s19], [sflag:s17] =	dma.local [hbm:s5], $0x100  }
0x20: {  	_ =	swait.ge [sflag:s16], $0x100  }
0x21: {  	[sflag:s16] =	ssyncset.done $0x0  }
0x22: {  	[sflag:s16] =	ssyncadd.s32 $0xFFFFFF00  }
0x23: {  	s28 =	sadd.s32 $0x0, s14;
	[bflag:$0x0] =	sbarrier.arrive $0xFFFF  }
0x24: {  	[tilespmem:s20], [sflag:$0x1] =	stream.linear.gather [hbm4b:s28+s3], $0x80, $0x38;
	[tilespmem:$0x18900] =	vst v63  }
0x25: {  	_ =	swait.ge [sflag:s16], $0x80  }
0x26: {  	[sflag:s16] =	ssyncset.done $0x0  }
0x27: {  	[sflag:s16] =	ssyncadd.s32 $0xFFFFFF80  }
0x28: {  	[spmem:s2] =	stream.indirect.scatter.add.f32 [tilespmem:s15], [sflag:$0x1], $0x80, s20, s21, $0xb8;
	[tilespmem:$0x18900] =	vst v63  }
0x29: {  	_ =	swait.ge [sflag:s16], $0x4000  }
0x2a: {  	s29 =	simm.s32 $0x20;
	s28 =	simm.s32 $0x10;
	[sflag:s16] =	ssyncset.done $0x0  }
.LBB2_2:
0x2b: {  	s30 =	sadd.s32 s28, s14  }
0x2c: {  	[sflag:s16] =	ssyncadd.s32 $0xFFFFC000;
	s28 =	smov.u32 s29;
	s31 =	sadd.s32 $0x10, s29  }
0x2d: {  	[tilespmem:s20], [sflag:$0x1] =	stream.linear.gather [hbm4b:s30+s3], $0x80, $0x38;
	[tilespmem:$0x18900] =	vst v63  }
0x2e: {  	p0 =	sne.s32 s29, $0x4E0;
	_ =	swait.ge [sflag:s16], $0x80  }
.Ltmp0:
0x2f: {  	[sflag:s16] =	ssyncset.done $0x0;
	(pc) =	sbr.rel @p0 .LBB2_2-.Ltmp0, $4  }
0x30: {  	[sflag:s16] =	ssyncadd.s32 $0xFFFFFF80  }
0x31: {  	[spmem:s2] =	stream.indirect.scatter.add.f32 [tilespmem:s15], [sflag:$0x1], $0x80, s20, s21, $0xb8;
	[tilespmem:$0x18900] =	vst v63  }
0x32: {  	_ =	swait.ge [sflag:s16], $0x4000  }
0x33: {  	s29 =	smov.u32 s31;
	[sflag:s16] =	ssyncset.done $0x0  }
0x34: {  	s28 =	sadd.s32 s28, s14;
	[sflag:s16] =	ssyncadd.s32 $0xFFFFC000  }
0x35: {  	[tilespmem:s20], [sflag:$0x1] =	stream.linear.gather [hbm4b:s28+s3], $0x80, $0x38;
	[tilespmem:$0x18900] =	vst v63  }
0x36: {  	_ =	swait.ge [sflag:s16], $0x80  }
0x37: {  	[sflag:s16] =	ssyncset.done $0x0  }
0x38: {  	[sflag:s16] =	ssyncadd.s32 $0xFFFFFF80  }
0x39: {  	[spmem:s2] =	stream.indirect.scatter.add.f32 [tilespmem:s15], [sflag:$0x1], $0x80, s20, s21, $0xb8;
	[tilespmem:$0x18900] =	vst v63  }
0x3a: {  	_ =	swait.ge [sflag:s16], $0x4000  }
0x3b: {  	[sflag:s16] =	ssyncset.done $0x0  }
0x3c: {  	[sflag:s16] =	ssyncadd.s32 $0xFFFFC000  }
0x3d: {  	[tilespmem:s22], [sflag:$0x1] =	stream.linear.gather [hbm4b:s8+s3], $0x40, $0x38;
	[tilespmem:$0x18900] =	vst v63  }
0x3e: {  	_ =	swait.ge [sflag:s16], $0x40  }
0x3f: {  	[sflag:s16] =	ssyncset.done $0x0  }
0x40: {  	[sflag:s16] =	ssyncadd.s32 $0xFFFFFFC0  }
0x41: {  	[spmem:s2] =	stream.indirect.scatter.add.f32 [tilespmem:s15], [sflag:$0x1], $0x80, s22, s23, $0xb8;
	[tilespmem:$0x18900] =	vst v63  }
0x42: {  	_ =	swait.ge [sflag:s16], $0x2000  }
0x43: {  	[sflag:s16] =	ssyncset.done $0x0  }
0x44: {  	[sflag:s16] =	ssyncadd.s32 $0xFFFFE000  }
0x45: {  	[tilespmem:s22], [sflag:$0x1] =	stream.linear.gather [hbm4b:s10+s3], $0x40, $0x38;
	[tilespmem:$0x18900] =	vst v63  }
0x46: {  	_ =	swait.ge [sflag:s16], $0x40  }
0x47: {  	[sflag:s16] =	ssyncset.done $0x0  }
0x48: {  	[sflag:s16] =	ssyncadd.s32 $0xFFFFFFC0  }
0x49: {  	[spmem:s2] =	stream.indirect.scatter.add.f32 [tilespmem:s15], [sflag:$0x1], $0x80, s22, s23, $0xb8;
	[tilespmem:$0x18900] =	vst v63  }
0x4a: {  	_ =	swait.ge [sflag:s16], $0x2000  }
0x4b: {  	[sflag:s16] =	ssyncset.done $0x0  }
0x4c: {  	[sflag:s16] =	ssyncadd.s32 $0xFFFFE000  }
0x4d: {  	[tilespmem:s22], [sflag:$0x1] =	stream.linear.gather [hbm4b:s11+s3], $0x40, $0x38;
	[tilespmem:$0x18900] =	vst v63  }
0x4e: {  	_ =	swait.ge [sflag:s16], $0x40  }
0x4f: {  	[sflag:s16] =	ssyncset.done $0x0  }
0x50: {  	[sflag:s16] =	ssyncadd.s32 $0xFFFFFFC0  }
0x51: {  	[spmem:s2] =	stream.indirect.scatter.add.f32 [tilespmem:s15], [sflag:$0x1], $0x80, s22, s23, $0xb8;
	[tilespmem:$0x18900] =	vst v63  }
0x52: {  	_ =	swait.ge [sflag:s16], $0x2000  }
0x53: {  	[sflag:s16] =	ssyncset.done $0x0  }
0x54: {  	[sflag:s16] =	ssyncadd.s32 $0xFFFFE000  }
0x55: {  	[tilespmem:s22], [sflag:$0x1] =	stream.linear.gather [hbm4b:s12+s3], $0x40, $0x38;
	[tilespmem:$0x18900] =	vst v63  }
0x56: {  	_ =	swait.ge [sflag:s16], $0x40  }
0x57: {  	[sflag:s16] =	ssyncset.done $0x0  }
0x58: {  	[sflag:s16] =	ssyncadd.s32 $0xFFFFFFC0  }
0x59: {  	[spmem:s2] =	stream.indirect.scatter.add.f32 [tilespmem:s15], [sflag:$0x1], $0x80, s22, s23, $0xb8;
	[tilespmem:$0x18900] =	vst v63  }
0x5a: {  	_ =	swait.ge [sflag:s16], $0x2000  }
0x5b: {  	[sflag:s16] =	ssyncset.done $0x0  }
0x5c: {  	[sflag:s16] =	ssyncadd.s32 $0xFFFFE000  }
0x5d: {  	[tilespmem:s22], [sflag:$0x1] =	stream.linear.gather [hbm4b:s13+s3], $0x40, $0x38;
	[tilespmem:$0x18900] =	vst v63  }
0x5e: {  	_ =	swait.ge [sflag:s16], $0x40  }
0x5f: {  	[sflag:s16] =	ssyncset.done $0x0  }
0x60: {  	[sflag:s16] =	ssyncadd.s32 $0xFFFFFFC0  }
0x61: {  	[spmem:s2] =	stream.indirect.scatter.add.f32 [tilespmem:s15], [sflag:$0x1], $0x80, s22, s23, $0xb8;
	[tilespmem:$0x18900] =	vst v63  }
0x62: {  	_ =	swait.ge [sflag:s16], $0x2000  }
0x63: {  	[sflag:s16] =	ssyncset.done $0x0  }
0x64: {  	[sflag:s16] =	ssyncadd.s32 $0xFFFFE000  }
0x65: {  	[bflag:$0x0] =	sbarrier.arrive $0xFFFF  }
0x66: {  	[hbm:s6], [sflag:s17] =	dma.local [spmem:s24], $0x2800  }
0x67: {  	s26 =	sadd.s32 $0x1, s26;
	_ =	swait.ge [sflag:s16], $0x2800  }
0x68: {  	p0 =	sne.s32 s26, s9;
	[sflag:s16] =	ssyncset.done $0x0  }
.Ltmp1:
0x69: {  	[sflag:s16] =	ssyncadd.s32 $0xFFFFD800;
	(pc) =	sbr.rel @p0 .LBB2_1-.Ltmp1, $4  }
0x6a: {  	[hbm:s7], [sflag:s17] =	dma.local [spmem:s25], $0x100  }
0x6b: {  	_ =	swait.ge [sflag:s16], $0x100  }
0x6c: {  	[sflag:s16] =	ssyncset.done $0x0  }
0x6d: {  	[sflag:s16] =	ssyncadd.s32 $0xFFFFFF00  }
0x6e: {  	_ =	sfence.sel $0x180000  }
0x6f: {  	[bflag:$0x0] =	sbarrier.arrive $0xFFFF  }
0x70: {  	p0 =	sne.s32 s0, $0x0;
	_ =	strace $0x9000004A  }
0x71: {  	s0 =	sadd.s32 @!p0 $0x100000, s1;
	[bflag:$0x2] =	sbarrier.arrive $0xFFFF  }
0x72: {  	[sflag:s0] =	ssyncadd.tile.s32 @!p0 $0x1;
	_ =	shalt  }
.Lfunc_end2:
_tile_overlayer_lowered:
.L_overlay_start_2:
0x73: {  	(tag) =	ssettag $0x2  }
0x74: {  	s0 =	rddreg [dreg:$0x0];
	s2 =	stileid.u32  }
0x75: {  	s1 =	rddreg [dreg:$0x1];
	p0 =	sne.s32 s2, $0x0  }
0x76: {  	s3 =	rddreg [dreg:$0x2];
	[bflag:$0x3] =	sbarrier.arrive $0xFFFF;
	s2 =	simm.s32 @!p0 $0x1C01  }
0x77: {  	[timem:s3], [sflag:s2] =	dma.local @!p0 [hbm:s0], s1  }
0x78: {  	s0 =	simm.s32 @!p0 $0x1  }
0x79: {  	_ =	swait.ge @!p0 [sflag:s0], s1  }
0x7a: {  	s1 =	ssub.s32 @!p0 $0x0, s1;
	[sflag:s0] =	ssyncset.done @!p0 $0x0  }
0x7b: {  	[sflag:s0] =	ssyncadd.s32 @!p0 s1  }
0x7c: {  	[bflag:$0x3] =	sbarrier.arrive $0xFFFF  }
0x7d: {  	_ =	shalt  }

// kernel: kernel.20.cloned.1.call-start
scs
__scs_entry_jumppad:
0x0: {  	(pc) =	sbr.rel $0x88, $3  }
0x1: {  	(tag) =	ssettag $0x0;
	lr =	simm.s32 $0x1  }
0x2: {  	[smem:$0x3F88] =	sst lr;
	_ =	strace $0xD0000000  }
0x3: {  	_ = 	snop  }
0x4: {  	_ = 	snop  }
0x5: {  	_ = 	snop  }
0x6: {  	_ = 	snop  }
0x7: {  	_ = 	snop  }
__scs_overlays_trampoline_lowered:
0x8: {  	[smem:$0x3F97] =	sst s0  }
0x9: {  	[smem:$0x3F98] =	sst s1  }
0xa: {  	[smem:$0x3F99] =	sst s2  }
0xb: {  	[smem:$0x3F9A] =	sst s3  }
0xc: {  	[smem:$0x3F9B] =	sst s4  }
0xd: {  	[smem:$0x3F9C] =	sst s5  }
0xe: {  	[smem:$0x3F9D] =	sst s6  }
0xf: {  	[smem:$0x3F9E] =	sst s7  }
0x10: {  	[smem:$0x3F9F] =	sst s8  }
0x11: {  	[smem:$0x3FA0] =	sst s9;
	s0 =	simm.s32 @!p0 $0x0  }
0x12: {  	s1 =	sld [smem:$0x3F86];
	s0 =	simm.s32 @p0 $0x1  }
0x13: {  	[smem:$0x3FA1] =	sst s0;
	s0 =	simm.s32 @!p1 $0x0  }
0x14: {  	s2 =	sld [smem:$0x3F85];
	s0 =	simm.s32 @p1 $0x1  }
0x15: {  	[smem:$0x3FA2] =	sst s0;
	s0 =	simm.s32 @!p2 $0x0  }
0x16: {  	s3 =	sld [smem:$0x3FDB];
	s0 =	simm.s32 @p2 $0x1  }
0x17: {  	s4 =	simm.s32 $0x1BF5;
	[smem:$0x3FA4] =	sst s0  }
0x18: {  	s0 =	sld [smem:$0x3F87];
	_ =	swait.ge [sflag:s4], $0x0  }
0x19: {  	s7 =	sld [smem:$0x3F88]  }
0x1a: {  	s8 =	sadd.s32 $0xFFFFE003, lr  }
0x1b: {  	s9 =	sadd.s32 $0xFFFFFEF7, lr;
	s5 =	simm.s32 $0xFFFFFFFF;
	p2 =	slt.u32 s8, $0xFFFFF086  }
0x1c: {  	p1 =	slt.u32 s9, $0xF7A;
	s5 =	simm.s32 @!p2 $0x0  }
0x1d: {  	s5 =	simm.s32 @p1 $0x1;
	p0 =	seq.s32 s7, s2  }
0x1e: {  	s7 =	smul.u32 @!p0 $0xF7A, s2;
	p2 =	seq.s32 @!p0 s5, $0x0  }
0x1f: {  	s9 =	smul.u32 $0xF7A, s1;
	s8 =	simm.s32 @!p0 $0x1BF5;
	p2 =	por !p2, p0  }
0x20: {  	[sflag:s8] =	ssyncset.s32 @!p0 $0xFFFFF086;
	s6 =	sadd.s32 @!p0 s3, s7;
	s7 =	simm.s32 @!p0 $0x108  }
0x21: {  	s3 =	sadd.s32 s3, s9;
	s6 =	sadd.s32 @!p0 $0x88, s6;
	s7 =	simm.s32 @p2 $0x1082  }
0x22: {  	[simem:s7], [sflag:s8] =	dma.local @!p0 [hbm:s6], $0xF7A  }
0x23: {  	s9 =	sor.u32 $0xD0000000, s2;
	s6 =	simm.s32 $0x108;
	_ =	swait.ge @!p0 [sflag:s8], $0x0  }
0x24: {  	s3 =	sadd.s32 $0x88, s3;
	s6 =	simm.s32 @!p1 $0x1082;
	[sflag:s4] =	ssyncset.s32 $0xFFFFF086  }
0x25: {  	[simem:s6], [sflag:s4] =	dma.local [hbm:s3], $0xF7A  }
0x26: {  	[smem:$0x3F88] =	sst s1;
	(tag) =	ssettag s2;
	_ =	strace s9  }
0x27: {  	s1 =	sld [smem:$0x3F98]  }
0x28: {  	s2 =	sld [smem:$0x3F99]  }
0x29: {  	s4 =	sld [smem:$0x3F9B]  }
0x2a: {  	p0 =	seq.s32 s5, $0x0;
	s5 =	sld [smem:$0x3F9C]  }
0x2b: {  	s6 =	sld [smem:$0x3F9D]  }
0x2c: {  	s7 =	sld [smem:$0x3F9E]  }
0x2d: {  	s3 =	simm.s32 $0x108;
	s8 =	sld [smem:$0x3F9F]  }
0x2e: {  	s3 =	simm.s32 @!p0 $0x1082;
	s9 =	sld [smem:$0x3FA0]  }
0x2f: {  	lr =	sadd.s32 s0, s3;
	s0 =	sld [smem:$0x3F97]  }
0x30: {  	s3 =	sld [smem:$0x3F9A]  }
0x31: {  	[smem:$0x3FA3] =	sst s10  }
0x32: {  	s10 =	sld [smem:$0x3FA1];
	_ =	sdelay $0x3  }
0x33: {  	p0 =	seq.s32 s10, $0x1;
	s10 =	sld [smem:$0x3FA3];
	_ =	sdelay $0x3  }
0x34: {  	[smem:$0x3FA3] =	sst s10  }
0x35: {  	s10 =	sld [smem:$0x3FA2];
	_ =	sdelay $0x3  }
0x36: {  	p1 =	seq.s32 s10, $0x1;
	s10 =	sld [smem:$0x3FA3];
	_ =	sdelay $0x3  }
0x37: {  	[smem:$0x3FA3] =	sst s10  }
0x38: {  	s10 =	sld [smem:$0x3FA4]  }
0x39: {  	_ = 	snop;
	(pc) =	sbr.ind lr, $3  }
0x3a: {  	_ = 	snop  }
0x3b: {  	_ = 	snop  }
0x3c: {  	p2 =	seq.s32 s10, $0x1;
	s10 =	sld [smem:$0x3FA3]  }
0x3d: {  	_ =	shalt  }
0x3e: {  	_ =	shalt  }
0x3f: {  	_ =	shalt  }
0x40: {  	_ =	shalt  }
0x41: {  	_ =	shalt  }
0x42: {  	_ =	shalt  }
0x43: {  	_ =	shalt  }
0x44: {  	_ =	shalt  }
0x45: {  	_ =	shalt  }
0x46: {  	_ =	shalt  }
0x47: {  	_ =	shalt  }
0x48: {  	_ =	shalt  }
0x49: {  	_ =	shalt  }
0x4a: {  	_ =	shalt  }
0x4b: {  	_ =	shalt  }
0x4c: {  	_ =	shalt  }
0x4d: {  	_ =	shalt  }
0x4e: {  	_ =	shalt  }
0x4f: {  	_ =	shalt  }
0x50: {  	_ =	shalt  }
0x51: {  	_ =	shalt  }
0x52: {  	_ =	shalt  }
0x53: {  	_ =	shalt  }
0x54: {  	_ =	shalt  }
0x55: {  	_ =	shalt  }
0x56: {  	_ =	shalt  }
0x57: {  	_ =	shalt  }
0x58: {  	_ =	shalt  }
0x59: {  	_ =	shalt  }
0x5a: {  	_ =	shalt  }
0x5b: {  	_ =	shalt  }
0x5c: {  	_ =	shalt  }
0x5d: {  	_ =	shalt  }
0x5e: {  	_ =	shalt  }
0x5f: {  	_ =	shalt  }
0x60: {  	_ =	shalt  }
0x61: {  	_ =	shalt  }
0x62: {  	_ =	shalt  }
0x63: {  	_ =	shalt  }
0x64: {  	_ =	shalt  }
0x65: {  	_ =	shalt  }
0x66: {  	_ =	shalt  }
0x67: {  	_ =	shalt  }
0x68: {  	_ =	shalt  }
0x69: {  	_ =	shalt  }
0x6a: {  	_ =	shalt  }
0x6b: {  	_ =	shalt  }
0x6c: {  	_ =	shalt  }
0x6d: {  	_ =	shalt  }
0x6e: {  	_ =	shalt  }
0x6f: {  	_ =	shalt  }
0x70: {  	_ =	shalt  }
0x71: {  	_ =	shalt  }
0x72: {  	_ =	shalt  }
0x73: {  	_ =	shalt  }
0x74: {  	_ =	shalt  }
0x75: {  	_ =	shalt  }
0x76: {  	_ =	shalt  }
0x77: {  	_ =	shalt  }
0x78: {  	_ =	shalt  }
0x79: {  	_ =	shalt  }
0x7a: {  	_ =	shalt  }
0x7b: {  	_ =	shalt  }
0x7c: {  	_ =	shalt  }
0x7d: {  	_ =	shalt  }
0x7e: {  	_ =	shalt  }
0x7f: {  	_ =	shalt  }
0x80: {  	_ =	shalt  }
0x81: {  	_ =	shalt  }
0x82: {  	_ =	shalt  }
0x83: {  	_ =	shalt  }
0x84: {  	_ =	shalt  }
0x85: {  	_ =	shalt  }
0x86: {  	_ =	shalt  }
0x87: {  	_ =	shalt  }
.Lfunc_end0:
.L_simem_size_0:
called_computation.2_lowered:
.L_overlay_start_0:
0x88: {  	s2 =	sld [smem:$0x3FD9]  }
0x89: {  	s3 =	sld [smem:$0x3FFE];
	_ =	sdelay $0x1  }
0x8a: {  	s1 =	srdreg.scid  }
0x8b: {  	s0 =	sand.u32 $0x1, s1  }
0x8c: {  	s16 =	sshll.u32 s0, $0xA;
	s2 =	sadd.s32 s3, s2  }
0x8d: {  	s2 =	sadd.s32 s2, s16  }
0x8e: {  	[smem:$0x3FAF] =	sst s2  }
0x8f: {  	_ = 	snop  }
0x90: {  	(tm) =	ssettm $0x1  }
0x91: {  	s17 =	sld [smem:$0x3FFB];
	_ =	sdelay $0x3  }
0x92: {  	_ =	strace s17  }
0x93: {  	s2 =	sld [smem:$0x3FFC];
	_ =	sdelay $0x3  }
0x94: {  	_ =	strace s2  }
0x95: {  	s2 =	sld [smem:$0x3FFD];
	_ =	sdelay $0x3  }
0x96: {  	_ =	strace s2  }
0x97: {  	_ =	strace $0x8FFFFFFF  }
0x98: {  	s18 =	sld [smem:$0x3FDB];
	_ =	sdelay $0x1  }
0x99: {  	s19 =	simm.s32 $_scs_section_size  }
0x9a: {  	s4 =	simm.s32 $_size__tile_overlayer_lowered;
	s5 =	simm.s32 $_tile_overlayer_lowered  }
0x9b: {  	s22 =	simm.s32 $0x1BFF;
	s21 =	sshll.u32 s5, $0x1;
	s2 =	sadd.s32 s19, s18  }
0x9c: {  	s6 =	simm.s32 $0x0;
	s20 =	sshll.u32 s4, $0x1;
	s4 =	sadd.s32 s21, s2  }
0x9d: {  	[timem:s6], [sflag:s22] =	dma.local [hbm:s4], s20  }
0x9e: {  	_ =	swait.ge [sflag:s22], s20  }
0x9f: {  	s3 =	ssub.s32 $0x0, s20;
	[sflag:s22] =	ssyncset.done $0x0  }
0xa0: {  	[sflag:s22] =	ssyncadd.s32 s3;
	_ =	sdelay $0x1  }
0xa1: {  	s23 =	simm.s32 $0x1B8B  }
0xa2: {  	_ =	swait.ge [sflag:s23], $0x1  }
0xa3: {  	[sflag:s23] =	ssyncset.done $0x0  }
0xa4: {  	s25 =	simm.s32 $0x1B8E;
	s24 =	sld [smem:$0x3FFE];
	[sflag:s23] =	ssyncadd.s32 $0xFFFFFFFF  }
0xa5: {  	s26 =	simm.s32 $execute0_lowered;
	[smem:$0x3FD2] =	sst s25  }
0xa6: {  	s4 =	sshll.u32 s26, $0x1;
	_ =	strace $0x8000004C;
	[dreg:$0x1] =	wrdreg $0xFFFFFFFF  }
0xa7: {  	s28 =	simm.s32 $_size_execute0_lowered;
	s2 =	sadd.s32 s2, s4;
	[dreg:$0x0] =	wrdreg $0x0  }
0xa8: {  	s4 =	sshll.u32 s28, $0x1;
	[dreg:$0x2] =	wrdreg s2  }
0xa9: {  	[dreg:$0x3] =	wrdreg s4  }
0xaa: {  	[dreg:$0x4] =	wrdreg $0xC0  }
0xab: {  	_ =	task [dreg:s6], $0x5FFFF  }
0xac: {  	[dreg:$0x1] =	wrdreg $0xFFFFFFFF  }
0xad: {  	[dreg:$0x0] =	wrdreg $0x60  }
0xae: {  	[dreg:$0x2] =	wrdreg s24  }
0xaf: {  	[dreg:$0x3] =	wrdreg $0x0  }
0xb0: {  	[dreg:$0x4] =	wrdreg $0x9  }
0xb1: {  	_ =	task.clear_ibuf [dreg:s6], $0x5FFFF;
	_ =	strace $0x9000004C  }
0xb2: {  	s29 =	simm.s32 $0x9;
	_ =	strace $0x8000004E  }
0xb3: {  	_ =	swait.ge [sflag:s29], $0x1  }
0xb4: {  	[sflag:s29] =	ssyncadd.s32 $0xFFFFFFFF  }
0xb5: {  	_ =	strace $0x9000004E  }
0xb6: {  	_ =	sfence  }
0xb7: {  	s30 =	sld [smem:$0x0];
	_ =	sdelay $0x2  }
0xb8: {  	s31 =	sshll.u32 s1, $0xD;
	s1 =	sshrl.u32 s1, $0x2  }
0xb9: {  	s3 =	sand.u32 $0x4000, s31;
	s1 =	sadd.s32 s1, s30  }
0xba: {  	s0 =	sor.u32 s3, s0;
	s1 =	sshll.u32 s1, $0x11  }
0xbb: {  	s0 =	sor.u32 s1, s0  }
0xbc: {  	s0 =	sadd.s32 $0x8F2B, s0  }
0xbd: {  	[sflag:s0] =	ssyncadd.remote.s32 $0x1  }
0xbe: {  	_ =	sfence.sel $0xFFFF  }
0xbf: {  	[dreg:$0x0] =	wrdreg $0xFFFFFFFF;
	(pc) =	sbr.abs _section_cstart, $3  }
0xc0: {  	[dreg:$0x1] =	wrdreg $0xFFFFFFFF  }
0xc1: {  	_ =	task.clear_ibuf [dreg:s6], $0x2FFFF;
	_ =	strace $0x9FFFFFFF  }
0xc2: {  	(tm) =	ssettm $0x7FFFFFFF  }
0xc3: {  	_ =	shalt  }
tec
execute0_lowered:
.L_overlay_start_1:
0x0: {  	(tag) =	ssettag $0x1  }
0x1: {  	s0 =	srdreg.scid;
	s6 =	rddreg [dreg:$0x0]  }
0x2: {  	s2 =	rddreg [dreg:$0x1];
	s7 =	sand.u32 $0x1, s0  }
0x3: {  	s0 =	stileid.u32;
	s4 =	smul.u32 $0x4E800, s7  }
0x4: {  	s1 =	rddreg [dreg:$0x2];
	s3 =	simm.s32 $0x0;
	s5 =	smul.u32 $0x4E80, s0  }
0x5: {  	s15 =	simm.s32 $0x80;
	s16 =	simm.s32 $0x14100;
	s8 =	smul.u32 $0x9D0, s0  }
0x6: {  	s17 =	simm.s32 $0x1;
	[smem:$0x7FF] =	sst s3;
	s28 =	smul.u32 $0x2800, s0  }
0x7: {  	s18 =	simm.s32 $0x0;
	s10 =	smul.u32 $0x28000, s7;
	_ =	strace $0x8000004D  }
0x8: {  	s30 =	smul.u32 $0x50000, s0;
	s31 =	ssub.s32 $0x2, s7;
	s12 =	sshll.u32 s0, $0x6  }
0x9: {  	s7 =	sshrl.u32 s31, $0x1;
	s4 =	sadd.s32 s5, s4;
	s11 =	sadd.s32 s8, s6  }
0xa: {  	s29 =	sadd.s32 s28, s10;
	s5 =	sadd.s32 $0x73400, s6;
	s10 =	sshrl.u32 s30, $0x2  }
0xb: {  	s13 =	ssub.s32 s31, s7;
	s9 =	sshrl.u32 s4, $0x3;
	s4 =	sadd.s32 $0x23400, s6  }
0xc: {  	s8 =	sadd.s32 s29, s6;
	s14 =	sadd.s32 s10, s2;
	s10 =	sadd.s32 $0x5A00, s11  }
0xd: {  	s9 =	sadd.s32 s9, s6;
	s6 =	sor.u32 $0x1C02, s12;
	s7 =	sadd.s32 $0x75C00, s8  }
0xe: {  	s8 =	smax.u32 s13, $0x1;
	s11 =	sshrl.u32 s14, $0x3;
	s12 =	simm.s32 $0x2  }
0xf: {  	s13 =	simm.s32 $0x14000;
	s14 =	simm.s32 $0x14080;
	s9 =	sadd.s32 $0xF800, s9  }
.LBB2_1:
0x10: {  	[spmem:s11], [sflag:s6] =	dma.local [hbm:s5], $0x2800  }
0x11: {  	_ =	swait.ge [sflag:s12], $0x2800  }
0x12: {  	[sflag:s12] =	ssyncset.done $0x0  }
0x13: {  	[sflag:s12] =	ssyncadd.s32 $0xFFFFD800  }
0x14: {  	s19 =	sadd.s32 $0x0, s9;
	[bflag:$0x0] =	sbarrier.arrive $0xFFFF  }
0x15: {  	[tilespmem:s13], [sflag:$0x2] =	stream.linear.gather [hbm4b:s19+s3], $0x80, $0x38;
	[tilespmem:$0x18100] =	vst v63  }
0x16: {  	_ =	swait.ge [sflag:s12], $0x80  }
0x17: {  	[sflag:s12] =	ssyncset.done $0x0  }
0x18: {  	s31 =	sadd.s32 $0x0, s10;
	[sflag:s12] =	ssyncadd.s32 $0xFFFFFF80  }
0x19: {  	[tilespmem:s14], [sflag:$0x2] =	stream.linear.gather [hbm4b:s31+s3], $0x80, $0x38;
	[tilespmem:$0x18100] =	vst v63  }
0x1a: {  	_ =	swait.ge [sflag:s12], $0x80  }
0x1b: {  	[sflag:s12] =	ssyncset.done $0x0  }
0x1c: {  	[sflag:s12] =	ssyncadd.s32 $0xFFFFFF80  }
0x1d: {  	[tilespmem:s16], [sflag:$0x1] =	stream.indirect.gather [hbm4b:s4+s15], $0x80, s13, s15, $0xb8;
	[tilespmem:$0x18100] =	vst v63  }
0x1e: {  	_ =	swait.ge [sflag:s17], $0x4000  }
0x1f: {  	[sflag:s17] =	ssyncset.done $0x0  }
0x20: {  	[sflag:s17] =	ssyncadd.s32 $0xFFFFC000  }
0x21: {  	[spmem:s2] =	stream.indirect.scatter.add.f32 [tilespmem:s16], [sflag:$0x2], $0x80, s14, s15, $0xb8;
	[tilespmem:$0x18100] =	vst v63  }
0x22: {  	_ =	swait.ge [sflag:s12], $0x4000  }
0x23: {  	s20 =	simm.s32 $0x20;
	s19 =	simm.s32 $0x10;
	[sflag:s12] =	ssyncset.done $0x0  }
.LBB2_2:
0x24: {  	s21 =	sadd.s32 s19, s9  }
0x25: {  	[sflag:s12] =	ssyncadd.s32 $0xFFFFC000;
	s22 =	smov.u32 s20;
	s23 =	sadd.s32 $0x10, s20  }
0x26: {  	[tilespmem:s13], [sflag:$0x2] =	stream.linear.gather [hbm4b:s21+s3], $0x80, $0x38;
	[tilespmem:$0x18100] =	vst v63  }
0x27: {  	p0 =	sne.s32 s20, $0x9C0;
	_ =	swait.ge [sflag:s12], $0x80  }
0x28: {  	[sflag:s12] =	ssyncset.done $0x0  }
0x29: {  	s20 =	sadd.s32 s19, s10;
	s19 =	smov.u32 s22;
	[sflag:s12] =	ssyncadd.s32 $0xFFFFFF80  }
0x2a: {  	[tilespmem:s14], [sflag:$0x2] =	stream.linear.gather [hbm4b:s20+s3], $0x80, $0x38;
	[tilespmem:$0x18100] =	vst v63  }
0x2b: {  	_ =	swait.ge [sflag:s12], $0x80  }
0x2c: {  	[sflag:s12] =	ssyncset.done $0x0  }
0x2d: {  	[sflag:s12] =	ssyncadd.s32 $0xFFFFFF80  }
0x2e: {  	[tilespmem:s16], [sflag:$0x1] =	stream.indirect.gather [hbm4b:s4+s15], $0x80, s13, s15, $0xb8;
	[tilespmem:$0x18100] =	vst v63  }
0x2f: {  	_ =	swait.ge [sflag:s17], $0x4000  }
.Ltmp0:
0x30: {  	[sflag:s17] =	ssyncset.done $0x0;
	(pc) =	sbr.rel @p0 .LBB2_2-.Ltmp0, $4  }
0x31: {  	[sflag:s17] =	ssyncadd.s32 $0xFFFFC000  }
0x32: {  	[spmem:s2] =	stream.indirect.scatter.add.f32 [tilespmem:s16], [sflag:$0x2], $0x80, s14, s15, $0xb8;
	[tilespmem:$0x18100] =	vst v63  }
0x33: {  	_ =	swait.ge [sflag:s12], $0x4000  }
0x34: {  	s20 =	smov.u32 s23;
	[sflag:s12] =	ssyncset.done $0x0  }
0x35: {  	s20 =	sadd.s32 s19, s9;
	[sflag:s12] =	ssyncadd.s32 $0xFFFFC000  }
0x36: {  	[tilespmem:s13], [sflag:$0x2] =	stream.linear.gather [hbm4b:s20+s3], $0x80, $0x38;
	[tilespmem:$0x18100] =	vst v63  }
0x37: {  	_ =	swait.ge [sflag:s12], $0x80  }
0x38: {  	[sflag:s12] =	ssyncset.done $0x0  }
0x39: {  	s31 =	sadd.s32 s19, s10;
	[sflag:s12] =	ssyncadd.s32 $0xFFFFFF80  }
0x3a: {  	[tilespmem:s14], [sflag:$0x2] =	stream.linear.gather [hbm4b:s31+s3], $0x80, $0x38;
	[tilespmem:$0x18100] =	vst v63  }
0x3b: {  	_ =	swait.ge [sflag:s12], $0x80  }
0x3c: {  	[sflag:s12] =	ssyncset.done $0x0  }
0x3d: {  	[sflag:s12] =	ssyncadd.s32 $0xFFFFFF80  }
0x3e: {  	[tilespmem:s16], [sflag:$0x1] =	stream.indirect.gather [hbm4b:s4+s15], $0x80, s13, s15, $0xb8;
	[tilespmem:$0x18100] =	vst v63  }
0x3f: {  	_ =	swait.ge [sflag:s17], $0x4000  }
0x40: {  	[sflag:s17] =	ssyncset.done $0x0  }
0x41: {  	[sflag:s17] =	ssyncadd.s32 $0xFFFFC000  }
0x42: {  	[spmem:s2] =	stream.indirect.scatter.add.f32 [tilespmem:s16], [sflag:$0x2], $0x80, s14, s15, $0xb8;
	[tilespmem:$0x18100] =	vst v63  }
0x43: {  	_ =	swait.ge [sflag:s12], $0x4000  }
0x44: {  	s18 =	sadd.s32 $0x1, s18;
	[sflag:s12] =	ssyncset.done $0x0  }
0x45: {  	p0 =	sne.s32 s18, s8;
	[sflag:s12] =	ssyncadd.s32 $0xFFFFC000  }
.Ltmp1:
0x46: {  	[bflag:$0x0] =	sbarrier.arrive $0xFFFF;
	(pc) =	sbr.rel @p0 .LBB2_1-.Ltmp1, $4  }
0x47: {  	[hbm:s7], [sflag:s6] =	dma.local [spmem:s11], $0x2800  }
0x48: {  	_ =	swait.ge [sflag:s12], $0x2800  }
0x49: {  	[sflag:s12] =	ssyncset.done $0x0  }
0x4a: {  	[sflag:s12] =	ssyncadd.s32 $0xFFFFD800  }
0x4b: {  	_ =	sfence.sel $0x180000  }
0x4c: {  	[bflag:$0x0] =	sbarrier.arrive $0xFFFF  }
0x4d: {  	p0 =	sne.s32 s0, $0x0;
	_ =	strace $0x9000004D  }
0x4e: {  	s0 =	sadd.s32 @!p0 $0x100000, s1;
	[bflag:$0x2] =	sbarrier.arrive $0xFFFF  }
0x4f: {  	[sflag:s0] =	ssyncadd.tile.s32 @!p0 $0x1;
	_ =	shalt  }
.Lfunc_end2:
_tile_overlayer_lowered:
.L_overlay_start_2:
0x50: {  	(tag) =	ssettag $0x2  }
0x51: {  	s0 =	rddreg [dreg:$0x0];
	s2 =	stileid.u32  }
0x52: {  	s1 =	rddreg [dreg:$0x1];
	p0 =	sne.s32 s2, $0x0  }
0x53: {  	s3 =	rddreg [dreg:$0x2];
	[bflag:$0x3] =	sbarrier.arrive $0xFFFF;
	s2 =	simm.s32 @!p0 $0x1C02  }
0x54: {  	[timem:s3], [sflag:s2] =	dma.local @!p0 [hbm:s0], s1  }
0x55: {  	s0 =	simm.s32 @!p0 $0x2  }
0x56: {  	_ =	swait.ge @!p0 [sflag:s0], s1  }
0x57: {  	s1 =	ssub.s32 @!p0 $0x0, s1;
	[sflag:s0] =	ssyncset.done @!p0 $0x0  }
0x58: {  	[sflag:s0] =	ssyncadd.s32 @!p0 s1  }
0x59: {  	[bflag:$0x3] =	sbarrier.arrive $0xFFFF  }
0x5a: {  	_ =	shalt  }

// kernel: kernel.23.cloned.1.call-start
scs
__scs_entry_jumppad:
0x0: {  	(pc) =	sbr.rel $0x88, $3  }
0x1: {  	(tag) =	ssettag $0x0;
	lr =	simm.s32 $0x1  }
0x2: {  	[smem:$0x3F88] =	sst lr;
	_ =	strace $0xD0000000  }
0x3: {  	_ = 	snop  }
0x4: {  	_ = 	snop  }
0x5: {  	_ = 	snop  }
0x6: {  	_ = 	snop  }
0x7: {  	_ = 	snop  }
__scs_overlays_trampoline_lowered:
0x8: {  	[smem:$0x3F97] =	sst s0  }
0x9: {  	[smem:$0x3F98] =	sst s1  }
0xa: {  	[smem:$0x3F99] =	sst s2  }
0xb: {  	[smem:$0x3F9A] =	sst s3  }
0xc: {  	[smem:$0x3F9B] =	sst s4  }
0xd: {  	[smem:$0x3F9C] =	sst s5  }
0xe: {  	[smem:$0x3F9D] =	sst s6  }
0xf: {  	[smem:$0x3F9E] =	sst s7  }
0x10: {  	[smem:$0x3F9F] =	sst s8  }
0x11: {  	[smem:$0x3FA0] =	sst s9;
	s0 =	simm.s32 @!p0 $0x0  }
0x12: {  	s1 =	sld [smem:$0x3F86];
	s0 =	simm.s32 @p0 $0x1  }
0x13: {  	[smem:$0x3FA1] =	sst s0;
	s0 =	simm.s32 @!p1 $0x0  }
0x14: {  	s2 =	sld [smem:$0x3F85];
	s0 =	simm.s32 @p1 $0x1  }
0x15: {  	[smem:$0x3FA2] =	sst s0;
	s0 =	simm.s32 @!p2 $0x0  }
0x16: {  	s3 =	sld [smem:$0x3FDB];
	s0 =	simm.s32 @p2 $0x1  }
0x17: {  	s4 =	simm.s32 $0x1BF5;
	[smem:$0x3FA4] =	sst s0  }
0x18: {  	s0 =	sld [smem:$0x3F87];
	_ =	swait.ge [sflag:s4], $0x0  }
0x19: {  	s7 =	sld [smem:$0x3F88]  }
0x1a: {  	s8 =	sadd.s32 $0xFFFFE003, lr  }
0x1b: {  	s9 =	sadd.s32 $0xFFFFFEF7, lr;
	s5 =	simm.s32 $0xFFFFFFFF;
	p2 =	slt.u32 s8, $0xFFFFF086  }
0x1c: {  	p1 =	slt.u32 s9, $0xF7A;
	s5 =	simm.s32 @!p2 $0x0  }
0x1d: {  	s5 =	simm.s32 @p1 $0x1;
	p0 =	seq.s32 s7, s2  }
0x1e: {  	s7 =	smul.u32 @!p0 $0xF7A, s2;
	p2 =	seq.s32 @!p0 s5, $0x0  }
0x1f: {  	s9 =	smul.u32 $0xF7A, s1;
	s8 =	simm.s32 @!p0 $0x1BF5;
	p2 =	por !p2, p0  }
0x20: {  	[sflag:s8] =	ssyncset.s32 @!p0 $0xFFFFF086;
	s6 =	sadd.s32 @!p0 s3, s7;
	s7 =	simm.s32 @!p0 $0x108  }
0x21: {  	s3 =	sadd.s32 s3, s9;
	s6 =	sadd.s32 @!p0 $0x88, s6;
	s7 =	simm.s32 @p2 $0x1082  }
0x22: {  	[simem:s7], [sflag:s8] =	dma.local @!p0 [hbm:s6], $0xF7A  }
0x23: {  	s9 =	sor.u32 $0xD0000000, s2;
	s6 =	simm.s32 $0x108;
	_ =	swait.ge @!p0 [sflag:s8], $0x0  }
0x24: {  	s3 =	sadd.s32 $0x88, s3;
	s6 =	simm.s32 @!p1 $0x1082;
	[sflag:s4] =	ssyncset.s32 $0xFFFFF086  }
0x25: {  	[simem:s6], [sflag:s4] =	dma.local [hbm:s3], $0xF7A  }
0x26: {  	[smem:$0x3F88] =	sst s1;
	(tag) =	ssettag s2;
	_ =	strace s9  }
0x27: {  	s1 =	sld [smem:$0x3F98]  }
0x28: {  	s2 =	sld [smem:$0x3F99]  }
0x29: {  	s4 =	sld [smem:$0x3F9B]  }
0x2a: {  	p0 =	seq.s32 s5, $0x0;
	s5 =	sld [smem:$0x3F9C]  }
0x2b: {  	s6 =	sld [smem:$0x3F9D]  }
0x2c: {  	s7 =	sld [smem:$0x3F9E]  }
0x2d: {  	s3 =	simm.s32 $0x108;
	s8 =	sld [smem:$0x3F9F]  }
0x2e: {  	s3 =	simm.s32 @!p0 $0x1082;
	s9 =	sld [smem:$0x3FA0]  }
0x2f: {  	lr =	sadd.s32 s0, s3;
	s0 =	sld [smem:$0x3F97]  }
0x30: {  	s3 =	sld [smem:$0x3F9A]  }
0x31: {  	[smem:$0x3FA3] =	sst s10  }
0x32: {  	s10 =	sld [smem:$0x3FA1];
	_ =	sdelay $0x3  }
0x33: {  	p0 =	seq.s32 s10, $0x1;
	s10 =	sld [smem:$0x3FA3];
	_ =	sdelay $0x3  }
0x34: {  	[smem:$0x3FA3] =	sst s10  }
0x35: {  	s10 =	sld [smem:$0x3FA2];
	_ =	sdelay $0x3  }
0x36: {  	p1 =	seq.s32 s10, $0x1;
	s10 =	sld [smem:$0x3FA3];
	_ =	sdelay $0x3  }
0x37: {  	[smem:$0x3FA3] =	sst s10  }
0x38: {  	s10 =	sld [smem:$0x3FA4]  }
0x39: {  	_ = 	snop;
	(pc) =	sbr.ind lr, $3  }
0x3a: {  	_ = 	snop  }
0x3b: {  	_ = 	snop  }
0x3c: {  	p2 =	seq.s32 s10, $0x1;
	s10 =	sld [smem:$0x3FA3]  }
0x3d: {  	_ =	shalt  }
0x3e: {  	_ =	shalt  }
0x3f: {  	_ =	shalt  }
0x40: {  	_ =	shalt  }
0x41: {  	_ =	shalt  }
0x42: {  	_ =	shalt  }
0x43: {  	_ =	shalt  }
0x44: {  	_ =	shalt  }
0x45: {  	_ =	shalt  }
0x46: {  	_ =	shalt  }
0x47: {  	_ =	shalt  }
0x48: {  	_ =	shalt  }
0x49: {  	_ =	shalt  }
0x4a: {  	_ =	shalt  }
0x4b: {  	_ =	shalt  }
0x4c: {  	_ =	shalt  }
0x4d: {  	_ =	shalt  }
0x4e: {  	_ =	shalt  }
0x4f: {  	_ =	shalt  }
0x50: {  	_ =	shalt  }
0x51: {  	_ =	shalt  }
0x52: {  	_ =	shalt  }
0x53: {  	_ =	shalt  }
0x54: {  	_ =	shalt  }
0x55: {  	_ =	shalt  }
0x56: {  	_ =	shalt  }
0x57: {  	_ =	shalt  }
0x58: {  	_ =	shalt  }
0x59: {  	_ =	shalt  }
0x5a: {  	_ =	shalt  }
0x5b: {  	_ =	shalt  }
0x5c: {  	_ =	shalt  }
0x5d: {  	_ =	shalt  }
0x5e: {  	_ =	shalt  }
0x5f: {  	_ =	shalt  }
0x60: {  	_ =	shalt  }
0x61: {  	_ =	shalt  }
0x62: {  	_ =	shalt  }
0x63: {  	_ =	shalt  }
0x64: {  	_ =	shalt  }
0x65: {  	_ =	shalt  }
0x66: {  	_ =	shalt  }
0x67: {  	_ =	shalt  }
0x68: {  	_ =	shalt  }
0x69: {  	_ =	shalt  }
0x6a: {  	_ =	shalt  }
0x6b: {  	_ =	shalt  }
0x6c: {  	_ =	shalt  }
0x6d: {  	_ =	shalt  }
0x6e: {  	_ =	shalt  }
0x6f: {  	_ =	shalt  }
0x70: {  	_ =	shalt  }
0x71: {  	_ =	shalt  }
0x72: {  	_ =	shalt  }
0x73: {  	_ =	shalt  }
0x74: {  	_ =	shalt  }
0x75: {  	_ =	shalt  }
0x76: {  	_ =	shalt  }
0x77: {  	_ =	shalt  }
0x78: {  	_ =	shalt  }
0x79: {  	_ =	shalt  }
0x7a: {  	_ =	shalt  }
0x7b: {  	_ =	shalt  }
0x7c: {  	_ =	shalt  }
0x7d: {  	_ =	shalt  }
0x7e: {  	_ =	shalt  }
0x7f: {  	_ =	shalt  }
0x80: {  	_ =	shalt  }
0x81: {  	_ =	shalt  }
0x82: {  	_ =	shalt  }
0x83: {  	_ =	shalt  }
0x84: {  	_ =	shalt  }
0x85: {  	_ =	shalt  }
0x86: {  	_ =	shalt  }
0x87: {  	_ =	shalt  }
.Lfunc_end0:
.L_simem_size_0:
called_computation.3_lowered:
.L_overlay_start_0:
0x88: {  	s2 =	sld [smem:$0x3FD9]  }
0x89: {  	s3 =	sld [smem:$0x3FFE];
	_ =	sdelay $0x1  }
0x8a: {  	s1 =	srdreg.scid  }
0x8b: {  	s0 =	sand.u32 $0x1, s1  }
0x8c: {  	s16 =	sshll.u32 s0, $0xA;
	s2 =	sadd.s32 s3, s2  }
0x8d: {  	s2 =	sadd.s32 s2, s16  }
0x8e: {  	[smem:$0x3FAF] =	sst s2  }
0x8f: {  	_ = 	snop  }
0x90: {  	(tm) =	ssettm $0x1  }
0x91: {  	s17 =	sld [smem:$0x3FFB];
	_ =	sdelay $0x3  }
0x92: {  	_ =	strace s17  }
0x93: {  	s2 =	sld [smem:$0x3FFC];
	_ =	sdelay $0x3  }
0x94: {  	_ =	strace s2  }
0x95: {  	s2 =	sld [smem:$0x3FFD];
	_ =	sdelay $0x3  }
0x96: {  	_ =	strace s2  }
0x97: {  	_ =	strace $0x8FFFFFFF  }
0x98: {  	s18 =	sld [smem:$0x3FDB];
	_ =	sdelay $0x1  }
0x99: {  	s19 =	simm.s32 $_scs_section_size  }
0x9a: {  	s4 =	simm.s32 $_size__tile_overlayer_lowered;
	s5 =	simm.s32 $_tile_overlayer_lowered  }
0x9b: {  	s22 =	simm.s32 $0x1BFF;
	s21 =	sshll.u32 s5, $0x1;
	s2 =	sadd.s32 s19, s18  }
0x9c: {  	s6 =	simm.s32 $0x0;
	s20 =	sshll.u32 s4, $0x1;
	s4 =	sadd.s32 s21, s2  }
0x9d: {  	[timem:s6], [sflag:s22] =	dma.local [hbm:s4], s20  }
0x9e: {  	_ =	swait.ge [sflag:s22], s20  }
0x9f: {  	s3 =	ssub.s32 $0x0, s20;
	[sflag:s22] =	ssyncset.done $0x0  }
0xa0: {  	[sflag:s22] =	ssyncadd.s32 s3;
	_ =	sdelay $0x1  }
0xa1: {  	s23 =	simm.s32 $0x1B8B  }
0xa2: {  	_ =	swait.ge [sflag:s23], $0x1  }
0xa3: {  	[sflag:s23] =	ssyncset.done $0x0  }
0xa4: {  	s25 =	simm.s32 $0x1B8E;
	s24 =	sld [smem:$0x3FFE];
	[sflag:s23] =	ssyncadd.s32 $0xFFFFFFFF  }
0xa5: {  	s26 =	simm.s32 $execute0_lowered;
	[smem:$0x3FD2] =	sst s25  }
0xa6: {  	s4 =	sshll.u32 s26, $0x1;
	_ =	strace $0x8000004F;
	[dreg:$0x1] =	wrdreg $0xFFFFFFFF  }
0xa7: {  	s28 =	simm.s32 $_size_execute0_lowered;
	s2 =	sadd.s32 s2, s4;
	[dreg:$0x0] =	wrdreg $0x0  }
0xa8: {  	s4 =	sshll.u32 s28, $0x1;
	[dreg:$0x2] =	wrdreg s2  }
0xa9: {  	[dreg:$0x3] =	wrdreg s4  }
0xaa: {  	[dreg:$0x4] =	wrdreg $0xC0  }
0xab: {  	_ =	task [dreg:s6], $0x5FFFF  }
0xac: {  	[dreg:$0x1] =	wrdreg $0xFFFFFFFF  }
0xad: {  	[dreg:$0x0] =	wrdreg $0x60  }
0xae: {  	[dreg:$0x2] =	wrdreg s24  }
0xaf: {  	[dreg:$0x3] =	wrdreg $0x0  }
0xb0: {  	[dreg:$0x4] =	wrdreg $0x9  }
0xb1: {  	_ =	task.clear_ibuf [dreg:s6], $0x5FFFF;
	_ =	strace $0x9000004F  }
0xb2: {  	s29 =	simm.s32 $0x9;
	_ =	strace $0x80000051  }
0xb3: {  	_ =	swait.ge [sflag:s29], $0x1  }
0xb4: {  	[sflag:s29] =	ssyncadd.s32 $0xFFFFFFFF  }
0xb5: {  	_ =	strace $0x90000051  }
0xb6: {  	_ =	sfence  }
0xb7: {  	s30 =	sld [smem:$0x0];
	_ =	sdelay $0x2  }
0xb8: {  	s31 =	sshll.u32 s1, $0xD;
	s1 =	sshrl.u32 s1, $0x2  }
0xb9: {  	s3 =	sand.u32 $0x4000, s31;
	s1 =	sadd.s32 s1, s30  }
0xba: {  	s0 =	sor.u32 s3, s0;
	s1 =	sshll.u32 s1, $0x11  }
0xbb: {  	s0 =	sor.u32 s1, s0  }
0xbc: {  	s0 =	sadd.s32 $0x8F2B, s0  }
0xbd: {  	[sflag:s0] =	ssyncadd.remote.s32 $0x1  }
0xbe: {  	_ =	sfence.sel $0xFFFF  }
0xbf: {  	[dreg:$0x0] =	wrdreg $0xFFFFFFFF;
	(pc) =	sbr.abs _section_cstart, $3  }
0xc0: {  	[dreg:$0x1] =	wrdreg $0xFFFFFFFF  }
0xc1: {  	_ =	task.clear_ibuf [dreg:s6], $0x2FFFF;
	_ =	strace $0x9FFFFFFF  }
0xc2: {  	(tm) =	ssettm $0x7FFFFFFF  }
0xc3: {  	_ =	shalt  }
tec
execute0_lowered:
.L_overlay_start_1:
0x0: {  	(tag) =	ssettag $0x1  }
0x1: {  	s0 =	srdreg.scid;
	s6 =	rddreg [dreg:$0x0]  }
0x2: {  	s2 =	rddreg [dreg:$0x1];
	s7 =	sand.u32 $0x1, s0  }
0x3: {  	s0 =	stileid.u32;
	s4 =	smul.u32 $0x4E800, s7  }
0x4: {  	s1 =	rddreg [dreg:$0x2];
	s3 =	simm.s32 $0x0;
	s5 =	smul.u32 $0x4E80, s0  }
0x5: {  	s15 =	simm.s32 $0x80;
	s16 =	simm.s32 $0x14100;
	s8 =	smul.u32 $0x9D0, s0  }
0x6: {  	s17 =	simm.s32 $0x1;
	[smem:$0x7FF] =	sst s3;
	s28 =	smul.u32 $0x2800, s0  }
0x7: {  	s18 =	simm.s32 $0x0;
	s10 =	smul.u32 $0x28000, s7;
	_ =	strace $0x80000050  }
0x8: {  	s30 =	smul.u32 $0x50000, s0;
	s31 =	ssub.s32 $0x2, s7;
	s12 =	sshll.u32 s0, $0x6  }
0x9: {  	s7 =	sshrl.u32 s31, $0x1;
	s4 =	sadd.s32 s5, s4;
	s11 =	sadd.s32 s8, s6  }
0xa: {  	s29 =	sadd.s32 s28, s10;
	s5 =	sadd.s32 $0x73400, s6;
	s10 =	sshrl.u32 s30, $0x2  }
0xb: {  	s13 =	ssub.s32 s31, s7;
	s9 =	sshrl.u32 s4, $0x3;
	s4 =	sadd.s32 $0x23400, s6  }
0xc: {  	s8 =	sadd.s32 s29, s6;
	s14 =	sadd.s32 s10, s2;
	s10 =	sadd.s32 $0x5A00, s11  }
0xd: {  	s9 =	sadd.s32 s9, s6;
	s6 =	sor.u32 $0x1C02, s12;
	s7 =	sadd.s32 $0x75C00, s8  }
0xe: {  	s8 =	smax.u32 s13, $0x1;
	s11 =	sshrl.u32 s14, $0x3;
	s12 =	simm.s32 $0x2  }
0xf: {  	s13 =	simm.s32 $0x14000;
	s14 =	simm.s32 $0x14080;
	s9 =	sadd.s32 $0xF800, s9  }
.LBB2_1:
0x10: {  	[spmem:s11], [sflag:s6] =	dma.local [hbm:s5], $0x2800  }
0x11: {  	_ =	swait.ge [sflag:s12], $0x2800  }
0x12: {  	[sflag:s12] =	ssyncset.done $0x0  }
0x13: {  	[sflag:s12] =	ssyncadd.s32 $0xFFFFD800  }
0x14: {  	s19 =	sadd.s32 $0x0, s9;
	[bflag:$0x0] =	sbarrier.arrive $0xFFFF  }
0x15: {  	[tilespmem:s13], [sflag:$0x2] =	stream.linear.gather [hbm4b:s19+s3], $0x80, $0x38;
	[tilespmem:$0x18100] =	vst v63  }
0x16: {  	_ =	swait.ge [sflag:s12], $0x80  }
0x17: {  	[sflag:s12] =	ssyncset.done $0x0  }
0x18: {  	s31 =	sadd.s32 $0x0, s10;
	[sflag:s12] =	ssyncadd.s32 $0xFFFFFF80  }
0x19: {  	[tilespmem:s14], [sflag:$0x2] =	stream.linear.gather [hbm4b:s31+s3], $0x80, $0x38;
	[tilespmem:$0x18100] =	vst v63  }
0x1a: {  	_ =	swait.ge [sflag:s12], $0x80  }
0x1b: {  	[sflag:s12] =	ssyncset.done $0x0  }
0x1c: {  	[sflag:s12] =	ssyncadd.s32 $0xFFFFFF80  }
0x1d: {  	[tilespmem:s16], [sflag:$0x1] =	stream.indirect.gather [hbm4b:s4+s15], $0x80, s13, s15, $0xb8;
	[tilespmem:$0x18100] =	vst v63  }
0x1e: {  	_ =	swait.ge [sflag:s17], $0x4000  }
0x1f: {  	[sflag:s17] =	ssyncset.done $0x0  }
0x20: {  	[sflag:s17] =	ssyncadd.s32 $0xFFFFC000  }
0x21: {  	[spmem:s2] =	stream.indirect.scatter.add.f32 [tilespmem:s16], [sflag:$0x2], $0x80, s14, s15, $0xb8;
	[tilespmem:$0x18100] =	vst v63  }
0x22: {  	_ =	swait.ge [sflag:s12], $0x4000  }
0x23: {  	s20 =	simm.s32 $0x20;
	s19 =	simm.s32 $0x10;
	[sflag:s12] =	ssyncset.done $0x0  }
.LBB2_2:
0x24: {  	s21 =	sadd.s32 s19, s9  }
0x25: {  	[sflag:s12] =	ssyncadd.s32 $0xFFFFC000;
	s22 =	smov.u32 s20;
	s23 =	sadd.s32 $0x10, s20  }
0x26: {  	[tilespmem:s13], [sflag:$0x2] =	stream.linear.gather [hbm4b:s21+s3], $0x80, $0x38;
	[tilespmem:$0x18100] =	vst v63  }
0x27: {  	p0 =	sne.s32 s20, $0x9C0;
	_ =	swait.ge [sflag:s12], $0x80  }
0x28: {  	[sflag:s12] =	ssyncset.done $0x0  }
0x29: {  	s20 =	sadd.s32 s19, s10;
	s19 =	smov.u32 s22;
	[sflag:s12] =	ssyncadd.s32 $0xFFFFFF80  }
0x2a: {  	[tilespmem:s14], [sflag:$0x2] =	stream.linear.gather [hbm4b:s20+s3], $0x80, $0x38;
	[tilespmem:$0x18100] =	vst v63  }
0x2b: {  	_ =	swait.ge [sflag:s12], $0x80  }
0x2c: {  	[sflag:s12] =	ssyncset.done $0x0  }
0x2d: {  	[sflag:s12] =	ssyncadd.s32 $0xFFFFFF80  }
0x2e: {  	[tilespmem:s16], [sflag:$0x1] =	stream.indirect.gather [hbm4b:s4+s15], $0x80, s13, s15, $0xb8;
	[tilespmem:$0x18100] =	vst v63  }
0x2f: {  	_ =	swait.ge [sflag:s17], $0x4000  }
.Ltmp0:
0x30: {  	[sflag:s17] =	ssyncset.done $0x0;
	(pc) =	sbr.rel @p0 .LBB2_2-.Ltmp0, $4  }
0x31: {  	[sflag:s17] =	ssyncadd.s32 $0xFFFFC000  }
0x32: {  	[spmem:s2] =	stream.indirect.scatter.add.f32 [tilespmem:s16], [sflag:$0x2], $0x80, s14, s15, $0xb8;
	[tilespmem:$0x18100] =	vst v63  }
0x33: {  	_ =	swait.ge [sflag:s12], $0x4000  }
0x34: {  	s20 =	smov.u32 s23;
	[sflag:s12] =	ssyncset.done $0x0  }
0x35: {  	s20 =	sadd.s32 s19, s9;
	[sflag:s12] =	ssyncadd.s32 $0xFFFFC000  }
0x36: {  	[tilespmem:s13], [sflag:$0x2] =	stream.linear.gather [hbm4b:s20+s3], $0x80, $0x38;
	[tilespmem:$0x18100] =	vst v63  }
0x37: {  	_ =	swait.ge [sflag:s12], $0x80  }
0x38: {  	[sflag:s12] =	ssyncset.done $0x0  }
0x39: {  	s31 =	sadd.s32 s19, s10;
	[sflag:s12] =	ssyncadd.s32 $0xFFFFFF80  }
0x3a: {  	[tilespmem:s14], [sflag:$0x2] =	stream.linear.gather [hbm4b:s31+s3], $0x80, $0x38;
	[tilespmem:$0x18100] =	vst v63  }
0x3b: {  	_ =	swait.ge [sflag:s12], $0x80  }
0x3c: {  	[sflag:s12] =	ssyncset.done $0x0  }
0x3d: {  	[sflag:s12] =	ssyncadd.s32 $0xFFFFFF80  }
0x3e: {  	[tilespmem:s16], [sflag:$0x1] =	stream.indirect.gather [hbm4b:s4+s15], $0x80, s13, s15, $0xb8;
	[tilespmem:$0x18100] =	vst v63  }
0x3f: {  	_ =	swait.ge [sflag:s17], $0x4000  }
0x40: {  	[sflag:s17] =	ssyncset.done $0x0  }
0x41: {  	[sflag:s17] =	ssyncadd.s32 $0xFFFFC000  }
0x42: {  	[spmem:s2] =	stream.indirect.scatter.add.f32 [tilespmem:s16], [sflag:$0x2], $0x80, s14, s15, $0xb8;
	[tilespmem:$0x18100] =	vst v63  }
0x43: {  	_ =	swait.ge [sflag:s12], $0x4000  }
0x44: {  	s18 =	sadd.s32 $0x1, s18;
	[sflag:s12] =	ssyncset.done $0x0  }
0x45: {  	p0 =	sne.s32 s18, s8;
	[sflag:s12] =	ssyncadd.s32 $0xFFFFC000  }
.Ltmp1:
0x46: {  	[bflag:$0x0] =	sbarrier.arrive $0xFFFF;
	(pc) =	sbr.rel @p0 .LBB2_1-.Ltmp1, $4  }
0x47: {  	[hbm:s7], [sflag:s6] =	dma.local [spmem:s11], $0x2800  }
0x48: {  	_ =	swait.ge [sflag:s12], $0x2800  }
0x49: {  	[sflag:s12] =	ssyncset.done $0x0  }
0x4a: {  	[sflag:s12] =	ssyncadd.s32 $0xFFFFD800  }
0x4b: {  	_ =	sfence.sel $0x180000  }
0x4c: {  	[bflag:$0x0] =	sbarrier.arrive $0xFFFF  }
0x4d: {  	p0 =	sne.s32 s0, $0x0;
	_ =	strace $0x90000050  }
0x4e: {  	s0 =	sadd.s32 @!p0 $0x100000, s1;
	[bflag:$0x2] =	sbarrier.arrive $0xFFFF  }
0x4f: {  	[sflag:s0] =	ssyncadd.tile.s32 @!p0 $0x1;
	_ =	shalt  }
.Lfunc_end2:
_tile_overlayer_lowered:
.L_overlay_start_2:
0x50: {  	(tag) =	ssettag $0x2  }
0x51: {  	s0 =	rddreg [dreg:$0x0];
	s2 =	stileid.u32  }
0x52: {  	s1 =	rddreg [dreg:$0x1];
	p0 =	sne.s32 s2, $0x0  }
0x53: {  	s3 =	rddreg [dreg:$0x2];
	[bflag:$0x3] =	sbarrier.arrive $0xFFFF;
	s2 =	simm.s32 @!p0 $0x1C02  }
0x54: {  	[timem:s3], [sflag:s2] =	dma.local @!p0 [hbm:s0], s1  }
0x55: {  	s0 =	simm.s32 @!p0 $0x2  }
0x56: {  	_ =	swait.ge @!p0 [sflag:s0], s1  }
0x57: {  	s1 =	ssub.s32 @!p0 $0x0, s1;
	[sflag:s0] =	ssyncset.done @!p0 $0x0  }
0x58: {  	[sflag:s0] =	ssyncadd.s32 @!p0 s1  }
0x59: {  	[bflag:$0x3] =	sbarrier.arrive $0xFFFF  }
0x5a: {  	_ =	shalt  }

// kernel: kernel.26.cloned.1.call-start
scs
__scs_entry_jumppad:
0x0: {  	(pc) =	sbr.rel $0x88, $3  }
0x1: {  	(tag) =	ssettag $0x0;
	lr =	simm.s32 $0x1  }
0x2: {  	[smem:$0x3F88] =	sst lr;
	_ =	strace $0xD0000000  }
0x3: {  	_ = 	snop  }
0x4: {  	_ = 	snop  }
0x5: {  	_ = 	snop  }
0x6: {  	_ = 	snop  }
0x7: {  	_ = 	snop  }
__scs_overlays_trampoline_lowered:
0x8: {  	[smem:$0x3F97] =	sst s0  }
0x9: {  	[smem:$0x3F98] =	sst s1  }
0xa: {  	[smem:$0x3F99] =	sst s2  }
0xb: {  	[smem:$0x3F9A] =	sst s3  }
0xc: {  	[smem:$0x3F9B] =	sst s4  }
0xd: {  	[smem:$0x3F9C] =	sst s5  }
0xe: {  	[smem:$0x3F9D] =	sst s6  }
0xf: {  	[smem:$0x3F9E] =	sst s7  }
0x10: {  	[smem:$0x3F9F] =	sst s8  }
0x11: {  	[smem:$0x3FA0] =	sst s9;
	s0 =	simm.s32 @!p0 $0x0  }
0x12: {  	s1 =	sld [smem:$0x3F86];
	s0 =	simm.s32 @p0 $0x1  }
0x13: {  	[smem:$0x3FA1] =	sst s0;
	s0 =	simm.s32 @!p1 $0x0  }
0x14: {  	s2 =	sld [smem:$0x3F85];
	s0 =	simm.s32 @p1 $0x1  }
0x15: {  	[smem:$0x3FA2] =	sst s0;
	s0 =	simm.s32 @!p2 $0x0  }
0x16: {  	s3 =	sld [smem:$0x3FDB];
	s0 =	simm.s32 @p2 $0x1  }
0x17: {  	s4 =	simm.s32 $0x1BF5;
	[smem:$0x3FA4] =	sst s0  }
0x18: {  	s0 =	sld [smem:$0x3F87];
	_ =	swait.ge [sflag:s4], $0x0  }
0x19: {  	s7 =	sld [smem:$0x3F88]  }
0x1a: {  	s8 =	sadd.s32 $0xFFFFE003, lr  }
0x1b: {  	s9 =	sadd.s32 $0xFFFFFEF7, lr;
	s5 =	simm.s32 $0xFFFFFFFF;
	p2 =	slt.u32 s8, $0xFFFFF086  }
0x1c: {  	p1 =	slt.u32 s9, $0xF7A;
	s5 =	simm.s32 @!p2 $0x0  }
0x1d: {  	s5 =	simm.s32 @p1 $0x1;
	p0 =	seq.s32 s7, s2  }
0x1e: {  	s7 =	smul.u32 @!p0 $0xF7A, s2;
	p2 =	seq.s32 @!p0 s5, $0x0  }
0x1f: {  	s9 =	smul.u32 $0xF7A, s1;
	s8 =	simm.s32 @!p0 $0x1BF5;
	p2 =	por !p2, p0  }
0x20: {  	[sflag:s8] =	ssyncset.s32 @!p0 $0xFFFFF086;
	s6 =	sadd.s32 @!p0 s3, s7;
	s7 =	simm.s32 @!p0 $0x108  }
0x21: {  	s3 =	sadd.s32 s3, s9;
	s6 =	sadd.s32 @!p0 $0x88, s6;
	s7 =	simm.s32 @p2 $0x1082  }
0x22: {  	[simem:s7], [sflag:s8] =	dma.local @!p0 [hbm:s6], $0xF7A  }
0x23: {  	s9 =	sor.u32 $0xD0000000, s2;
	s6 =	simm.s32 $0x108;
	_ =	swait.ge @!p0 [sflag:s8], $0x0  }
0x24: {  	s3 =	sadd.s32 $0x88, s3;
	s6 =	simm.s32 @!p1 $0x1082;
	[sflag:s4] =	ssyncset.s32 $0xFFFFF086  }
0x25: {  	[simem:s6], [sflag:s4] =	dma.local [hbm:s3], $0xF7A  }
0x26: {  	[smem:$0x3F88] =	sst s1;
	(tag) =	ssettag s2;
	_ =	strace s9  }
0x27: {  	s1 =	sld [smem:$0x3F98]  }
0x28: {  	s2 =	sld [smem:$0x3F99]  }
0x29: {  	s4 =	sld [smem:$0x3F9B]  }
0x2a: {  	p0 =	seq.s32 s5, $0x0;
	s5 =	sld [smem:$0x3F9C]  }
0x2b: {  	s6 =	sld [smem:$0x3F9D]  }
0x2c: {  	s7 =	sld [smem:$0x3F9E]  }
0x2d: {  	s3 =	simm.s32 $0x108;
	s8 =	sld [smem:$0x3F9F]  }
0x2e: {  	s3 =	simm.s32 @!p0 $0x1082;
	s9 =	sld [smem:$0x3FA0]  }
0x2f: {  	lr =	sadd.s32 s0, s3;
	s0 =	sld [smem:$0x3F97]  }
0x30: {  	s3 =	sld [smem:$0x3F9A]  }
0x31: {  	[smem:$0x3FA3] =	sst s10  }
0x32: {  	s10 =	sld [smem:$0x3FA1];
	_ =	sdelay $0x3  }
0x33: {  	p0 =	seq.s32 s10, $0x1;
	s10 =	sld [smem:$0x3FA3];
	_ =	sdelay $0x3  }
0x34: {  	[smem:$0x3FA3] =	sst s10  }
0x35: {  	s10 =	sld [smem:$0x3FA2];
	_ =	sdelay $0x3  }
0x36: {  	p1 =	seq.s32 s10, $0x1;
	s10 =	sld [smem:$0x3FA3];
	_ =	sdelay $0x3  }
0x37: {  	[smem:$0x3FA3] =	sst s10  }
0x38: {  	s10 =	sld [smem:$0x3FA4]  }
0x39: {  	_ = 	snop;
	(pc) =	sbr.ind lr, $3  }
0x3a: {  	_ = 	snop  }
0x3b: {  	_ = 	snop  }
0x3c: {  	p2 =	seq.s32 s10, $0x1;
	s10 =	sld [smem:$0x3FA3]  }
0x3d: {  	_ =	shalt  }
0x3e: {  	_ =	shalt  }
0x3f: {  	_ =	shalt  }
0x40: {  	_ =	shalt  }
0x41: {  	_ =	shalt  }
0x42: {  	_ =	shalt  }
0x43: {  	_ =	shalt  }
0x44: {  	_ =	shalt  }
0x45: {  	_ =	shalt  }
0x46: {  	_ =	shalt  }
0x47: {  	_ =	shalt  }
0x48: {  	_ =	shalt  }
0x49: {  	_ =	shalt  }
0x4a: {  	_ =	shalt  }
0x4b: {  	_ =	shalt  }
0x4c: {  	_ =	shalt  }
0x4d: {  	_ =	shalt  }
0x4e: {  	_ =	shalt  }
0x4f: {  	_ =	shalt  }
0x50: {  	_ =	shalt  }
0x51: {  	_ =	shalt  }
0x52: {  	_ =	shalt  }
0x53: {  	_ =	shalt  }
0x54: {  	_ =	shalt  }
0x55: {  	_ =	shalt  }
0x56: {  	_ =	shalt  }
0x57: {  	_ =	shalt  }
0x58: {  	_ =	shalt  }
0x59: {  	_ =	shalt  }
0x5a: {  	_ =	shalt  }
0x5b: {  	_ =	shalt  }
0x5c: {  	_ =	shalt  }
0x5d: {  	_ =	shalt  }
0x5e: {  	_ =	shalt  }
0x5f: {  	_ =	shalt  }
0x60: {  	_ =	shalt  }
0x61: {  	_ =	shalt  }
0x62: {  	_ =	shalt  }
0x63: {  	_ =	shalt  }
0x64: {  	_ =	shalt  }
0x65: {  	_ =	shalt  }
0x66: {  	_ =	shalt  }
0x67: {  	_ =	shalt  }
0x68: {  	_ =	shalt  }
0x69: {  	_ =	shalt  }
0x6a: {  	_ =	shalt  }
0x6b: {  	_ =	shalt  }
0x6c: {  	_ =	shalt  }
0x6d: {  	_ =	shalt  }
0x6e: {  	_ =	shalt  }
0x6f: {  	_ =	shalt  }
0x70: {  	_ =	shalt  }
0x71: {  	_ =	shalt  }
0x72: {  	_ =	shalt  }
0x73: {  	_ =	shalt  }
0x74: {  	_ =	shalt  }
0x75: {  	_ =	shalt  }
0x76: {  	_ =	shalt  }
0x77: {  	_ =	shalt  }
0x78: {  	_ =	shalt  }
0x79: {  	_ =	shalt  }
0x7a: {  	_ =	shalt  }
0x7b: {  	_ =	shalt  }
0x7c: {  	_ =	shalt  }
0x7d: {  	_ =	shalt  }
0x7e: {  	_ =	shalt  }
0x7f: {  	_ =	shalt  }
0x80: {  	_ =	shalt  }
0x81: {  	_ =	shalt  }
0x82: {  	_ =	shalt  }
0x83: {  	_ =	shalt  }
0x84: {  	_ =	shalt  }
0x85: {  	_ =	shalt  }
0x86: {  	_ =	shalt  }
0x87: {  	_ =	shalt  }
.Lfunc_end0:
.L_simem_size_0:
called_computation.4_lowered:
.L_overlay_start_0:
0x88: {  	s2 =	sld [smem:$0x3FD9]  }
0x89: {  	s3 =	sld [smem:$0x3FFE];
	_ =	sdelay $0x1  }
0x8a: {  	s1 =	srdreg.scid  }
0x8b: {  	s0 =	sand.u32 $0x1, s1  }
0x8c: {  	s16 =	sshll.u32 s0, $0xA;
	s2 =	sadd.s32 s3, s2  }
0x8d: {  	s2 =	sadd.s32 s2, s16  }
0x8e: {  	[smem:$0x3FAF] =	sst s2  }
0x8f: {  	_ = 	snop  }
0x90: {  	(tm) =	ssettm $0x1  }
0x91: {  	s17 =	sld [smem:$0x3FFB];
	_ =	sdelay $0x3  }
0x92: {  	_ =	strace s17  }
0x93: {  	s2 =	sld [smem:$0x3FFC];
	_ =	sdelay $0x3  }
0x94: {  	_ =	strace s2  }
0x95: {  	s2 =	sld [smem:$0x3FFD];
	_ =	sdelay $0x3  }
0x96: {  	_ =	strace s2  }
0x97: {  	_ =	strace $0x8FFFFFFF  }
0x98: {  	s18 =	sld [smem:$0x3FDB];
	_ =	sdelay $0x1  }
0x99: {  	s19 =	simm.s32 $_scs_section_size  }
0x9a: {  	s4 =	simm.s32 $_size__tile_overlayer_lowered;
	s5 =	simm.s32 $_tile_overlayer_lowered  }
0x9b: {  	s22 =	simm.s32 $0x1BFF;
	s21 =	sshll.u32 s5, $0x1;
	s2 =	sadd.s32 s19, s18  }
0x9c: {  	s6 =	simm.s32 $0x0;
	s20 =	sshll.u32 s4, $0x1;
	s4 =	sadd.s32 s21, s2  }
0x9d: {  	[timem:s6], [sflag:s22] =	dma.local [hbm:s4], s20  }
0x9e: {  	_ =	swait.ge [sflag:s22], s20  }
0x9f: {  	s3 =	ssub.s32 $0x0, s20;
	[sflag:s22] =	ssyncset.done $0x0  }
0xa0: {  	[sflag:s22] =	ssyncadd.s32 s3;
	_ =	sdelay $0x1  }
0xa1: {  	s23 =	simm.s32 $0x1B8B  }
0xa2: {  	_ =	swait.ge [sflag:s23], $0x1  }
0xa3: {  	[sflag:s23] =	ssyncset.done $0x0  }
0xa4: {  	s25 =	simm.s32 $0x1B8E;
	s24 =	sld [smem:$0x3FFE];
	[sflag:s23] =	ssyncadd.s32 $0xFFFFFFFF  }
0xa5: {  	s26 =	simm.s32 $execute0_lowered;
	[smem:$0x3FD2] =	sst s25  }
0xa6: {  	s4 =	sshll.u32 s26, $0x1;
	_ =	strace $0x80000052;
	[dreg:$0x1] =	wrdreg $0xFFFFFFFF  }
0xa7: {  	s28 =	simm.s32 $_size_execute0_lowered;
	s2 =	sadd.s32 s2, s4;
	[dreg:$0x0] =	wrdreg $0x0  }
0xa8: {  	s4 =	sshll.u32 s28, $0x1;
	[dreg:$0x2] =	wrdreg s2  }
0xa9: {  	[dreg:$0x3] =	wrdreg s4  }
0xaa: {  	[dreg:$0x4] =	wrdreg $0xC0  }
0xab: {  	_ =	task [dreg:s6], $0x5FFFF  }
0xac: {  	[dreg:$0x1] =	wrdreg $0xFFFFFFFF  }
0xad: {  	[dreg:$0x0] =	wrdreg $0x60  }
0xae: {  	[dreg:$0x2] =	wrdreg s24  }
0xaf: {  	[dreg:$0x3] =	wrdreg $0x0  }
0xb0: {  	[dreg:$0x4] =	wrdreg $0x9  }
0xb1: {  	_ =	task.clear_ibuf [dreg:s6], $0x5FFFF;
	_ =	strace $0x90000052  }
0xb2: {  	s29 =	simm.s32 $0x9;
	_ =	strace $0x80000054  }
0xb3: {  	_ =	swait.ge [sflag:s29], $0x1  }
0xb4: {  	[sflag:s29] =	ssyncadd.s32 $0xFFFFFFFF  }
0xb5: {  	_ =	strace $0x90000054  }
0xb6: {  	_ =	sfence  }
0xb7: {  	s30 =	sld [smem:$0x0];
	_ =	sdelay $0x2  }
0xb8: {  	s31 =	sshll.u32 s1, $0xD;
	s1 =	sshrl.u32 s1, $0x2  }
0xb9: {  	s3 =	sand.u32 $0x4000, s31;
	s1 =	sadd.s32 s1, s30  }
0xba: {  	s0 =	sor.u32 s3, s0;
	s1 =	sshll.u32 s1, $0x11  }
0xbb: {  	s0 =	sor.u32 s1, s0  }
0xbc: {  	s0 =	sadd.s32 $0x8F2B, s0  }
0xbd: {  	[sflag:s0] =	ssyncadd.remote.s32 $0x1  }
0xbe: {  	_ =	sfence.sel $0xFFFF  }
0xbf: {  	[dreg:$0x0] =	wrdreg $0xFFFFFFFF;
	(pc) =	sbr.abs _section_cstart, $3  }
0xc0: {  	[dreg:$0x1] =	wrdreg $0xFFFFFFFF  }
0xc1: {  	_ =	task.clear_ibuf [dreg:s6], $0x2FFFF;
	_ =	strace $0x9FFFFFFF  }
0xc2: {  	(tm) =	ssettm $0x7FFFFFFF  }
0xc3: {  	_ =	shalt  }
tec
execute0_lowered:
.L_overlay_start_1:
0x0: {  	(tag) =	ssettag $0x1  }
0x1: {  	s0 =	srdreg.scid;
	s6 =	rddreg [dreg:$0x0]  }
0x2: {  	s2 =	rddreg [dreg:$0x1];
	s7 =	sand.u32 $0x1, s0  }
0x3: {  	s0 =	stileid.u32;
	s4 =	smul.u32 $0x4E800, s7  }
0x4: {  	s1 =	rddreg [dreg:$0x2];
	s3 =	simm.s32 $0x0;
	s5 =	smul.u32 $0x4E80, s0  }
0x5: {  	s15 =	simm.s32 $0x80;
	s16 =	simm.s32 $0x14100;
	s8 =	smul.u32 $0x9D0, s0  }
0x6: {  	s17 =	simm.s32 $0x1;
	[smem:$0x7FF] =	sst s3;
	s28 =	smul.u32 $0x2800, s0  }
0x7: {  	s18 =	simm.s32 $0x0;
	s10 =	smul.u32 $0x28000, s7;
	_ =	strace $0x80000053  }
0x8: {  	s30 =	smul.u32 $0x50000, s0;
	s31 =	ssub.s32 $0x2, s7;
	s12 =	sshll.u32 s0, $0x6  }
0x9: {  	s7 =	sshrl.u32 s31, $0x1;
	s4 =	sadd.s32 s5, s4;
	s11 =	sadd.s32 s8, s6  }
0xa: {  	s29 =	sadd.s32 s28, s10;
	s5 =	sadd.s32 $0x73400, s6;
	s10 =	sshrl.u32 s30, $0x2  }
0xb: {  	s13 =	ssub.s32 s31, s7;
	s9 =	sshrl.u32 s4, $0x3;
	s4 =	sadd.s32 $0x23400, s6  }
0xc: {  	s8 =	sadd.s32 s29, s6;
	s14 =	sadd.s32 s10, s2;
	s10 =	sadd.s32 $0x5A00, s11  }
0xd: {  	s9 =	sadd.s32 s9, s6;
	s6 =	sor.u32 $0x1C02, s12;
	s7 =	sadd.s32 $0x75C00, s8  }
0xe: {  	s8 =	smax.u32 s13, $0x1;
	s11 =	sshrl.u32 s14, $0x3;
	s12 =	simm.s32 $0x2  }
0xf: {  	s13 =	simm.s32 $0x14000;
	s14 =	simm.s32 $0x14080;
	s9 =	sadd.s32 $0xF800, s9  }
.LBB2_1:
0x10: {  	[spmem:s11], [sflag:s6] =	dma.local [hbm:s5], $0x2800  }
0x11: {  	_ =	swait.ge [sflag:s12], $0x2800  }
0x12: {  	[sflag:s12] =	ssyncset.done $0x0  }
0x13: {  	[sflag:s12] =	ssyncadd.s32 $0xFFFFD800  }
0x14: {  	s19 =	sadd.s32 $0x0, s9;
	[bflag:$0x0] =	sbarrier.arrive $0xFFFF  }
0x15: {  	[tilespmem:s13], [sflag:$0x2] =	stream.linear.gather [hbm4b:s19+s3], $0x80, $0x38;
	[tilespmem:$0x18100] =	vst v63  }
0x16: {  	_ =	swait.ge [sflag:s12], $0x80  }
0x17: {  	[sflag:s12] =	ssyncset.done $0x0  }
0x18: {  	s31 =	sadd.s32 $0x0, s10;
	[sflag:s12] =	ssyncadd.s32 $0xFFFFFF80  }
0x19: {  	[tilespmem:s14], [sflag:$0x2] =	stream.linear.gather [hbm4b:s31+s3], $0x80, $0x38;
	[tilespmem:$0x18100] =	vst v63  }
0x1a: {  	_ =	swait.ge [sflag:s12], $0x80  }
0x1b: {  	[sflag:s12] =	ssyncset.done $0x0  }
0x1c: {  	[sflag:s12] =	ssyncadd.s32 $0xFFFFFF80  }
0x1d: {  	[tilespmem:s16], [sflag:$0x1] =	stream.indirect.gather [hbm4b:s4+s15], $0x80, s13, s15, $0xb8;
	[tilespmem:$0x18100] =	vst v63  }
0x1e: {  	_ =	swait.ge [sflag:s17], $0x4000  }
0x1f: {  	[sflag:s17] =	ssyncset.done $0x0  }
0x20: {  	[sflag:s17] =	ssyncadd.s32 $0xFFFFC000  }
0x21: {  	[spmem:s2] =	stream.indirect.scatter.add.f32 [tilespmem:s16], [sflag:$0x2], $0x80, s14, s15, $0xb8;
	[tilespmem:$0x18100] =	vst v63  }
0x22: {  	_ =	swait.ge [sflag:s12], $0x4000  }
0x23: {  	s20 =	simm.s32 $0x20;
	s19 =	simm.s32 $0x10;
	[sflag:s12] =	ssyncset.done $0x0  }
.LBB2_2:
0x24: {  	s21 =	sadd.s32 s19, s9  }
0x25: {  	[sflag:s12] =	ssyncadd.s32 $0xFFFFC000;
	s22 =	smov.u32 s20;
	s23 =	sadd.s32 $0x10, s20  }
0x26: {  	[tilespmem:s13], [sflag:$0x2] =	stream.linear.gather [hbm4b:s21+s3], $0x80, $0x38;
	[tilespmem:$0x18100] =	vst v63  }
0x27: {  	p0 =	sne.s32 s20, $0x9C0;
	_ =	swait.ge [sflag:s12], $0x80  }
0x28: {  	[sflag:s12] =	ssyncset.done $0x0  }
0x29: {  	s20 =	sadd.s32 s19, s10;
	s19 =	smov.u32 s22;
	[sflag:s12] =	ssyncadd.s32 $0xFFFFFF80  }
0x2a: {  	[tilespmem:s14], [sflag:$0x2] =	stream.linear.gather [hbm4b:s20+s3], $0x80, $0x38;
	[tilespmem:$0x18100] =	vst v63  }
0x2b: {  	_ =	swait.ge [sflag:s12], $0x80  }
0x2c: {  	[sflag:s12] =	ssyncset.done $0x0  }
0x2d: {  	[sflag:s12] =	ssyncadd.s32 $0xFFFFFF80  }
0x2e: {  	[tilespmem:s16], [sflag:$0x1] =	stream.indirect.gather [hbm4b:s4+s15], $0x80, s13, s15, $0xb8;
	[tilespmem:$0x18100] =	vst v63  }
0x2f: {  	_ =	swait.ge [sflag:s17], $0x4000  }
.Ltmp0:
0x30: {  	[sflag:s17] =	ssyncset.done $0x0;
	(pc) =	sbr.rel @p0 .LBB2_2-.Ltmp0, $4  }
0x31: {  	[sflag:s17] =	ssyncadd.s32 $0xFFFFC000  }
0x32: {  	[spmem:s2] =	stream.indirect.scatter.add.f32 [tilespmem:s16], [sflag:$0x2], $0x80, s14, s15, $0xb8;
	[tilespmem:$0x18100] =	vst v63  }
0x33: {  	_ =	swait.ge [sflag:s12], $0x4000  }
0x34: {  	s20 =	smov.u32 s23;
	[sflag:s12] =	ssyncset.done $0x0  }
0x35: {  	s20 =	sadd.s32 s19, s9;
	[sflag:s12] =	ssyncadd.s32 $0xFFFFC000  }
0x36: {  	[tilespmem:s13], [sflag:$0x2] =	stream.linear.gather [hbm4b:s20+s3], $0x80, $0x38;
	[tilespmem:$0x18100] =	vst v63  }
0x37: {  	_ =	swait.ge [sflag:s12], $0x80  }
0x38: {  	[sflag:s12] =	ssyncset.done $0x0  }
0x39: {  	s31 =	sadd.s32 s19, s10;
	[sflag:s12] =	ssyncadd.s32 $0xFFFFFF80  }
0x3a: {  	[tilespmem:s14], [sflag:$0x2] =	stream.linear.gather [hbm4b:s31+s3], $0x80, $0x38;
	[tilespmem:$0x18100] =	vst v63  }
0x3b: {  	_ =	swait.ge [sflag:s12], $0x80  }
0x3c: {  	[sflag:s12] =	ssyncset.done $0x0  }
0x3d: {  	[sflag:s12] =	ssyncadd.s32 $0xFFFFFF80  }
0x3e: {  	[tilespmem:s16], [sflag:$0x1] =	stream.indirect.gather [hbm4b:s4+s15], $0x80, s13, s15, $0xb8;
	[tilespmem:$0x18100] =	vst v63  }
0x3f: {  	_ =	swait.ge [sflag:s17], $0x4000  }
0x40: {  	[sflag:s17] =	ssyncset.done $0x0  }
0x41: {  	[sflag:s17] =	ssyncadd.s32 $0xFFFFC000  }
0x42: {  	[spmem:s2] =	stream.indirect.scatter.add.f32 [tilespmem:s16], [sflag:$0x2], $0x80, s14, s15, $0xb8;
	[tilespmem:$0x18100] =	vst v63  }
0x43: {  	_ =	swait.ge [sflag:s12], $0x4000  }
0x44: {  	s18 =	sadd.s32 $0x1, s18;
	[sflag:s12] =	ssyncset.done $0x0  }
0x45: {  	p0 =	sne.s32 s18, s8;
	[sflag:s12] =	ssyncadd.s32 $0xFFFFC000  }
.Ltmp1:
0x46: {  	[bflag:$0x0] =	sbarrier.arrive $0xFFFF;
	(pc) =	sbr.rel @p0 .LBB2_1-.Ltmp1, $4  }
0x47: {  	[hbm:s7], [sflag:s6] =	dma.local [spmem:s11], $0x2800  }
0x48: {  	_ =	swait.ge [sflag:s12], $0x2800  }
0x49: {  	[sflag:s12] =	ssyncset.done $0x0  }
0x4a: {  	[sflag:s12] =	ssyncadd.s32 $0xFFFFD800  }
0x4b: {  	_ =	sfence.sel $0x180000  }
0x4c: {  	[bflag:$0x0] =	sbarrier.arrive $0xFFFF  }
0x4d: {  	p0 =	sne.s32 s0, $0x0;
	_ =	strace $0x90000053  }
0x4e: {  	s0 =	sadd.s32 @!p0 $0x100000, s1;
	[bflag:$0x2] =	sbarrier.arrive $0xFFFF  }
0x4f: {  	[sflag:s0] =	ssyncadd.tile.s32 @!p0 $0x1;
	_ =	shalt  }
.Lfunc_end2:
_tile_overlayer_lowered:
.L_overlay_start_2:
0x50: {  	(tag) =	ssettag $0x2  }
0x51: {  	s0 =	rddreg [dreg:$0x0];
	s2 =	stileid.u32  }
0x52: {  	s1 =	rddreg [dreg:$0x1];
	p0 =	sne.s32 s2, $0x0  }
0x53: {  	s3 =	rddreg [dreg:$0x2];
	[bflag:$0x3] =	sbarrier.arrive $0xFFFF;
	s2 =	simm.s32 @!p0 $0x1C02  }
0x54: {  	[timem:s3], [sflag:s2] =	dma.local @!p0 [hbm:s0], s1  }
0x55: {  	s0 =	simm.s32 @!p0 $0x2  }
0x56: {  	_ =	swait.ge @!p0 [sflag:s0], s1  }
0x57: {  	s1 =	ssub.s32 @!p0 $0x0, s1;
	[sflag:s0] =	ssyncset.done @!p0 $0x0  }
0x58: {  	[sflag:s0] =	ssyncadd.s32 @!p0 s1  }
0x59: {  	[bflag:$0x3] =	sbarrier.arrive $0xFFFF  }
0x5a: {  	_ =	shalt  }

// kernel: kernel.29.cloned.1.call-start
scs
__scs_entry_jumppad:
0x0: {  	(pc) =	sbr.rel $0x88, $3  }
0x1: {  	(tag) =	ssettag $0x0;
	lr =	simm.s32 $0x1  }
0x2: {  	[smem:$0x3F88] =	sst lr;
	_ =	strace $0xD0000000  }
0x3: {  	_ = 	snop  }
0x4: {  	_ = 	snop  }
0x5: {  	_ = 	snop  }
0x6: {  	_ = 	snop  }
0x7: {  	_ = 	snop  }
__scs_overlays_trampoline_lowered:
0x8: {  	[smem:$0x3F97] =	sst s0  }
0x9: {  	[smem:$0x3F98] =	sst s1  }
0xa: {  	[smem:$0x3F99] =	sst s2  }
0xb: {  	[smem:$0x3F9A] =	sst s3  }
0xc: {  	[smem:$0x3F9B] =	sst s4  }
0xd: {  	[smem:$0x3F9C] =	sst s5  }
0xe: {  	[smem:$0x3F9D] =	sst s6  }
0xf: {  	[smem:$0x3F9E] =	sst s7  }
0x10: {  	[smem:$0x3F9F] =	sst s8  }
0x11: {  	[smem:$0x3FA0] =	sst s9;
	s0 =	simm.s32 @!p0 $0x0  }
0x12: {  	s1 =	sld [smem:$0x3F86];
	s0 =	simm.s32 @p0 $0x1  }
0x13: {  	[smem:$0x3FA1] =	sst s0;
	s0 =	simm.s32 @!p1 $0x0  }
0x14: {  	s2 =	sld [smem:$0x3F85];
	s0 =	simm.s32 @p1 $0x1  }
0x15: {  	[smem:$0x3FA2] =	sst s0;
	s0 =	simm.s32 @!p2 $0x0  }
0x16: {  	s3 =	sld [smem:$0x3FDB];
	s0 =	simm.s32 @p2 $0x1  }
0x17: {  	s4 =	simm.s32 $0x1BF5;
	[smem:$0x3FA4] =	sst s0  }
0x18: {  	s0 =	sld [smem:$0x3F87];
	_ =	swait.ge [sflag:s4], $0x0  }
0x19: {  	s7 =	sld [smem:$0x3F88]  }
0x1a: {  	s8 =	sadd.s32 $0xFFFFE003, lr  }
0x1b: {  	s9 =	sadd.s32 $0xFFFFFEF7, lr;
	s5 =	simm.s32 $0xFFFFFFFF;
	p2 =	slt.u32 s8, $0xFFFFF086  }
0x1c: {  	p1 =	slt.u32 s9, $0xF7A;
	s5 =	simm.s32 @!p2 $0x0  }
0x1d: {  	s5 =	simm.s32 @p1 $0x1;
	p0 =	seq.s32 s7, s2  }
0x1e: {  	s7 =	smul.u32 @!p0 $0xF7A, s2;
	p2 =	seq.s32 @!p0 s5, $0x0  }
0x1f: {  	s9 =	smul.u32 $0xF7A, s1;
	s8 =	simm.s32 @!p0 $0x1BF5;
	p2 =	por !p2, p0  }
0x20: {  	[sflag:s8] =	ssyncset.s32 @!p0 $0xFFFFF086;
	s6 =	sadd.s32 @!p0 s3, s7;
	s7 =	simm.s32 @!p0 $0x108  }
0x21: {  	s3 =	sadd.s32 s3, s9;
	s6 =	sadd.s32 @!p0 $0x88, s6;
	s7 =	simm.s32 @p2 $0x1082  }
0x22: {  	[simem:s7], [sflag:s8] =	dma.local @!p0 [hbm:s6], $0xF7A  }
0x23: {  	s9 =	sor.u32 $0xD0000000, s2;
	s6 =	simm.s32 $0x108;
	_ =	swait.ge @!p0 [sflag:s8], $0x0  }
0x24: {  	s3 =	sadd.s32 $0x88, s3;
	s6 =	simm.s32 @!p1 $0x1082;
	[sflag:s4] =	ssyncset.s32 $0xFFFFF086  }
0x25: {  	[simem:s6], [sflag:s4] =	dma.local [hbm:s3], $0xF7A  }
0x26: {  	[smem:$0x3F88] =	sst s1;
	(tag) =	ssettag s2;
	_ =	strace s9  }
0x27: {  	s1 =	sld [smem:$0x3F98]  }
0x28: {  	s2 =	sld [smem:$0x3F99]  }
0x29: {  	s4 =	sld [smem:$0x3F9B]  }
0x2a: {  	p0 =	seq.s32 s5, $0x0;
	s5 =	sld [smem:$0x3F9C]  }
0x2b: {  	s6 =	sld [smem:$0x3F9D]  }
0x2c: {  	s7 =	sld [smem:$0x3F9E]  }
0x2d: {  	s3 =	simm.s32 $0x108;
	s8 =	sld [smem:$0x3F9F]  }
0x2e: {  	s3 =	simm.s32 @!p0 $0x1082;
	s9 =	sld [smem:$0x3FA0]  }
0x2f: {  	lr =	sadd.s32 s0, s3;
	s0 =	sld [smem:$0x3F97]  }
0x30: {  	s3 =	sld [smem:$0x3F9A]  }
0x31: {  	[smem:$0x3FA3] =	sst s10  }
0x32: {  	s10 =	sld [smem:$0x3FA1];
	_ =	sdelay $0x3  }
0x33: {  	p0 =	seq.s32 s10, $0x1;
	s10 =	sld [smem:$0x3FA3];
	_ =	sdelay $0x3  }
0x34: {  	[smem:$0x3FA3] =	sst s10  }
0x35: {  	s10 =	sld [smem:$0x3FA2];
	_ =	sdelay $0x3  }
0x36: {  	p1 =	seq.s32 s10, $0x1;
	s10 =	sld [smem:$0x3FA3];
	_ =	sdelay $0x3  }
0x37: {  	[smem:$0x3FA3] =	sst s10  }
0x38: {  	s10 =	sld [smem:$0x3FA4]  }
0x39: {  	_ = 	snop;
	(pc) =	sbr.ind lr, $3  }
0x3a: {  	_ = 	snop  }
0x3b: {  	_ = 	snop  }
0x3c: {  	p2 =	seq.s32 s10, $0x1;
	s10 =	sld [smem:$0x3FA3]  }
0x3d: {  	_ =	shalt  }
0x3e: {  	_ =	shalt  }
0x3f: {  	_ =	shalt  }
0x40: {  	_ =	shalt  }
0x41: {  	_ =	shalt  }
0x42: {  	_ =	shalt  }
0x43: {  	_ =	shalt  }
0x44: {  	_ =	shalt  }
0x45: {  	_ =	shalt  }
0x46: {  	_ =	shalt  }
0x47: {  	_ =	shalt  }
0x48: {  	_ =	shalt  }
0x49: {  	_ =	shalt  }
0x4a: {  	_ =	shalt  }
0x4b: {  	_ =	shalt  }
0x4c: {  	_ =	shalt  }
0x4d: {  	_ =	shalt  }
0x4e: {  	_ =	shalt  }
0x4f: {  	_ =	shalt  }
0x50: {  	_ =	shalt  }
0x51: {  	_ =	shalt  }
0x52: {  	_ =	shalt  }
0x53: {  	_ =	shalt  }
0x54: {  	_ =	shalt  }
0x55: {  	_ =	shalt  }
0x56: {  	_ =	shalt  }
0x57: {  	_ =	shalt  }
0x58: {  	_ =	shalt  }
0x59: {  	_ =	shalt  }
0x5a: {  	_ =	shalt  }
0x5b: {  	_ =	shalt  }
0x5c: {  	_ =	shalt  }
0x5d: {  	_ =	shalt  }
0x5e: {  	_ =	shalt  }
0x5f: {  	_ =	shalt  }
0x60: {  	_ =	shalt  }
0x61: {  	_ =	shalt  }
0x62: {  	_ =	shalt  }
0x63: {  	_ =	shalt  }
0x64: {  	_ =	shalt  }
0x65: {  	_ =	shalt  }
0x66: {  	_ =	shalt  }
0x67: {  	_ =	shalt  }
0x68: {  	_ =	shalt  }
0x69: {  	_ =	shalt  }
0x6a: {  	_ =	shalt  }
0x6b: {  	_ =	shalt  }
0x6c: {  	_ =	shalt  }
0x6d: {  	_ =	shalt  }
0x6e: {  	_ =	shalt  }
0x6f: {  	_ =	shalt  }
0x70: {  	_ =	shalt  }
0x71: {  	_ =	shalt  }
0x72: {  	_ =	shalt  }
0x73: {  	_ =	shalt  }
0x74: {  	_ =	shalt  }
0x75: {  	_ =	shalt  }
0x76: {  	_ =	shalt  }
0x77: {  	_ =	shalt  }
0x78: {  	_ =	shalt  }
0x79: {  	_ =	shalt  }
0x7a: {  	_ =	shalt  }
0x7b: {  	_ =	shalt  }
0x7c: {  	_ =	shalt  }
0x7d: {  	_ =	shalt  }
0x7e: {  	_ =	shalt  }
0x7f: {  	_ =	shalt  }
0x80: {  	_ =	shalt  }
0x81: {  	_ =	shalt  }
0x82: {  	_ =	shalt  }
0x83: {  	_ =	shalt  }
0x84: {  	_ =	shalt  }
0x85: {  	_ =	shalt  }
0x86: {  	_ =	shalt  }
0x87: {  	_ =	shalt  }
.Lfunc_end0:
.L_simem_size_0:
called_computation.5_lowered:
.L_overlay_start_0:
0x88: {  	s2 =	sld [smem:$0x3FD9]  }
0x89: {  	s3 =	sld [smem:$0x3FFE];
	_ =	sdelay $0x1  }
0x8a: {  	s1 =	srdreg.scid  }
0x8b: {  	s0 =	sand.u32 $0x1, s1  }
0x8c: {  	s16 =	sshll.u32 s0, $0xA;
	s2 =	sadd.s32 s3, s2  }
0x8d: {  	s2 =	sadd.s32 s2, s16  }
0x8e: {  	[smem:$0x3FAF] =	sst s2  }
0x8f: {  	_ = 	snop  }
0x90: {  	(tm) =	ssettm $0x1  }
0x91: {  	s17 =	sld [smem:$0x3FFB];
	_ =	sdelay $0x3  }
0x92: {  	_ =	strace s17  }
0x93: {  	s2 =	sld [smem:$0x3FFC];
	_ =	sdelay $0x3  }
0x94: {  	_ =	strace s2  }
0x95: {  	s2 =	sld [smem:$0x3FFD];
	_ =	sdelay $0x3  }
0x96: {  	_ =	strace s2  }
0x97: {  	_ =	strace $0x8FFFFFFF  }
0x98: {  	s18 =	sld [smem:$0x3FDB];
	_ =	sdelay $0x1  }
0x99: {  	s19 =	simm.s32 $_scs_section_size  }
0x9a: {  	s4 =	simm.s32 $_size__tile_overlayer_lowered;
	s5 =	simm.s32 $_tile_overlayer_lowered  }
0x9b: {  	s22 =	simm.s32 $0x1BFF;
	s21 =	sshll.u32 s5, $0x1;
	s2 =	sadd.s32 s19, s18  }
0x9c: {  	s6 =	simm.s32 $0x0;
	s20 =	sshll.u32 s4, $0x1;
	s4 =	sadd.s32 s21, s2  }
0x9d: {  	[timem:s6], [sflag:s22] =	dma.local [hbm:s4], s20  }
0x9e: {  	_ =	swait.ge [sflag:s22], s20  }
0x9f: {  	s3 =	ssub.s32 $0x0, s20;
	[sflag:s22] =	ssyncset.done $0x0  }
0xa0: {  	[sflag:s22] =	ssyncadd.s32 s3;
	_ =	sdelay $0x1  }
0xa1: {  	s23 =	simm.s32 $0x1B8B  }
0xa2: {  	_ =	swait.ge [sflag:s23], $0x1  }
0xa3: {  	[sflag:s23] =	ssyncset.done $0x0  }
0xa4: {  	s25 =	simm.s32 $0x1B8E;
	s24 =	sld [smem:$0x3FFE];
	[sflag:s23] =	ssyncadd.s32 $0xFFFFFFFF  }
0xa5: {  	s26 =	simm.s32 $execute0_lowered;
	[smem:$0x3FD2] =	sst s25  }
0xa6: {  	s4 =	sshll.u32 s26, $0x1;
	_ =	strace $0x80000055;
	[dreg:$0x1] =	wrdreg $0xFFFFFFFF  }
0xa7: {  	s28 =	simm.s32 $_size_execute0_lowered;
	s2 =	sadd.s32 s2, s4;
	[dreg:$0x0] =	wrdreg $0x0  }
0xa8: {  	s4 =	sshll.u32 s28, $0x1;
	[dreg:$0x2] =	wrdreg s2  }
0xa9: {  	[dreg:$0x3] =	wrdreg s4  }
0xaa: {  	[dreg:$0x4] =	wrdreg $0xC0  }
0xab: {  	_ =	task [dreg:s6], $0x5FFFF  }
0xac: {  	[dreg:$0x1] =	wrdreg $0xFFFFFFFF  }
0xad: {  	[dreg:$0x0] =	wrdreg $0x60  }
0xae: {  	[dreg:$0x2] =	wrdreg s24  }
0xaf: {  	[dreg:$0x3] =	wrdreg $0x0  }
0xb0: {  	[dreg:$0x4] =	wrdreg $0x9  }
0xb1: {  	_ =	task.clear_ibuf [dreg:s6], $0x5FFFF;
	_ =	strace $0x90000055  }
0xb2: {  	s29 =	simm.s32 $0x9;
	_ =	strace $0x80000057  }
0xb3: {  	_ =	swait.ge [sflag:s29], $0x1  }
0xb4: {  	[sflag:s29] =	ssyncadd.s32 $0xFFFFFFFF  }
0xb5: {  	_ =	strace $0x90000057  }
0xb6: {  	_ =	sfence  }
0xb7: {  	s30 =	sld [smem:$0x0];
	_ =	sdelay $0x2  }
0xb8: {  	s31 =	sshll.u32 s1, $0xD;
	s1 =	sshrl.u32 s1, $0x2  }
0xb9: {  	s3 =	sand.u32 $0x4000, s31;
	s1 =	sadd.s32 s1, s30  }
0xba: {  	s0 =	sor.u32 s3, s0;
	s1 =	sshll.u32 s1, $0x11  }
0xbb: {  	s0 =	sor.u32 s1, s0  }
0xbc: {  	s0 =	sadd.s32 $0x8F2B, s0  }
0xbd: {  	[sflag:s0] =	ssyncadd.remote.s32 $0x1  }
0xbe: {  	_ =	sfence.sel $0xFFFF  }
0xbf: {  	[dreg:$0x0] =	wrdreg $0xFFFFFFFF;
	(pc) =	sbr.abs _section_cstart, $3  }
0xc0: {  	[dreg:$0x1] =	wrdreg $0xFFFFFFFF  }
0xc1: {  	_ =	task.clear_ibuf [dreg:s6], $0x2FFFF;
	_ =	strace $0x9FFFFFFF  }
0xc2: {  	(tm) =	ssettm $0x7FFFFFFF  }
0xc3: {  	_ =	shalt  }
tec
execute0_lowered:
.L_overlay_start_1:
0x0: {  	(tag) =	ssettag $0x1  }
0x1: {  	s21 =	rddreg [dreg:$0x0]  }
0x2: {  	s2 =	rddreg [dreg:$0x1]  }
0x3: {  	s0 =	rddreg [dreg:$0x2]  }
0x4: {  	s3 =	simm.s32 $0x0;
	s4 =	srdreg.scid;
	s1 =	stileid.u32  }
0x5: {  	[smem:$0x7FF] =	sst s3;
	s22 =	sand.u32 $0x1, s4;
	s10 =	smul.u32 $0x280, s1  }
0x6: {  	s5 =	sshll.u32 s1, $0xB;
	s4 =	sadd.s32 $0x73400, s21;
	s29 =	sshll.u32 s1, $0x6  }
0x7: {  	_ =	strace $0x80000056;
	s8 =	smul.u32 $0x2800, s22;
	s6 =	sadd.s32 s5, s2  }
0x8: {  	s5 =	sor.u32 $0x1C01, s29;
	s7 =	sshrl.u32 s6, $0x3;
	s6 =	simm.s32 $0x1  }
0x9: {  	[spmem:s7], [sflag:s5] =	dma.local [hbm:s4], $0x100  }
0xa: {  	s8 =	sadd.s32 s8, s10;
	_ =	swait.ge [sflag:s6], $0x100  }
0xb: {  	s8 =	sshll.u32 s8, $0x4;
	[sflag:s6] =	ssyncset.done $0x0  }
0xc: {  	s19 =	sadd.s32 s8, s21;
	[sflag:s6] =	ssyncadd.s32 $0xFFFFFF00  }
0xd: {  	s9 =	simm.s32 $0x880;
	s8 =	sadd.s32 $0xD0600, s19;
	[bflag:$0x0] =	sbarrier.arrive $0xFFFF  }
0xe: {  	[tilespmem:s9], [sflag:$0x1] =	stream.linear.gather [hbm4b:s8+s3], $0x4000, $0x38;
	[tilespmem:$0x4880] =	vst v63  }
0xf: {  	s10 =	sshrl.u32 s10, $0x3;
	_ =	swait.ge [sflag:s6], $0x4000  }
0x10: {  	s20 =	sadd.s32 s10, s21;
	[sflag:s6] =	ssyncset.done $0x0  }
0x11: {  	s11 =	simm.s32 $0x800;
	s10 =	sadd.s32 $0xD0000, s20;
	[sflag:s6] =	ssyncadd.s32 $0xFFFFC000  }
0x12: {  	[tilespmem:s11], [sflag:$0x1] =	stream.linear.gather [hbm4b:s10+s3], $0x80, $0x38;
	[tilespmem:$0x4880] =	vst v63  }
0x13: {  	_ =	swait.ge [sflag:s6], $0x80  }
0x14: {  	[sflag:s6] =	ssyncset.done $0x0  }
0x15: {  	s12 =	simm.s32 $0x80;
	[sflag:s6] =	ssyncadd.s32 $0xFFFFFF80  }
0x16: {  	[spmem:s2] =	stream.indirect.scatter.add.f32 [tilespmem:s9], [sflag:$0x1], $0x80, s11, s12, $0xb8;
	[tilespmem:$0x4880] =	vst v63  }
0x17: {  	_ =	swait.ge [sflag:s6], $0x4000  }
0x18: {  	[sflag:s6] =	ssyncset.done $0x0  }
0x19: {  	s13 =	sadd.s32 $0xD0E00, s19;
	[sflag:s6] =	ssyncadd.s32 $0xFFFFC000  }
0x1a: {  	[tilespmem:s9], [sflag:$0x1] =	stream.linear.gather [hbm4b:s13+s3], $0x4000, $0x38;
	[tilespmem:$0x4880] =	vst v63  }
0x1b: {  	_ =	swait.ge [sflag:s6], $0x4000  }
0x1c: {  	[sflag:s6] =	ssyncset.done $0x0  }
0x1d: {  	s14 =	sadd.s32 $0xD0010, s20;
	[sflag:s6] =	ssyncadd.s32 $0xFFFFC000  }
0x1e: {  	[tilespmem:s11], [sflag:$0x1] =	stream.linear.gather [hbm4b:s14+s3], $0x80, $0x38;
	[tilespmem:$0x4880] =	vst v63  }
0x1f: {  	_ =	swait.ge [sflag:s6], $0x80  }
0x20: {  	[sflag:s6] =	ssyncset.done $0x0  }
0x21: {  	[sflag:s6] =	ssyncadd.s32 $0xFFFFFF80  }
0x22: {  	[spmem:s2] =	stream.indirect.scatter.add.f32 [tilespmem:s9], [sflag:$0x1], $0x80, s11, s12, $0xb8;
	[tilespmem:$0x4880] =	vst v63  }
0x23: {  	_ =	swait.ge [sflag:s6], $0x4000  }
0x24: {  	[sflag:s6] =	ssyncset.done $0x0  }
0x25: {  	s15 =	sadd.s32 $0xD1600, s19;
	[sflag:s6] =	ssyncadd.s32 $0xFFFFC000  }
0x26: {  	[tilespmem:s9], [sflag:$0x1] =	stream.linear.gather [hbm4b:s15+s3], $0x4000, $0x38;
	[tilespmem:$0x4880] =	vst v63  }
0x27: {  	_ =	swait.ge [sflag:s6], $0x4000  }
0x28: {  	[sflag:s6] =	ssyncset.done $0x0  }
0x29: {  	s16 =	sadd.s32 $0xD0020, s20;
	[sflag:s6] =	ssyncadd.s32 $0xFFFFC000  }
0x2a: {  	[tilespmem:s11], [sflag:$0x1] =	stream.linear.gather [hbm4b:s16+s3], $0x80, $0x38;
	[tilespmem:$0x4880] =	vst v63  }
0x2b: {  	_ =	swait.ge [sflag:s6], $0x80  }
0x2c: {  	[sflag:s6] =	ssyncset.done $0x0  }
0x2d: {  	[sflag:s6] =	ssyncadd.s32 $0xFFFFFF80  }
0x2e: {  	[spmem:s2] =	stream.indirect.scatter.add.f32 [tilespmem:s9], [sflag:$0x1], $0x80, s11, s12, $0xb8;
	[tilespmem:$0x4880] =	vst v63  }
0x2f: {  	_ =	swait.ge [sflag:s6], $0x4000  }
0x30: {  	[sflag:s6] =	ssyncset.done $0x0  }
0x31: {  	s17 =	sadd.s32 $0xD1E00, s19;
	[sflag:s6] =	ssyncadd.s32 $0xFFFFC000  }
0x32: {  	[tilespmem:s9], [sflag:$0x1] =	stream.linear.gather [hbm4b:s17+s3], $0x4000, $0x38;
	[tilespmem:$0x4880] =	vst v63  }
0x33: {  	_ =	swait.ge [sflag:s6], $0x4000  }
0x34: {  	[sflag:s6] =	ssyncset.done $0x0  }
0x35: {  	s18 =	sadd.s32 $0xD0030, s20;
	[sflag:s6] =	ssyncadd.s32 $0xFFFFC000  }
0x36: {  	[tilespmem:s11], [sflag:$0x1] =	stream.linear.gather [hbm4b:s18+s3], $0x80, $0x38;
	[tilespmem:$0x4880] =	vst v63  }
0x37: {  	_ =	swait.ge [sflag:s6], $0x80  }
0x38: {  	[sflag:s6] =	ssyncset.done $0x0  }
0x39: {  	[sflag:s6] =	ssyncadd.s32 $0xFFFFFF80  }
0x3a: {  	[spmem:s2] =	stream.indirect.scatter.add.f32 [tilespmem:s9], [sflag:$0x1], $0x80, s11, s12, $0xb8;
	[tilespmem:$0x4880] =	vst v63  }
0x3b: {  	_ =	swait.ge [sflag:s6], $0x4000  }
0x3c: {  	[sflag:s6] =	ssyncset.done $0x0  }
0x3d: {  	s19 =	sadd.s32 $0xD2600, s19;
	[sflag:s6] =	ssyncadd.s32 $0xFFFFC000  }
0x3e: {  	[tilespmem:s9], [sflag:$0x1] =	stream.linear.gather [hbm4b:s19+s3], $0x4000, $0x38;
	[tilespmem:$0x4880] =	vst v63  }
0x3f: {  	_ =	swait.ge [sflag:s6], $0x4000  }
0x40: {  	[sflag:s6] =	ssyncset.done $0x0  }
0x41: {  	s20 =	sadd.s32 $0xD0040, s20;
	[sflag:s6] =	ssyncadd.s32 $0xFFFFC000  }
0x42: {  	[tilespmem:s11], [sflag:$0x1] =	stream.linear.gather [hbm4b:s20+s3], $0x80, $0x38;
	[tilespmem:$0x4880] =	vst v63  }
0x43: {  	s30 =	ssub.s32 $0x2, s22;
	_ =	swait.ge [sflag:s6], $0x80  }
0x44: {  	s23 =	sshll.u32 s1, $0x8;
	s24 =	sshrl.u32 s30, $0x1;
	[sflag:s6] =	ssyncset.done $0x0  }
0x45: {  	s21 =	sadd.s32 s23, s21;
	s23 =	ssub.s32 s30, s24;
	[sflag:s6] =	ssyncadd.s32 $0xFFFFFF80  }
0x46: {  	[spmem:s2] =	stream.indirect.scatter.add.f32 [tilespmem:s9], [sflag:$0x1], $0x80, s11, s12, $0xb8;
	[tilespmem:$0x4880] =	vst v63  }
0x47: {  	s31 =	smax.u32 s23, $0x1;
	_ =	swait.ge [sflag:s6], $0x4000  }
0x48: {  	s22 =	sshll.u32 s22, $0xC;
	p0 =	sne.s32 s31, $0x1;
	[sflag:s6] =	ssyncset.done $0x0  }
.Ltmp0:
0x49: {  	s21 =	sadd.s32 s22, s21;
	[sflag:s6] =	ssyncadd.s32 $0xFFFFC000;
	(pc) =	sbr.rel @!p0 .LBB2_2-.Ltmp0, $4  }
0x4a: {  	s21 =	sadd.s32 $0x75C00, s21;
	[bflag:$0x0] =	sbarrier.arrive $0xFFFF  }
0x4b: {  	[hbm:s21], [sflag:s5] =	dma.local [spmem:s7], $0x100  }
0x4c: {  	_ =	swait.ge [sflag:s6], $0x100  }
0x4d: {  	s22 =	sadd.s32 $0xFFFFFFFF, s31;
	[sflag:s6] =	ssyncset.done $0x0  }
.LBB2_1:
0x4e: {  	p0 =	sne.s32 s22, $0x1;
	s22 =	sadd.s32 $0xFFFFFFFF, s22;
	[sflag:s6] =	ssyncadd.s32 $0xFFFFFF00  }
0x4f: {  	[spmem:s7], [sflag:s5] =	dma.local [hbm:s4], $0x100  }
0x50: {  	_ =	swait.ge [sflag:s6], $0x100  }
0x51: {  	[sflag:s6] =	ssyncset.done $0x0  }
0x52: {  	[sflag:s6] =	ssyncadd.s32 $0xFFFFFF00  }
0x53: {  	[bflag:$0x0] =	sbarrier.arrive $0xFFFF  }
0x54: {  	[tilespmem:s9], [sflag:$0x1] =	stream.linear.gather [hbm4b:s8+s3], $0x4000, $0x38;
	[tilespmem:$0x4880] =	vst v63  }
0x55: {  	_ =	swait.ge [sflag:s6], $0x4000  }
0x56: {  	[sflag:s6] =	ssyncset.done $0x0  }
0x57: {  	[sflag:s6] =	ssyncadd.s32 $0xFFFFC000  }
0x58: {  	[tilespmem:s11], [sflag:$0x1] =	stream.linear.gather [hbm4b:s10+s3], $0x80, $0x38;
	[tilespmem:$0x4880] =	vst v63  }
0x59: {  	_ =	swait.ge [sflag:s6], $0x80  }
0x5a: {  	[sflag:s6] =	ssyncset.done $0x0  }
0x5b: {  	[sflag:s6] =	ssyncadd.s32 $0xFFFFFF80  }
0x5c: {  	[spmem:s2] =	stream.indirect.scatter.add.f32 [tilespmem:s9], [sflag:$0x1], $0x80, s11, s12, $0xb8;
	[tilespmem:$0x4880] =	vst v63  }
0x5d: {  	_ =	swait.ge [sflag:s6], $0x4000  }
0x5e: {  	[sflag:s6] =	ssyncset.done $0x0  }
0x5f: {  	[sflag:s6] =	ssyncadd.s32 $0xFFFFC000  }
0x60: {  	[tilespmem:s9], [sflag:$0x1] =	stream.linear.gather [hbm4b:s13+s3], $0x4000, $0x38;
	[tilespmem:$0x4880] =	vst v63  }
0x61: {  	_ =	swait.ge [sflag:s6], $0x4000  }
0x62: {  	[sflag:s6] =	ssyncset.done $0x0  }
0x63: {  	[sflag:s6] =	ssyncadd.s32 $0xFFFFC000  }
0x64: {  	[tilespmem:s11], [sflag:$0x1] =	stream.linear.gather [hbm4b:s14+s3], $0x80, $0x38;
	[tilespmem:$0x4880] =	vst v63  }
0x65: {  	_ =	swait.ge [sflag:s6], $0x80  }
0x66: {  	[sflag:s6] =	ssyncset.done $0x0  }
0x67: {  	[sflag:s6] =	ssyncadd.s32 $0xFFFFFF80  }
0x68: {  	[spmem:s2] =	stream.indirect.scatter.add.f32 [tilespmem:s9], [sflag:$0x1], $0x80, s11, s12, $0xb8;
	[tilespmem:$0x4880] =	vst v63  }
0x69: {  	_ =	swait.ge [sflag:s6], $0x4000  }
0x6a: {  	[sflag:s6] =	ssyncset.done $0x0  }
0x6b: {  	[sflag:s6] =	ssyncadd.s32 $0xFFFFC000  }
0x6c: {  	[tilespmem:s9], [sflag:$0x1] =	stream.linear.gather [hbm4b:s15+s3], $0x4000, $0x38;
	[tilespmem:$0x4880] =	vst v63  }
0x6d: {  	_ =	swait.ge [sflag:s6], $0x4000  }
0x6e: {  	[sflag:s6] =	ssyncset.done $0x0  }
0x6f: {  	[sflag:s6] =	ssyncadd.s32 $0xFFFFC000  }
0x70: {  	[tilespmem:s11], [sflag:$0x1] =	stream.linear.gather [hbm4b:s16+s3], $0x80, $0x38;
	[tilespmem:$0x4880] =	vst v63  }
0x71: {  	_ =	swait.ge [sflag:s6], $0x80  }
0x72: {  	[sflag:s6] =	ssyncset.done $0x0  }
0x73: {  	[sflag:s6] =	ssyncadd.s32 $0xFFFFFF80  }
0x74: {  	[spmem:s2] =	stream.indirect.scatter.add.f32 [tilespmem:s9], [sflag:$0x1], $0x80, s11, s12, $0xb8;
	[tilespmem:$0x4880] =	vst v63  }
0x75: {  	_ =	swait.ge [sflag:s6], $0x4000  }
0x76: {  	[sflag:s6] =	ssyncset.done $0x0  }
0x77: {  	[sflag:s6] =	ssyncadd.s32 $0xFFFFC000  }
0x78: {  	[tilespmem:s9], [sflag:$0x1] =	stream.linear.gather [hbm4b:s17+s3], $0x4000, $0x38;
	[tilespmem:$0x4880] =	vst v63  }
0x79: {  	_ =	swait.ge [sflag:s6], $0x4000  }
0x7a: {  	[sflag:s6] =	ssyncset.done $0x0  }
0x7b: {  	[sflag:s6] =	ssyncadd.s32 $0xFFFFC000  }
0x7c: {  	[tilespmem:s11], [sflag:$0x1] =	stream.linear.gather [hbm4b:s18+s3], $0x80, $0x38;
	[tilespmem:$0x4880] =	vst v63  }
0x7d: {  	_ =	swait.ge [sflag:s6], $0x80  }
0x7e: {  	[sflag:s6] =	ssyncset.done $0x0  }
0x7f: {  	[sflag:s6] =	ssyncadd.s32 $0xFFFFFF80  }
0x80: {  	[spmem:s2] =	stream.indirect.scatter.add.f32 [tilespmem:s9], [sflag:$0x1], $0x80, s11, s12, $0xb8;
	[tilespmem:$0x4880] =	vst v63  }
0x81: {  	_ =	swait.ge [sflag:s6], $0x4000  }
0x82: {  	[sflag:s6] =	ssyncset.done $0x0  }
0x83: {  	[sflag:s6] =	ssyncadd.s32 $0xFFFFC000  }
0x84: {  	[tilespmem:s9], [sflag:$0x1] =	stream.linear.gather [hbm4b:s19+s3], $0x4000, $0x38;
	[tilespmem:$0x4880] =	vst v63  }
0x85: {  	_ =	swait.ge [sflag:s6], $0x4000  }
0x86: {  	[sflag:s6] =	ssyncset.done $0x0  }
0x87: {  	[sflag:s6] =	ssyncadd.s32 $0xFFFFC000  }
0x88: {  	[tilespmem:s11], [sflag:$0x1] =	stream.linear.gather [hbm4b:s20+s3], $0x80, $0x38;
	[tilespmem:$0x4880] =	vst v63  }
0x89: {  	_ =	swait.ge [sflag:s6], $0x80  }
0x8a: {  	[sflag:s6] =	ssyncset.done $0x0  }
0x8b: {  	[sflag:s6] =	ssyncadd.s32 $0xFFFFFF80  }
0x8c: {  	[spmem:s2] =	stream.indirect.scatter.add.f32 [tilespmem:s9], [sflag:$0x1], $0x80, s11, s12, $0xb8;
	[tilespmem:$0x4880] =	vst v63  }
0x8d: {  	_ =	swait.ge [sflag:s6], $0x4000  }
0x8e: {  	[sflag:s6] =	ssyncset.done $0x0  }
.Ltmp1:
0x8f: {  	[sflag:s6] =	ssyncadd.s32 $0xFFFFC000;
	(pc) =	sbr.rel @p0 .LBB2_1-.Ltmp1, $4  }
0x90: {  	[bflag:$0x0] =	sbarrier.arrive $0xFFFF  }
0x91: {  	[hbm:s21], [sflag:s5] =	dma.local [spmem:s7], $0x100  }
0x92: {  	_ =	swait.ge [sflag:s6], $0x100  }
0x93: {  	[sflag:s6] =	ssyncset.done $0x0  }
.LBB2_2:
0x94: {  	[sflag:s6] =	ssyncadd.s32 $0xFFFFFF00  }
0x95: {  	_ =	sfence.sel $0x180000  }
0x96: {  	[bflag:$0x0] =	sbarrier.arrive $0xFFFF  }
0x97: {  	p0 =	sne.s32 s1, $0x0;
	_ =	strace $0x90000056  }
0x98: {  	s0 =	sadd.s32 @!p0 $0x100000, s0;
	[bflag:$0x2] =	sbarrier.arrive $0xFFFF  }
0x99: {  	[sflag:s0] =	ssyncadd.tile.s32 @!p0 $0x1;
	_ =	shalt  }
.Lfunc_end2:
_tile_overlayer_lowered:
.L_overlay_start_2:
0x9a: {  	(tag) =	ssettag $0x2  }
0x9b: {  	s0 =	rddreg [dreg:$0x0];
	s2 =	stileid.u32  }
0x9c: {  	s1 =	rddreg [dreg:$0x1];
	p0 =	sne.s32 s2, $0x0  }
0x9d: {  	s3 =	rddreg [dreg:$0x2];
	[bflag:$0x3] =	sbarrier.arrive $0xFFFF;
	s2 =	simm.s32 @!p0 $0x1C01  }
0x9e: {  	[timem:s3], [sflag:s2] =	dma.local @!p0 [hbm:s0], s1  }
0x9f: {  	s0 =	simm.s32 @!p0 $0x1  }
0xa0: {  	_ =	swait.ge @!p0 [sflag:s0], s1  }
0xa1: {  	s1 =	ssub.s32 @!p0 $0x0, s1;
	[sflag:s0] =	ssyncset.done @!p0 $0x0  }
0xa2: {  	[sflag:s0] =	ssyncadd.s32 @!p0 s1  }
0xa3: {  	[bflag:$0x3] =	sbarrier.arrive $0xFFFF  }
0xa4: {  	_ =	shalt  }

</sc_bundles>
